<compile_context>
chip_gen: v7x
topology: tpu7x:2x2x1
jax: 0.10.2.dev20260603
libtpu: 0.0.44.dev20260713+nightly
codegen_flags: <defaults>
</compile_context>

<pallas_src>
import jax
import jax.numpy as jnp
from jax import lax
from jax.experimental import pallas as pl
from jax.experimental.pallas import tpu as pltpu
from jax.experimental.pallas import tpu_sc as plsc

NC, NS = 2, 16
NW = NC * NS
B, LS, LL = 4096, 200, 50
NSEG = B * LS
NLINK = B * LL
SEG_PER_W = NSEG // NW
EXT_PER_W = B // NW
CSEG = 1024
NSTR = CSEG // 128
SEG_CHUNKS = SEG_PER_W // CSEG


def _take16(vec, idx):
    return vec.at[idx].get(mode="promise_in_bounds")


def _i16(c):
    return jnp.full((16,), c, jnp.int32)


def _body(weekID, timeID, driverID, seg_idx,
          if0, if1, if2, if3, ff0, ff1, ff2, ff3,
          cross_idx, delay,
          Wsmall, Wtime, Wdrv, Wseg, Wcross,
          ext_out, seg_out, link_out,
          t_small,
          widx, tidx, didx, etm, edr, pe,
          sidx, sib, gb, pb,
          lidx, gl, lb,
          sem, isem, gsem, csem, osem):
    wid = lax.axis_index("s") * NC + lax.axis_index("c")
    iota16 = lax.iota(jnp.int32, 16)
    ffs = (ff0, ff1, ff2, ff3)
    ifs = (if0, if1, if2, if3)

    pltpu.sync_copy(Wsmall, t_small)
    tcol = [t_small[k, :] for k in range(11)]

    ebase = wid * EXT_PER_W
    pltpu.sync_copy(weekID.at[pl.ds(ebase, EXT_PER_W)], widx)
    pltpu.sync_copy(timeID.at[pl.ds(ebase, EXT_PER_W)], tidx)
    pltpu.sync_copy(driverID.at[pl.ds(ebase, EXT_PER_W)], didx)
    ecps = [
        pltpu.async_copy(Wtime.at[tidx], etm, sem),
        pltpu.async_copy(Wdrv.at[didx], edr, sem),
    ]
    for c in ecps:
        c.wait()

    def ext_grp(g, c2):
        off = g * 16
        wk = widx[pl.ds(off, 16)]
        for c in range(3):
            pe[c, pl.ds(off, 16)] = _take16(tcol[8 + c], wk)
        for r in range(16):
            col = jnp.full((16,), off + r, jnp.int32)
            plsc.store_scatter(pe, [3 + iota16, col], etm[off + r, :])
            plsc.store_scatter(pe, [8 + iota16, col], edr[off + r, :])
        return c2

    lax.fori_loop(0, EXT_PER_W // 16, ext_grp, 0)

    def ext_out_fire(c, c2):
        pltpu.async_copy(pe.at[c], ext_out.at[c, pl.ds(ebase, EXT_PER_W)],
                         sem)
        return c2

    def ext_out_drain(c, c2):
        pltpu.make_async_copy(pe.at[0], ext_out.at[0, pl.ds(0, EXT_PER_W)],
                              sem).wait()
        return c2

    lax.fori_loop(0, 24, ext_out_fire, 0)
    lax.fori_loop(0, 24, ext_out_drain, 0)

    def fire_inputs(i, o):
        q1 = wid * SEG_PER_W + i * CSEG
        pltpu.async_copy(seg_idx.at[pl.ds(q1, CSEG)], sidx.at[o], isem.at[o])
        for t in range(4):
            pltpu.async_copy(ifs[t].at[pl.ds(q1, CSEG)], sib.at[o, t],
                             isem.at[o])

    def drain_inputs(o):
        pltpu.make_async_copy(seg_idx.at[pl.ds(0, CSEG)], sidx.at[o],
                              isem.at[o]).wait()
        for t in range(4):
            pltpu.make_async_copy(ifs[t].at[pl.ds(0, CSEG)], sib.at[o, t],
                                  isem.at[o]).wait()

    def fire_gathers(o):
        def fg(j, c2):
            pltpu.async_copy(Wseg.at[sidx.at[o, pl.ds(j * 128, 128)]],
                             gb.at[o, pl.ds(j * 128, 128)], gsem.at[o])
            return c2
        lax.fori_loop(0, NSTR, fg, 0)

    def drain_gathers(s):
        def dg(j, c2):
            pltpu.make_async_copy(Wseg.at[pl.ds(0, 128)],
                                  gb.at[s, pl.ds(0, 128)], gsem.at[s]).wait()
            return c2
        lax.fori_loop(0, NSTR, dg, 0)

    q00 = wid * SEG_PER_W
    pltpu.sync_copy(seg_idx.at[pl.ds(q00, CSEG)], sidx.at[0])
    for t in range(4):
        pltpu.sync_copy(ifs[t].at[pl.ds(q00, CSEG)], sib.at[0, t])
    fire_gathers(0)

    def chunk(i, carry):
        s = i % 2
        o = 1 - s
        q0 = wid * SEG_PER_W + i * CSEG

        @pl.when(i >= 2)
        def _():
            def od(c, c2):
                pltpu.make_async_copy(pb.at[0, 0],
                                      seg_out.at[0, pl.ds(0, CSEG)],
                                      osem.at[s]).wait()
                return c2
            lax.fori_loop(0, 28, od, 0)

        for f in range(4):
            pltpu.async_copy(ffs[f].at[pl.ds(q0, CSEG)], pb.at[s, 24 + f],
                             csem.at[s])

        @pl.when(i < SEG_CHUNKS - 1)
        def _():
            fire_inputs(i + 1, o)

        def grp_small(g, c2):
            off = g * 16
            for t in range(4):
                idx = sib[s, t, pl.ds(off, 16)]
                for c in range(2):
                    pb[s, 16 + 2 * t + c, pl.ds(off, 16)] = _take16(
                        tcol[2 * t + c], idx)
            return c2

        lax.fori_loop(0, CSEG // 16, grp_small, 0)
        drain_gathers(s)

        def grp_tr(g, c2):
            off = g * 16
            for r in range(16):
                plsc.store_scatter(
                    pb.at[s], [iota16, jnp.full((16,), off + r, jnp.int32)],
                    gb[s, off + r, :])
            return c2

        lax.fori_loop(0, CSEG // 16, grp_tr, 0)

        def cd(f, c2):
            pltpu.make_async_copy(ffs[0].at[pl.ds(0, CSEG)], pb.at[s, 24],
                                  csem.at[s]).wait()
            return c2

        lax.fori_loop(0, 4, cd, 0)

        def of(c, c2):
            pltpu.async_copy(pb.at[s, c], seg_out.at[c, pl.ds(q0, CSEG)],
                             osem.at[s])
            return c2

        lax.fori_loop(0, 28, of, 0)

        @pl.when(i < SEG_CHUNKS - 1)
        def _():
            drain_inputs(o)
            fire_gathers(o)

        return carry

    lax.fori_loop(0, SEG_CHUNKS, chunk, 0)

    def final_drain(c, c2):
        pltpu.make_async_copy(pb.at[0, 0], seg_out.at[0, pl.ds(0, CSEG)],
                              osem.at[0]).wait()
        pltpu.make_async_copy(pb.at[1, 0], seg_out.at[0, pl.ds(0, CSEG)],
                              osem.at[1]).wait()
        return c2

    lax.fori_loop(0, 28, final_drain, 0)

    bbase = wid * EXT_PER_W

    def link_l(l, carry):
        q0 = l * B + bbase
        pltpu.sync_copy(cross_idx.at[pl.ds(q0, EXT_PER_W)], lidx)
        cp = pltpu.async_copy(Wcross.at[lidx], gl, sem)
        cp.wait()

        def grp(g, c2):
            off = g * 16
            for r in range(16):
                plsc.store_scatter(
                    lb, [iota16, jnp.full((16,), off + r, jnp.int32)],
                    gl[off + r, :])
            return c2

        lax.fori_loop(0, EXT_PER_W // 16, grp, 0)
        dcp = pltpu.async_copy(delay.at[pl.ds(q0, EXT_PER_W)],
                               lb.at[15], sem)
        dcp.wait()

        def lf(c, c2):
            pltpu.async_copy(
                lb.at[c], link_out.at[l * 16 + c, pl.ds(bbase, EXT_PER_W)],
                sem)
            return c2

        def ld(c, c2):
            pltpu.make_async_copy(lb.at[0],
                                  link_out.at[0, pl.ds(0, EXT_PER_W)],
                                  sem).wait()
            return c2

        lax.fori_loop(0, 16, lf, 0)
        lax.fori_loop(0, 16, ld, 0)
        return carry

    lax.fori_loop(0, LL, link_l, 0)


@jax.jit
def _run(weekID, timeID, driverID, seg_idx,
         if0, if1, if2, if3, ff0, ff1, ff2, ff3,
         cross_idx, delay, Wsmall, Wtime, Wdrv, Wseg, Wcross):
    mesh = plsc.VectorSubcoreMesh(core_axis_name="c", subcore_axis_name="s",
                                  num_cores=NC, num_subcores=NS)
    f = pl.kernel(
        _body,
        out_type=(
            jax.ShapeDtypeStruct((24, B), jnp.float32),
            jax.ShapeDtypeStruct((28, NSEG), jnp.float32),
            jax.ShapeDtypeStruct((LL * 16, B), jnp.float32),
        ),
        mesh=mesh,
        compiler_params=pltpu.CompilerParams(needs_layout_passes=False,
                                             use_tc_tiling_on_sc=False),
        scratch_types=[
            pltpu.VMEM((11, 16), jnp.float32),
            pltpu.VMEM((EXT_PER_W,), jnp.int32),
            pltpu.VMEM((EXT_PER_W,), jnp.int32),
            pltpu.VMEM((EXT_PER_W,), jnp.int32),
            pltpu.VMEM((EXT_PER_W, 16), jnp.float32),
            pltpu.VMEM((EXT_PER_W, 16), jnp.float32),
            pltpu.VMEM((24, EXT_PER_W), jnp.float32),
            pltpu.VMEM((2, CSEG), jnp.int32),
            pltpu.VMEM((2, 4, CSEG), jnp.int32),
            pltpu.VMEM((2, CSEG, 16), jnp.float32),
            pltpu.VMEM((2, 28, CSEG), jnp.float32),
            pltpu.VMEM((EXT_PER_W,), jnp.int32),
            pltpu.VMEM((EXT_PER_W, 16), jnp.float32),
            pltpu.VMEM((16, EXT_PER_W), jnp.float32),
            pltpu.SemaphoreType.DMA,
            pltpu.SemaphoreType.DMA((2,)),
            pltpu.SemaphoreType.DMA((2,)),
            pltpu.SemaphoreType.DMA((2,)),
            pltpu.SemaphoreType.DMA((2,)),
        ],
    )
    return f(weekID, timeID, driverID, seg_idx, if0, if1, if2, if3,
             ff0, ff1, ff2, ff3, cross_idx, delay,
             Wsmall, Wtime, Wdrv, Wseg, Wcross)


def kernel(weekID, timeID, driverID, segID, segment_functional_level,
           roadState, laneNum, roadLevel, wid, speedLimit, time, len,
           crossID, delayTime, W_weekID, W_timeID, W_driverID, W_segID,
           W_segment_functional_level, W_roadState, W_laneNum, W_roadLevel,
           W_crossID):
    def qv(x):
        return x.T.reshape(-1)

    def padcols(w):
        n, d = w.shape
        wp = jnp.pad(w, ((0, 16 - n), (0, 0)))
        return [wp[:, c] for c in range(d)]

    Wsmall = jnp.stack(
        padcols(W_segment_functional_level) + padcols(W_roadState)
        + padcols(W_laneNum) + padcols(W_roadLevel)
        + padcols(W_weekID))

    def rowmajor(w):
        return lax.optimization_barrier(w.reshape(-1)).reshape(w.shape)

    ext_t, seg_t, link_t = _run(
        weekID.astype(jnp.int32), timeID.astype(jnp.int32),
        driverID.astype(jnp.int32), qv(segID.astype(jnp.int32)),
        qv(segment_functional_level.astype(jnp.int32)),
        qv(roadState.astype(jnp.int32)), qv(laneNum.astype(jnp.int32)),
        qv(roadLevel.astype(jnp.int32)),
        qv(wid), qv(speedLimit), qv(time), qv(len),
        qv(crossID.astype(jnp.int32)), qv(delayTime),
        Wsmall, jnp.pad(W_timeID, ((0, 0), (0, 11))), rowmajor(W_driverID),
        rowmajor(W_segID), jnp.pad(W_crossID, ((0, 0), (0, 1))))

    ext = ext_t.T
    seg = seg_t.reshape(28, LS, B).transpose(2, 1, 0)
    link = link_t.reshape(LL, 16, B).transpose(2, 0, 1)
    return ext, seg, link

# --- scband reference (transcript-rebuilt; emitter-appended) ---
"""Pipeline reference for scband-attr-79654463472085 (READ-ONLY COPY).

The authoritative reference and input builder live on the scoring server;
editing this copy changes nothing except your own understanding.
"""

import jax, jax.numpy as jnp
import numpy as np

EXT_CATES = [("weekID", 8, 3), ("timeID", 289, 5), ("driverID", 200141, 16)]
SEG_CATES = [("segID", 1376567, 16), ("segment_functional_level", 9, 2), ("roadState", 6, 2), ("laneNum", 7, 2), ("roadLevel", 8, 2)]
LINK_CATES = [("crossID", 101009, 15)]


def setup_inputs(seed: int = 0) -> dict:
    key = jax.random.key(seed)
    B, Ls, Ll = 4096, 200, 50
    i = [0]
    def nk():
        i[0] += 1
        return jax.random.fold_in(key, i[0])
    inp = {}
    inp["weekID"] = jax.random.randint(nk(), (B,), 0, 8)
    inp["timeID"] = jax.random.randint(nk(), (B,), 0, 289)
    inp["driverID"] = jax.random.randint(nk(), (B,), 0, 200141)
    inp["segID"] = jax.random.randint(nk(), (B, Ls), 0, 1376567)
    inp["segment_functional_level"] = jax.random.randint(nk(), (B, Ls), 0, 9)
    inp["roadState"] = jax.random.randint(nk(), (B, Ls), 0, 6)
    inp["laneNum"] = jax.random.randint(nk(), (B, Ls), 0, 7)
    inp["roadLevel"] = jax.random.randint(nk(), (B, Ls), 0, 8)
    inp["wid"] = jax.random.uniform(nk(), (B, Ls), dtype=jnp.float32)
    inp["speedLimit"] = jax.random.uniform(nk(), (B, Ls), dtype=jnp.float32)
    inp["time"] = jax.random.uniform(nk(), (B, Ls), dtype=jnp.float32)
    inp["len"] = jax.random.uniform(nk(), (B, Ls), dtype=jnp.float32)
    inp["crossID"] = jax.random.randint(nk(), (B, Ll), 0, 101009)
    inp["delayTime"] = jax.random.uniform(nk(), (B, Ll), dtype=jnp.float32)
    for name, din, dout in EXT_CATES + SEG_CATES + LINK_CATES:
        inp["W_" + name] = jax.random.normal(nk(), (din, dout), dtype=jnp.float32) * 0.02
    return inp


def reference(weekID, timeID, driverID, segID, segment_functional_level, roadState, laneNum, roadLevel, wid, speedLimit, time, len, crossID, delayTime, W_weekID, W_timeID, W_driverID, W_segID, W_segment_functional_level, W_roadState, W_laneNum, W_roadLevel, W_crossID):
    # ext: per-trip categorical embeddings, [B] -> [B, 1, d] -> squeeze -> [B, d]; concat -> [B, 24]
    ext = jnp.concatenate([
        W_weekID[weekID], W_timeID[timeID], W_driverID[driverID]
    ], axis=-1)
    # seg: per-segment categorical embeddings [B, Ls, d] + continuous features [B, Ls, 1]; concat -> [B, Ls, 28]
    seg = jnp.concatenate([
        W_segID[segID],
        W_segment_functional_level[segment_functional_level],
        W_roadState[roadState],
        W_laneNum[laneNum],
        W_roadLevel[roadLevel],
        wid[..., None], speedLimit[..., None], time[..., None], len[..., None]
    ], axis=-1)
    # link: [B, Ll, 15] + [B, Ll, 1] -> [B, Ll, 16]
    link = jnp.concatenate([W_crossID[crossID], delayTime[..., None]], axis=-1)
    return (ext, seg, link)

if __name__ == "__main__":
    import jax
    _d = setup_inputs()
    print(jax.jit(kernel)(*tuple(_d.values())))

</pallas_src>

<mosaic_0001>
#map = affine_map<(d0, d1) -> (0)>
#map1 = affine_map<(d0, d1) -> (0, 0)>
module attributes {stable_mosaic.version = 14 : i64} {
  func.func @_body(%arg0: i32, %arg1: i32, %arg2: memref<4096xi32, #tpu.memory_space<hbm>>, %arg3: memref<4096xi32, #tpu.memory_space<hbm>>, %arg4: memref<4096xi32, #tpu.memory_space<hbm>>, %arg5: memref<819200xi32, #tpu.memory_space<hbm>>, %arg6: memref<819200xi32, #tpu.memory_space<hbm>>, %arg7: memref<819200xi32, #tpu.memory_space<hbm>>, %arg8: memref<819200xi32, #tpu.memory_space<hbm>>, %arg9: memref<819200xi32, #tpu.memory_space<hbm>>, %arg10: memref<819200xf32, #tpu.memory_space<hbm>>, %arg11: memref<819200xf32, #tpu.memory_space<hbm>>, %arg12: memref<819200xf32, #tpu.memory_space<hbm>>, %arg13: memref<819200xf32, #tpu.memory_space<hbm>>, %arg14: memref<204800xi32, #tpu.memory_space<hbm>>, %arg15: memref<204800xf32, #tpu.memory_space<hbm>>, %arg16: memref<11x16xf32, #tpu.memory_space<hbm>>, %arg17: memref<289x16xf32, #tpu.memory_space<hbm>>, %arg18: memref<200141x16xf32, #tpu.memory_space<hbm>>, %arg19: memref<1376567x16xf32, #tpu.memory_space<hbm>>, %arg20: memref<101009x16xf32, #tpu.memory_space<hbm>>, %arg21: memref<24x4096xf32, #tpu.memory_space<hbm>>, %arg22: memref<28x819200xf32, #tpu.memory_space<hbm>>, %arg23: memref<800x4096xf32, #tpu.memory_space<hbm>>, %arg24: memref<11x16xf32, #tpu.memory_space<vmem>>, %arg25: memref<128xi32, #tpu.memory_space<vmem>>, %arg26: memref<128xi32, #tpu.memory_space<vmem>>, %arg27: memref<128xi32, #tpu.memory_space<vmem>>, %arg28: memref<128x16xf32, #tpu.memory_space<vmem>>, %arg29: memref<128x16xf32, #tpu.memory_space<vmem>>, %arg30: memref<24x128xf32, #tpu.memory_space<vmem>>, %arg31: memref<2x1024xi32, #tpu.memory_space<vmem>>, %arg32: memref<2x4x1024xi32, #tpu.memory_space<vmem>>, %arg33: memref<2x1024x16xf32, #tpu.memory_space<vmem>>, %arg34: memref<2x28x1024xf32, #tpu.memory_space<vmem>>, %arg35: memref<128xi32, #tpu.memory_space<vmem>>, %arg36: memref<128x16xf32, #tpu.memory_space<vmem>>, %arg37: memref<16x128xf32, #tpu.memory_space<vmem>>, %arg38: memref<!tpu.dma_semaphore, #tpu.memory_space<semaphore_mem>>, %arg39: memref<2x!tpu.dma_semaphore, #tpu.memory_space<semaphore_mem>>, %arg40: memref<2x!tpu.dma_semaphore, #tpu.memory_space<semaphore_mem>>, %arg41: memref<2x!tpu.dma_semaphore, #tpu.memory_space<semaphore_mem>>, %arg42: memref<2x!tpu.dma_semaphore, #tpu.memory_space<semaphore_mem>>) attributes {dimension_semantics = [#tpu.dimension_semantics<core_parallel>, #tpu.dimension_semantics<subcore_parallel>], iteration_bounds = array<i64: 2, 16>, scalar_prefetch = 0 : i64, scratch_operands = 19 : i64, tpu.core_type = #tpu.core_type<sc_vector_subcore>, window_params = [{transform_indices = #map}, {transform_indices = #map}, {transform_indices = #map}, {transform_indices = #map}, {transform_indices = #map}, {transform_indices = #map}, {transform_indices = #map}, {transform_indices = #map}, {transform_indices = #map}, {transform_indices = #map}, {transform_indices = #map}, {transform_indices = #map}, {transform_indices = #map}, {transform_indices = #map}, {transform_indices = #map1}, {transform_indices = #map1}, {transform_indices = #map1}, {transform_indices = #map1}, {transform_indices = #map1}, {transform_indices = #map1}, {transform_indices = #map1}, {transform_indices = #map1}]} {
    %mul3A = arith.constant 2 : i32
    %mul3A_0 = arith.muli %arg1, %mul3A : i32
    %add3A = arith.addi %mul3A_0, %arg0 : i32
    %iota3A = tpu.iota {dimensions = array<i32: 0>} : vector<16xi32>
    "tpu.region"() ({
      %run_scoped3A_109 = tpu.sem_alloc : memref<!tpu.dma_semaphore, #tpu.memory_space<semaphore_mem>>
      tpu.enqueue_dma source(%arg16 : memref<11x16xf32, #tpu.memory_space<hbm>>) target(%arg24 : memref<11x16xf32, #tpu.memory_space<vmem>>) target_semaphore(%run_scoped3A_109 : memref<!tpu.dma_semaphore, #tpu.memory_space<semaphore_mem>>)
      tpu.wait_dma2 semaphore(%run_scoped3A_109 : memref<!tpu.dma_semaphore, #tpu.memory_space<semaphore_mem>>) src(%arg16 : memref<11x16xf32, #tpu.memory_space<hbm>>) dst(%arg24 : memref<11x16xf32, #tpu.memory_space<vmem>>)
      tpu.yield
    }) : () -> ()
    %get3A = arith.constant 0 : i32
    %get3A_1 = arith.index_cast %get3A : i32 to index
    %get3A_2 = arith.constant 0 : index
    %get3A_3 = tpu.vector_load %arg24[%get3A_1, %get3A_2] {strides = array<i32>} : memref<11x16xf32, #tpu.memory_space<vmem>>, vector<16xf32>,
    %get3A_4 = arith.constant 1 : i32
    %get3A_5 = arith.index_cast %get3A_4 : i32 to index
    %get3A_6 = arith.constant 0 : index
    %get3A_7 = tpu.vector_load %arg24[%get3A_5, %get3A_6] {strides = array<i32>} : memref<11x16xf32, #tpu.memory_space<vmem>>, vector<16xf32>,
    %get3A_8 = arith.constant 2 : i32
    %get3A_9 = arith.index_cast %get3A_8 : i32 to index
    %get3A_10 = arith.constant 0 : index
    %get3A_11 = tpu.vector_load %arg24[%get3A_9, %get3A_10] {strides = array<i32>} : memref<11x16xf32, #tpu.memory_space<vmem>>, vector<16xf32>,
    %get3A_12 = arith.constant 3 : i32
    %get3A_13 = arith.index_cast %get3A_12 : i32 to index
    %get3A_14 = arith.constant 0 : index
    %get3A_15 = tpu.vector_load %arg24[%get3A_13, %get3A_14] {strides = array<i32>} : memref<11x16xf32, #tpu.memory_space<vmem>>, vector<16xf32>,
    %get3A_16 = arith.constant 4 : i32
    %get3A_17 = arith.index_cast %get3A_16 : i32 to index
    %get3A_18 = arith.constant 0 : index
    %get3A_19 = tpu.vector_load %arg24[%get3A_17, %get3A_18] {strides = array<i32>} : memref<11x16xf32, #tpu.memory_space<vmem>>, vector<16xf32>,
    %get3A_20 = arith.constant 5 : i32
    %get3A_21 = arith.index_cast %get3A_20 : i32 to index
    %get3A_22 = arith.constant 0 : index
    %get3A_23 = tpu.vector_load %arg24[%get3A_21, %get3A_22] {strides = array<i32>} : memref<11x16xf32, #tpu.memory_space<vmem>>, vector<16xf32>,
    %get3A_24 = arith.constant 6 : i32
    %get3A_25 = arith.index_cast %get3A_24 : i32 to index
    %get3A_26 = arith.constant 0 : index
    %get3A_27 = tpu.vector_load %arg24[%get3A_25, %get3A_26] {strides = array<i32>} : memref<11x16xf32, #tpu.memory_space<vmem>>, vector<16xf32>,
    %get3A_28 = arith.constant 7 : i32
    %get3A_29 = arith.index_cast %get3A_28 : i32 to index
    %get3A_30 = arith.constant 0 : index
    %get3A_31 = tpu.vector_load %arg24[%get3A_29, %get3A_30] {strides = array<i32>} : memref<11x16xf32, #tpu.memory_space<vmem>>, vector<16xf32>,
    %get3A_32 = arith.constant 8 : i32
    %get3A_33 = arith.index_cast %get3A_32 : i32 to index
    %get3A_34 = arith.constant 0 : index
    %get3A_35 = tpu.vector_load %arg24[%get3A_33, %get3A_34] {strides = array<i32>} : memref<11x16xf32, #tpu.memory_space<vmem>>, vector<16xf32>,
    %get3A_36 = arith.constant 9 : i32
    %get3A_37 = arith.index_cast %get3A_36 : i32 to index
    %get3A_38 = arith.constant 0 : index
    %get3A_39 = tpu.vector_load %arg24[%get3A_37, %get3A_38] {strides = array<i32>} : memref<11x16xf32, #tpu.memory_space<vmem>>, vector<16xf32>,
    %get3A_40 = arith.constant 10 : i32
    %get3A_41 = arith.index_cast %get3A_40 : i32 to index
    %get3A_42 = arith.constant 0 : index
    %get3A_43 = tpu.vector_load %arg24[%get3A_41, %get3A_42] {strides = array<i32>} : memref<11x16xf32, #tpu.memory_space<vmem>>, vector<16xf32>,
    %mul3A_44 = arith.constant 128 : i32
    %mul3A_45 = arith.muli %add3A, %mul3A_44 : i32
    "tpu.region"() ({
      %run_scoped3A_109 = tpu.sem_alloc : memref<!tpu.dma_semaphore, #tpu.memory_space<semaphore_mem>>
      %dma_start3A_110 = tpu.memref_slice %arg2[%mul3A_45] : memref<4096xi32, #tpu.memory_space<hbm>> -> memref<128xi32, #tpu.memory_space<hbm>>
      %dma_start3A_111 = tpu.memref_slice %arg2[%mul3A_45] : memref<4096xi32, #tpu.memory_space<hbm>> -> memref<128xi32, #tpu.memory_space<hbm>>
      tpu.enqueue_dma source(%dma_start3A_111 : memref<128xi32, #tpu.memory_space<hbm>>) target(%arg25 : memref<128xi32, #tpu.memory_space<vmem>>) target_semaphore(%run_scoped3A_109 : memref<!tpu.dma_semaphore, #tpu.memory_space<semaphore_mem>>)
      %dma_wait3A_112 = tpu.memref_slice %arg2[%mul3A_45] : memref<4096xi32, #tpu.memory_space<hbm>> -> memref<128xi32, #tpu.memory_space<hbm>>
      %dma_wait3A_113 = tpu.memref_slice %arg2[%mul3A_45] : memref<4096xi32, #tpu.memory_space<hbm>> -> memref<128xi32, #tpu.memory_space<hbm>>
      tpu.wait_dma2 semaphore(%run_scoped3A_109 : memref<!tpu.dma_semaphore, #tpu.memory_space<semaphore_mem>>) src(%dma_wait3A_113 : memref<128xi32, #tpu.memory_space<hbm>>) dst(%arg25 : memref<128xi32, #tpu.memory_space<vmem>>)
      tpu.yield
    }) : () -> ()
    "tpu.region"() ({
      %run_scoped3A_109 = tpu.sem_alloc : memref<!tpu.dma_semaphore, #tpu.memory_space<semaphore_mem>>
      %dma_start3A_110 = tpu.memref_slice %arg3[%mul3A_45] : memref<4096xi32, #tpu.memory_space<hbm>> -> memref<128xi32, #tpu.memory_space<hbm>>
      %dma_start3A_111 = tpu.memref_slice %arg3[%mul3A_45] : memref<4096xi32, #tpu.memory_space<hbm>> -> memref<128xi32, #tpu.memory_space<hbm>>
      tpu.enqueue_dma source(%dma_start3A_111 : memref<128xi32, #tpu.memory_space<hbm>>) target(%arg26 : memref<128xi32, #tpu.memory_space<vmem>>) target_semaphore(%run_scoped3A_109 : memref<!tpu.dma_semaphore, #tpu.memory_space<semaphore_mem>>)
      %dma_wait3A_112 = tpu.memref_slice %arg3[%mul3A_45] : memref<4096xi32, #tpu.memory_space<hbm>> -> memref<128xi32, #tpu.memory_space<hbm>>
      %dma_wait3A_113 = tpu.memref_slice %arg3[%mul3A_45] : memref<4096xi32, #tpu.memory_space<hbm>> -> memref<128xi32, #tpu.memory_space<hbm>>
      tpu.wait_dma2 semaphore(%run_scoped3A_109 : memref<!tpu.dma_semaphore, #tpu.memory_space<semaphore_mem>>) src(%dma_wait3A_113 : memref<128xi32, #tpu.memory_space<hbm>>) dst(%arg26 : memref<128xi32, #tpu.memory_space<vmem>>)
      tpu.yield
    }) : () -> ()
    "tpu.region"() ({
      %run_scoped3A_109 = tpu.sem_alloc : memref<!tpu.dma_semaphore, #tpu.memory_space<semaphore_mem>>
      %dma_start3A_110 = tpu.memref_slice %arg4[%mul3A_45] : memref<4096xi32, #tpu.memory_space<hbm>> -> memref<128xi32, #tpu.memory_space<hbm>>
      %dma_start3A_111 = tpu.memref_slice %arg4[%mul3A_45] : memref<4096xi32, #tpu.memory_space<hbm>> -> memref<128xi32, #tpu.memory_space<hbm>>
      tpu.enqueue_dma source(%dma_start3A_111 : memref<128xi32, #tpu.memory_space<hbm>>) target(%arg27 : memref<128xi32, #tpu.memory_space<vmem>>) target_semaphore(%run_scoped3A_109 : memref<!tpu.dma_semaphore, #tpu.memory_space<semaphore_mem>>)
      %dma_wait3A_112 = tpu.memref_slice %arg4[%mul3A_45] : memref<4096xi32, #tpu.memory_space<hbm>> -> memref<128xi32, #tpu.memory_space<hbm>>
      %dma_wait3A_113 = tpu.memref_slice %arg4[%mul3A_45] : memref<4096xi32, #tpu.memory_space<hbm>> -> memref<128xi32, #tpu.memory_space<hbm>>
      tpu.wait_dma2 semaphore(%run_scoped3A_109 : memref<!tpu.dma_semaphore, #tpu.memory_space<semaphore_mem>>) src(%dma_wait3A_113 : memref<128xi32, #tpu.memory_space<hbm>>) dst(%arg27 : memref<128xi32, #tpu.memory_space<vmem>>)
      tpu.yield
    }) : () -> ()
    %dma_start3A = arith.constant 0 : i32
    %dma_start3A_46 = arith.constant 0 : i32
    %dma_start3A_47 = tpu.memref_slice %arg17[%dma_start3A, %dma_start3A_46] : memref<289x16xf32, #tpu.memory_space<hbm>> -> memref<289x16xf32, #tpu.memory_space<hbm>>
    tpu.enqueue_indirect_dma source(%dma_start3A_47 : memref<289x16xf32, #tpu.memory_space<hbm>>) target(%arg28 : memref<128x16xf32, #tpu.memory_space<vmem>>) offsets(%arg26 : memref<128xi32, #tpu.memory_space<vmem>>) semaphore(%arg38 : memref<!tpu.dma_semaphore, #tpu.memory_space<semaphore_mem>>)
    %dma_start3A_48 = arith.constant 0 : i32
    %dma_start3A_49 = arith.constant 0 : i32
    %dma_start3A_50 = tpu.memref_slice %arg18[%dma_start3A_48, %dma_start3A_49] : memref<200141x16xf32, #tpu.memory_space<hbm>> -> memref<200141x16xf32, #tpu.memory_space<hbm>>
    tpu.enqueue_indirect_dma source(%dma_start3A_50 : memref<200141x16xf32, #tpu.memory_space<hbm>>) target(%arg29 : memref<128x16xf32, #tpu.memory_space<vmem>>) offsets(%arg27 : memref<128xi32, #tpu.memory_space<vmem>>) semaphore(%arg38 : memref<!tpu.dma_semaphore, #tpu.memory_space<semaphore_mem>>)
    %dma_wait3A = arith.constant 0 : i32
    %dma_wait3A_51 = arith.constant 0 : i32
    %dma_wait3A_52 = tpu.memref_slice %arg17[%dma_wait3A, %dma_wait3A_51] : memref<289x16xf32, #tpu.memory_space<hbm>> -> memref<289x16xf32, #tpu.memory_space<hbm>>
    tpu.wait_indirect_dma semaphore(%arg38 : memref<!tpu.dma_semaphore, #tpu.memory_space<semaphore_mem>>) src(%dma_wait3A_52 : memref<289x16xf32, #tpu.memory_space<hbm>>) dst(%arg28 : memref<128x16xf32, #tpu.memory_space<vmem>>)
    %dma_wait3A_53 = arith.constant 0 : i32
    %dma_wait3A_54 = arith.constant 0 : i32
    %dma_wait3A_55 = tpu.memref_slice %arg18[%dma_wait3A_53, %dma_wait3A_54] : memref<200141x16xf32, #tpu.memory_space<hbm>> -> memref<200141x16xf32, #tpu.memory_space<hbm>>
    tpu.wait_indirect_dma semaphore(%arg38 : memref<!tpu.dma_semaphore, #tpu.memory_space<semaphore_mem>>) src(%dma_wait3A_55 : memref<200141x16xf32, #tpu.memory_space<hbm>>) dst(%arg29 : memref<128x16xf32, #tpu.memory_space<vmem>>)
    %scan3A = arith.constant 0 : i32
    %scan3A_56 = arith.constant 0 : i32
    %scan3A_57 = arith.constant 8 : i32
    %scan3A_58 = arith.addi %scan3A_56, %scan3A_57 : i32
    %scan3A_59 = arith.constant 1 : i32
    scf.for %scan3A_109 = %scan3A_56 to %scan3A_58 step %scan3A_59  : i32 {
      %mul3A_110 = arith.constant 16 : i32
      %mul3A_111 = arith.muli %scan3A_109, %mul3A_110 : i32
      %get3A_112 = arith.index_cast %mul3A_111 : i32 to index
      %get3A_113 = tpu.vector_load %arg25[%get3A_112] {strides = array<i32>} : memref<128xi32, #tpu.memory_space<vmem>>, vector<16xi32>,
      %lt3A = arith.constant 0 : i32
      %lt3A_114 = vector.broadcast %lt3A : i32 to vector<16xi32>
      %lt3A_115 = arith.cmpi slt, %get3A_113, %lt3A_114 : vector<16xi32>
      %add3A_116 = arith.constant 16 : i32
      %add3A_117 = vector.broadcast %add3A_116 : i32 to vector<16xi32>
      %add3A_118 = arith.addi %get3A_113, %add3A_117 : vector<16xi32>
      %select_n3A = arith.select %lt3A_115, %add3A_118, %get3A_113 : vector<16xi1>, vector<16xi32>
      %broadcast_in_dim3A = vector.shape_cast %select_n3A : vector<16xi32> to vector<16x1xi32>
      %gather3A = vector.shape_cast %broadcast_in_dim3A : vector<16x1xi32> to vector<16xi32>
      %gather3A_119 = tpu.dynamic_gather %get3A_35[%gather3A] in [0] : vector<16xf32>, vector<16xi32> -> vector<16xf32>
      %swap3A = arith.constant 0 : i32
      %swap3A_120 = arith.index_cast %swap3A : i32 to index
      %swap3A_121 = arith.index_cast %mul3A_111 : i32 to index
      %swap3A_122 = tpu.vector_load %arg30[%swap3A_120, %swap3A_121] {strides = array<i32>} : memref<24x128xf32, #tpu.memory_space<vmem>>, vector<16xf32>,
      tpu.vector_store %arg30[%swap3A_120, %swap3A_121], %gather3A_119 {strides = array<i32>} : memref<24x128xf32, #tpu.memory_space<vmem>>, vector<16xf32>,
      %lt3A_123 = arith.constant 0 : i32
      %lt3A_124 = vector.broadcast %lt3A_123 : i32 to vector<16xi32>
      %lt3A_125 = arith.cmpi slt, %get3A_113, %lt3A_124 : vector<16xi32>
      %add3A_126 = arith.constant 16 : i32
      %add3A_127 = vector.broadcast %add3A_126 : i32 to vector<16xi32>
      %add3A_128 = arith.addi %get3A_113, %add3A_127 : vector<16xi32>
      %select_n3A_129 = arith.select %lt3A_125, %add3A_128, %get3A_113 : vector<16xi1>, vector<16xi32>
      %broadcast_in_dim3A_130 = vector.shape_cast %select_n3A_129 : vector<16xi32> to vector<16x1xi32>
      %gather3A_131 = vector.shape_cast %broadcast_in_dim3A_130 : vector<16x1xi32> to vector<16xi32>
      %gather3A_132 = tpu.dynamic_gather %get3A_39[%gather3A_131] in [0] : vector<16xf32>, vector<16xi32> -> vector<16xf32>
      %swap3A_133 = arith.constant 1 : i32
      %swap3A_134 = arith.index_cast %swap3A_133 : i32 to index
      %swap3A_135 = arith.index_cast %mul3A_111 : i32 to index
      %swap3A_136 = tpu.vector_load %arg30[%swap3A_134, %swap3A_135] {strides = array<i32>} : memref<24x128xf32, #tpu.memory_space<vmem>>, vector<16xf32>,
      tpu.vector_store %arg30[%swap3A_134, %swap3A_135], %gather3A_132 {strides = array<i32>} : memref<24x128xf32, #tpu.memory_space<vmem>>, vector<16xf32>,
      %lt3A_137 = arith.constant 0 : i32
      %lt3A_138 = vector.broadcast %lt3A_137 : i32 to vector<16xi32>
      %lt3A_139 = arith.cmpi slt, %get3A_113, %lt3A_138 : vector<16xi32>
      %add3A_140 = arith.constant 16 : i32
      %add3A_141 = vector.broadcast %add3A_140 : i32 to vector<16xi32>
      %add3A_142 = arith.addi %get3A_113, %add3A_141 : vector<16xi32>
      %select_n3A_143 = arith.select %lt3A_139, %add3A_142, %get3A_113 : vector<16xi1>, vector<16xi32>
      %broadcast_in_dim3A_144 = vector.shape_cast %select_n3A_143 : vector<16xi32> to vector<16x1xi32>
      %gather3A_145 = vector.shape_cast %broadcast_in_dim3A_144 : vector<16x1xi32> to vector<16xi32>
      %gather3A_146 = tpu.dynamic_gather %get3A_43[%gather3A_145] in [0] : vector<16xf32>, vector<16xi32> -> vector<16xf32>
      %swap3A_147 = arith.constant 2 : i32
      %swap3A_148 = arith.index_cast %swap3A_147 : i32 to index
      %swap3A_149 = arith.index_cast %mul3A_111 : i32 to index
      %swap3A_150 = tpu.vector_load %arg30[%swap3A_148, %swap3A_149] {strides = array<i32>} : memref<24x128xf32, #tpu.memory_space<vmem>>, vector<16xf32>,
      tpu.vector_store %arg30[%swap3A_148, %swap3A_149], %gather3A_146 {strides = array<i32>} : memref<24x128xf32, #tpu.memory_space<vmem>>, vector<16xf32>,
      %add3A_151 = arith.constant 0 : i32
      %add3A_152 = arith.addi %mul3A_111, %add3A_151 : i32
      %broadcast_in_dim3A_153 = vector.broadcast %add3A_152 : i32 to vector<16xi32>
      %add3A_154 = arith.constant 3 : i32
      %add3A_155 = vector.broadcast %add3A_154 : i32 to vector<16xi32>
      %add3A_156 = arith.addi %add3A_155, %iota3A : vector<16xi32>
      %add3A_157 = arith.constant 0 : i32
      %add3A_158 = arith.addi %mul3A_111, %add3A_157 : i32
      %get3A_159 = arith.index_cast %add3A_158 : i32 to index
      %get3A_160 = arith.constant 0 : index
      %get3A_161 = tpu.vector_load %arg28[%get3A_159, %get3A_160] {strides = array<i32>} : memref<128x16xf32, #tpu.memory_space<vmem>>, vector<16xf32>,
      tpu.vector_store_idx %arg30[%add3A_156, %broadcast_in_dim3A_153], %get3A_161 : memref<24x128xf32, #tpu.memory_space<vmem>>[vector<16xi32>, vector<16xi32>], vector<16xf32>,
      %add3A_162 = arith.constant 8 : i32
      %add3A_163 = vector.broadcast %add3A_162 : i32 to vector<16xi32>
      %add3A_164 = arith.addi %add3A_163, %iota3A : vector<16xi32>
      %add3A_165 = arith.constant 0 : i32
      %add3A_166 = arith.addi %mul3A_111, %add3A_165 : i32
      %get3A_167 = arith.index_cast %add3A_166 : i32 to index
      %get3A_168 = arith.constant 0 : index
      %get3A_169 = tpu.vector_load %arg29[%get3A_167, %get3A_168] {strides = array<i32>} : memref<128x16xf32, #tpu.memory_space<vmem>>, vector<16xf32>,
      tpu.vector_store_idx %arg30[%add3A_164, %broadcast_in_dim3A_153], %get3A_169 : memref<24x128xf32, #tpu.memory_space<vmem>>[vector<16xi32>, vector<16xi32>], vector<16xf32>,
      %add3A_170 = arith.constant 1 : i32
      %add3A_171 = arith.addi %mul3A_111, %add3A_170 : i32
      %broadcast_in_dim3A_172 = vector.broadcast %add3A_171 : i32 to vector<16xi32>
      %add3A_173 = arith.constant 3 : i32
      %add3A_174 = vector.broadcast %add3A_173 : i32 to vector<16xi32>
      %add3A_175 = arith.addi %add3A_174, %iota3A : vector<16xi32>
      %add3A_176 = arith.constant 1 : i32
      %add3A_177 = arith.addi %mul3A_111, %add3A_176 : i32
      %get3A_178 = arith.index_cast %add3A_177 : i32 to index
      %get3A_179 = arith.constant 0 : index
      %get3A_180 = tpu.vector_load %arg28[%get3A_178, %get3A_179] {strides = array<i32>} : memref<128x16xf32, #tpu.memory_space<vmem>>, vector<16xf32>,
      tpu.vector_store_idx %arg30[%add3A_175, %broadcast_in_dim3A_172], %get3A_180 : memref<24x128xf32, #tpu.memory_space<vmem>>[vector<16xi32>, vector<16xi32>], vector<16xf32>,
      %add3A_181 = arith.constant 8 : i32
      %add3A_182 = vector.broadcast %add3A_181 : i32 to vector<16xi32>
      %add3A_183 = arith.addi %add3A_182, %iota3A : vector<16xi32>
      %add3A_184 = arith.constant 1 : i32
      %add3A_185 = arith.addi %mul3A_111, %add3A_184 : i32
      %get3A_186 = arith.index_cast %add3A_185 : i32 to index
      %get3A_187 = arith.constant 0 : index
      %get3A_188 = tpu.vector_load %arg29[%get3A_186, %get3A_187] {strides = array<i32>} : memref<128x16xf32, #tpu.memory_space<vmem>>, vector<16xf32>,
      tpu.vector_store_idx %arg30[%add3A_183, %broadcast_in_dim3A_172], %get3A_188 : memref<24x128xf32, #tpu.memory_space<vmem>>[vector<16xi32>, vector<16xi32>], vector<16xf32>,
      %add3A_189 = arith.constant 2 : i32
      %add3A_190 = arith.addi %mul3A_111, %add3A_189 : i32
      %broadcast_in_dim3A_191 = vector.broadcast %add3A_190 : i32 to vector<16xi32>
      %add3A_192 = arith.constant 3 : i32
      %add3A_193 = vector.broadcast %add3A_192 : i32 to vector<16xi32>
      %add3A_194 = arith.addi %add3A_193, %iota3A : vector<16xi32>
      %add3A_195 = arith.constant 2 : i32
      %add3A_196 = arith.addi %mul3A_111, %add3A_195 : i32
      %get3A_197 = arith.index_cast %add3A_196 : i32 to index
      %get3A_198 = arith.constant 0 : index
      %get3A_199 = tpu.vector_load %arg28[%get3A_197, %get3A_198] {strides = array<i32>} : memref<128x16xf32, #tpu.memory_space<vmem>>, vector<16xf32>,
      tpu.vector_store_idx %arg30[%add3A_194, %broadcast_in_dim3A_191], %get3A_199 : memref<24x128xf32, #tpu.memory_space<vmem>>[vector<16xi32>, vector<16xi32>], vector<16xf32>,
      %add3A_200 = arith.constant 8 : i32
      %add3A_201 = vector.broadcast %add3A_200 : i32 to vector<16xi32>
      %add3A_202 = arith.addi %add3A_201, %iota3A : vector<16xi32>
      %add3A_203 = arith.constant 2 : i32
      %add3A_204 = arith.addi %mul3A_111, %add3A_203 : i32
      %get3A_205 = arith.index_cast %add3A_204 : i32 to index
      %get3A_206 = arith.constant 0 : index
      %get3A_207 = tpu.vector_load %arg29[%get3A_205, %get3A_206] {strides = array<i32>} : memref<128x16xf32, #tpu.memory_space<vmem>>, vector<16xf32>,
      tpu.vector_store_idx %arg30[%add3A_202, %broadcast_in_dim3A_191], %get3A_207 : memref<24x128xf32, #tpu.memory_space<vmem>>[vector<16xi32>, vector<16xi32>], vector<16xf32>,
      %add3A_208 = arith.constant 3 : i32
      %add3A_209 = arith.addi %mul3A_111, %add3A_208 : i32
      %broadcast_in_dim3A_210 = vector.broadcast %add3A_209 : i32 to vector<16xi32>
      %add3A_211 = arith.constant 3 : i32
      %add3A_212 = vector.broadcast %add3A_211 : i32 to vector<16xi32>
      %add3A_213 = arith.addi %add3A_212, %iota3A : vector<16xi32>
      %add3A_214 = arith.constant 3 : i32
      %add3A_215 = arith.addi %mul3A_111, %add3A_214 : i32
      %get3A_216 = arith.index_cast %add3A_215 : i32 to index
      %get3A_217 = arith.constant 0 : index
      %get3A_218 = tpu.vector_load %arg28[%get3A_216, %get3A_217] {strides = array<i32>} : memref<128x16xf32, #tpu.memory_space<vmem>>, vector<16xf32>,
      tpu.vector_store_idx %arg30[%add3A_213, %broadcast_in_dim3A_210], %get3A_218 : memref<24x128xf32, #tpu.memory_space<vmem>>[vector<16xi32>, vector<16xi32>], vector<16xf32>,
      %add3A_219 = arith.constant 8 : i32
      %add3A_220 = vector.broadcast %add3A_219 : i32 to vector<16xi32>
      %add3A_221 = arith.addi %add3A_220, %iota3A : vector<16xi32>
      %add3A_222 = arith.constant 3 : i32
      %add3A_223 = arith.addi %mul3A_111, %add3A_222 : i32
      %get3A_224 = arith.index_cast %add3A_223 : i32 to index
      %get3A_225 = arith.constant 0 : index
      %get3A_226 = tpu.vector_load %arg29[%get3A_224, %get3A_225] {strides = array<i32>} : memref<128x16xf32, #tpu.memory_space<vmem>>, vector<16xf32>,
      tpu.vector_store_idx %arg30[%add3A_221, %broadcast_in_dim3A_210], %get3A_226 : memref<24x128xf32, #tpu.memory_space<vmem>>[vector<16xi32>, vector<16xi32>], vector<16xf32>,
      %add3A_227 = arith.constant 4 : i32
      %add3A_228 = arith.addi %mul3A_111, %add3A_227 : i32
      %broadcast_in_dim3A_229 = vector.broadcast %add3A_228 : i32 to vector<16xi32>
      %add3A_230 = arith.constant 3 : i32
      %add3A_231 = vector.broadcast %add3A_230 : i32 to vector<16xi32>
      %add3A_232 = arith.addi %add3A_231, %iota3A : vector<16xi32>
      %add3A_233 = arith.constant 4 : i32
      %add3A_234 = arith.addi %mul3A_111, %add3A_233 : i32
      %get3A_235 = arith.index_cast %add3A_234 : i32 to index
      %get3A_236 = arith.constant 0 : index
      %get3A_237 = tpu.vector_load %arg28[%get3A_235, %get3A_236] {strides = array<i32>} : memref<128x16xf32, #tpu.memory_space<vmem>>, vector<16xf32>,
      tpu.vector_store_idx %arg30[%add3A_232, %broadcast_in_dim3A_229], %get3A_237 : memref<24x128xf32, #tpu.memory_space<vmem>>[vector<16xi32>, vector<16xi32>], vector<16xf32>,
      %add3A_238 = arith.constant 8 : i32
      %add3A_239 = vector.broadcast %add3A_238 : i32 to vector<16xi32>
      %add3A_240 = arith.addi %add3A_239, %iota3A : vector<16xi32>
      %add3A_241 = arith.constant 4 : i32
      %add3A_242 = arith.addi %mul3A_111, %add3A_241 : i32
      %get3A_243 = arith.index_cast %add3A_242 : i32 to index
      %get3A_244 = arith.constant 0 : index
      %get3A_245 = tpu.vector_load %arg29[%get3A_243, %get3A_244] {strides = array<i32>} : memref<128x16xf32, #tpu.memory_space<vmem>>, vector<16xf32>,
      tpu.vector_store_idx %arg30[%add3A_240, %broadcast_in_dim3A_229], %get3A_245 : memref<24x128xf32, #tpu.memory_space<vmem>>[vector<16xi32>, vector<16xi32>], vector<16xf32>,
      %add3A_246 = arith.constant 5 : i32
      %add3A_247 = arith.addi %mul3A_111, %add3A_246 : i32
      %broadcast_in_dim3A_248 = vector.broadcast %add3A_247 : i32 to vector<16xi32>
      %add3A_249 = arith.constant 3 : i32
      %add3A_250 = vector.broadcast %add3A_249 : i32 to vector<16xi32>
      %add3A_251 = arith.addi %add3A_250, %iota3A : vector<16xi32>
      %add3A_252 = arith.constant 5 : i32
      %add3A_253 = arith.addi %mul3A_111, %add3A_252 : i32
      %get3A_254 = arith.index_cast %add3A_253 : i32 to index
      %get3A_255 = arith.constant 0 : index
      %get3A_256 = tpu.vector_load %arg28[%get3A_254, %get3A_255] {strides = array<i32>} : memref<128x16xf32, #tpu.memory_space<vmem>>, vector<16xf32>,
      tpu.vector_store_idx %arg30[%add3A_251, %broadcast_in_dim3A_248], %get3A_256 : memref<24x128xf32, #tpu.memory_space<vmem>>[vector<16xi32>, vector<16xi32>], vector<16xf32>,
      %add3A_257 = arith.constant 8 : i32
      %add3A_258 = vector.broadcast %add3A_257 : i32 to vector<16xi32>
      %add3A_259 = arith.addi %add3A_258, %iota3A : vector<16xi32>
      %add3A_260 = arith.constant 5 : i32
      %add3A_261 = arith.addi %mul3A_111, %add3A_260 : i32
      %get3A_262 = arith.index_cast %add3A_261 : i32 to index
      %get3A_263 = arith.constant 0 : index
      %get3A_264 = tpu.vector_load %arg29[%get3A_262, %get3A_263] {strides = array<i32>} : memref<128x16xf32, #tpu.memory_space<vmem>>, vector<16xf32>,
      tpu.vector_store_idx %arg30[%add3A_259, %broadcast_in_dim3A_248], %get3A_264 : memref<24x128xf32, #tpu.memory_space<vmem>>[vector<16xi32>, vector<16xi32>], vector<16xf32>,
      %add3A_265 = arith.constant 6 : i32
      %add3A_266 = arith.addi %mul3A_111, %add3A_265 : i32
      %broadcast_in_dim3A_267 = vector.broadcast %add3A_266 : i32 to vector<16xi32>
      %add3A_268 = arith.constant 3 : i32
      %add3A_269 = vector.broadcast %add3A_268 : i32 to vector<16xi32>
      %add3A_270 = arith.addi %add3A_269, %iota3A : vector<16xi32>
      %add3A_271 = arith.constant 6 : i32
      %add3A_272 = arith.addi %mul3A_111, %add3A_271 : i32
      %get3A_273 = arith.index_cast %add3A_272 : i32 to index
      %get3A_274 = arith.constant 0 : index
      %get3A_275 = tpu.vector_load %arg28[%get3A_273, %get3A_274] {strides = array<i32>} : memref<128x16xf32, #tpu.memory_space<vmem>>, vector<16xf32>,
      tpu.vector_store_idx %arg30[%add3A_270, %broadcast_in_dim3A_267], %get3A_275 : memref<24x128xf32, #tpu.memory_space<vmem>>[vector<16xi32>, vector<16xi32>], vector<16xf32>,
      %add3A_276 = arith.constant 8 : i32
      %add3A_277 = vector.broadcast %add3A_276 : i32 to vector<16xi32>
      %add3A_278 = arith.addi %add3A_277, %iota3A : vector<16xi32>
      %add3A_279 = arith.constant 6 : i32
      %add3A_280 = arith.addi %mul3A_111, %add3A_279 : i32
      %get3A_281 = arith.index_cast %add3A_280 : i32 to index
      %get3A_282 = arith.constant 0 : index
      %get3A_283 = tpu.vector_load %arg29[%get3A_281, %get3A_282] {strides = array<i32>} : memref<128x16xf32, #tpu.memory_space<vmem>>, vector<16xf32>,
      tpu.vector_store_idx %arg30[%add3A_278, %broadcast_in_dim3A_267], %get3A_283 : memref<24x128xf32, #tpu.memory_space<vmem>>[vector<16xi32>, vector<16xi32>], vector<16xf32>,
      %add3A_284 = arith.constant 7 : i32
      %add3A_285 = arith.addi %mul3A_111, %add3A_284 : i32
      %broadcast_in_dim3A_286 = vector.broadcast %add3A_285 : i32 to vector<16xi32>
      %add3A_287 = arith.constant 3 : i32
      %add3A_288 = vector.broadcast %add3A_287 : i32 to vector<16xi32>
      %add3A_289 = arith.addi %add3A_288, %iota3A : vector<16xi32>
      %add3A_290 = arith.constant 7 : i32
      %add3A_291 = arith.addi %mul3A_111, %add3A_290 : i32
      %get3A_292 = arith.index_cast %add3A_291 : i32 to index
      %get3A_293 = arith.constant 0 : index
      %get3A_294 = tpu.vector_load %arg28[%get3A_292, %get3A_293] {strides = array<i32>} : memref<128x16xf32, #tpu.memory_space<vmem>>, vector<16xf32>,
      tpu.vector_store_idx %arg30[%add3A_289, %broadcast_in_dim3A_286], %get3A_294 : memref<24x128xf32, #tpu.memory_space<vmem>>[vector<16xi32>, vector<16xi32>], vector<16xf32>,
      %add3A_295 = arith.constant 8 : i32
      %add3A_296 = vector.broadcast %add3A_295 : i32 to vector<16xi32>
      %add3A_297 = arith.addi %add3A_296, %iota3A : vector<16xi32>
      %add3A_298 = arith.constant 7 : i32
      %add3A_299 = arith.addi %mul3A_111, %add3A_298 : i32
      %get3A_300 = arith.index_cast %add3A_299 : i32 to index
      %get3A_301 = arith.constant 0 : index
      %get3A_302 = tpu.vector_load %arg29[%get3A_300, %get3A_301] {strides = array<i32>} : memref<128x16xf32, #tpu.memory_space<vmem>>, vector<16xf32>,
      tpu.vector_store_idx %arg30[%add3A_297, %broadcast_in_dim3A_286], %get3A_302 : memref<24x128xf32, #tpu.memory_space<vmem>>[vector<16xi32>, vector<16xi32>], vector<16xf32>,
      %add3A_303 = arith.constant 8 : i32
      %add3A_304 = arith.addi %mul3A_111, %add3A_303 : i32
      %broadcast_in_dim3A_305 = vector.broadcast %add3A_304 : i32 to vector<16xi32>
      %add3A_306 = arith.constant 3 : i32
      %add3A_307 = vector.broadcast %add3A_306 : i32 to vector<16xi32>
      %add3A_308 = arith.addi %add3A_307, %iota3A : vector<16xi32>
      %add3A_309 = arith.constant 8 : i32
      %add3A_310 = arith.addi %mul3A_111, %add3A_309 : i32
      %get3A_311 = arith.index_cast %add3A_310 : i32 to index
      %get3A_312 = arith.constant 0 : index
      %get3A_313 = tpu.vector_load %arg28[%get3A_311, %get3A_312] {strides = array<i32>} : memref<128x16xf32, #tpu.memory_space<vmem>>, vector<16xf32>,
      tpu.vector_store_idx %arg30[%add3A_308, %broadcast_in_dim3A_305], %get3A_313 : memref<24x128xf32, #tpu.memory_space<vmem>>[vector<16xi32>, vector<16xi32>], vector<16xf32>,
      %add3A_314 = arith.constant 8 : i32
      %add3A_315 = vector.broadcast %add3A_314 : i32 to vector<16xi32>
      %add3A_316 = arith.addi %add3A_315, %iota3A : vector<16xi32>
      %add3A_317 = arith.constant 8 : i32
      %add3A_318 = arith.addi %mul3A_111, %add3A_317 : i32
      %get3A_319 = arith.index_cast %add3A_318 : i32 to index
      %get3A_320 = arith.constant 0 : index
      %get3A_321 = tpu.vector_load %arg29[%get3A_319, %get3A_320] {strides = array<i32>} : memref<128x16xf32, #tpu.memory_space<vmem>>, vector<16xf32>,
      tpu.vector_store_idx %arg30[%add3A_316, %broadcast_in_dim3A_305], %get3A_321 : memref<24x128xf32, #tpu.memory_space<vmem>>[vector<16xi32>, vector<16xi32>], vector<16xf32>,
      %add3A_322 = arith.constant 9 : i32
      %add3A_323 = arith.addi %mul3A_111, %add3A_322 : i32
      %broadcast_in_dim3A_324 = vector.broadcast %add3A_323 : i32 to vector<16xi32>
      %add3A_325 = arith.constant 3 : i32
      %add3A_326 = vector.broadcast %add3A_325 : i32 to vector<16xi32>
      %add3A_327 = arith.addi %add3A_326, %iota3A : vector<16xi32>
      %add3A_328 = arith.constant 9 : i32
      %add3A_329 = arith.addi %mul3A_111, %add3A_328 : i32
      %get3A_330 = arith.index_cast %add3A_329 : i32 to index
      %get3A_331 = arith.constant 0 : index
      %get3A_332 = tpu.vector_load %arg28[%get3A_330, %get3A_331] {strides = array<i32>} : memref<128x16xf32, #tpu.memory_space<vmem>>, vector<16xf32>,
      tpu.vector_store_idx %arg30[%add3A_327, %broadcast_in_dim3A_324], %get3A_332 : memref<24x128xf32, #tpu.memory_space<vmem>>[vector<16xi32>, vector<16xi32>], vector<16xf32>,
      %add3A_333 = arith.constant 8 : i32
      %add3A_334 = vector.broadcast %add3A_333 : i32 to vector<16xi32>
      %add3A_335 = arith.addi %add3A_334, %iota3A : vector<16xi32>
      %add3A_336 = arith.constant 9 : i32
      %add3A_337 = arith.addi %mul3A_111, %add3A_336 : i32
      %get3A_338 = arith.index_cast %add3A_337 : i32 to index
      %get3A_339 = arith.constant 0 : index
      %get3A_340 = tpu.vector_load %arg29[%get3A_338, %get3A_339] {strides = array<i32>} : memref<128x16xf32, #tpu.memory_space<vmem>>, vector<16xf32>,
      tpu.vector_store_idx %arg30[%add3A_335, %broadcast_in_dim3A_324], %get3A_340 : memref<24x128xf32, #tpu.memory_space<vmem>>[vector<16xi32>, vector<16xi32>], vector<16xf32>,
      %add3A_341 = arith.constant 10 : i32
      %add3A_342 = arith.addi %mul3A_111, %add3A_341 : i32
      %broadcast_in_dim3A_343 = vector.broadcast %add3A_342 : i32 to vector<16xi32>
      %add3A_344 = arith.constant 3 : i32
      %add3A_345 = vector.broadcast %add3A_344 : i32 to vector<16xi32>
      %add3A_346 = arith.addi %add3A_345, %iota3A : vector<16xi32>
      %add3A_347 = arith.constant 10 : i32
      %add3A_348 = arith.addi %mul3A_111, %add3A_347 : i32
      %get3A_349 = arith.index_cast %add3A_348 : i32 to index
      %get3A_350 = arith.constant 0 : index
      %get3A_351 = tpu.vector_load %arg28[%get3A_349, %get3A_350] {strides = array<i32>} : memref<128x16xf32, #tpu.memory_space<vmem>>, vector<16xf32>,
      tpu.vector_store_idx %arg30[%add3A_346, %broadcast_in_dim3A_343], %get3A_351 : memref<24x128xf32, #tpu.memory_space<vmem>>[vector<16xi32>, vector<16xi32>], vector<16xf32>,
      %add3A_352 = arith.constant 8 : i32
      %add3A_353 = vector.broadcast %add3A_352 : i32 to vector<16xi32>
      %add3A_354 = arith.addi %add3A_353, %iota3A : vector<16xi32>
      %add3A_355 = arith.constant 10 : i32
      %add3A_356 = arith.addi %mul3A_111, %add3A_355 : i32
      %get3A_357 = arith.index_cast %add3A_356 : i32 to index
      %get3A_358 = arith.constant 0 : index
      %get3A_359 = tpu.vector_load %arg29[%get3A_357, %get3A_358] {strides = array<i32>} : memref<128x16xf32, #tpu.memory_space<vmem>>, vector<16xf32>,
      tpu.vector_store_idx %arg30[%add3A_354, %broadcast_in_dim3A_343], %get3A_359 : memref<24x128xf32, #tpu.memory_space<vmem>>[vector<16xi32>, vector<16xi32>], vector<16xf32>,
      %add3A_360 = arith.constant 11 : i32
      %add3A_361 = arith.addi %mul3A_111, %add3A_360 : i32
      %broadcast_in_dim3A_362 = vector.broadcast %add3A_361 : i32 to vector<16xi32>
      %add3A_363 = arith.constant 3 : i32
      %add3A_364 = vector.broadcast %add3A_363 : i32 to vector<16xi32>
      %add3A_365 = arith.addi %add3A_364, %iota3A : vector<16xi32>
      %add3A_366 = arith.constant 11 : i32
      %add3A_367 = arith.addi %mul3A_111, %add3A_366 : i32
      %get3A_368 = arith.index_cast %add3A_367 : i32 to index
      %get3A_369 = arith.constant 0 : index
      %get3A_370 = tpu.vector_load %arg28[%get3A_368, %get3A_369] {strides = array<i32>} : memref<128x16xf32, #tpu.memory_space<vmem>>, vector<16xf32>,
      tpu.vector_store_idx %arg30[%add3A_365, %broadcast_in_dim3A_362], %get3A_370 : memref<24x128xf32, #tpu.memory_space<vmem>>[vector<16xi32>, vector<16xi32>], vector<16xf32>,
      %add3A_371 = arith.constant 8 : i32
      %add3A_372 = vector.broadcast %add3A_371 : i32 to vector<16xi32>
      %add3A_373 = arith.addi %add3A_372, %iota3A : vector<16xi32>
      %add3A_374 = arith.constant 11 : i32
      %add3A_375 = arith.addi %mul3A_111, %add3A_374 : i32
      %get3A_376 = arith.index_cast %add3A_375 : i32 to index
      %get3A_377 = arith.constant 0 : index
      %get3A_378 = tpu.vector_load %arg29[%get3A_376, %get3A_377] {strides = array<i32>} : memref<128x16xf32, #tpu.memory_space<vmem>>, vector<16xf32>,
      tpu.vector_store_idx %arg30[%add3A_373, %broadcast_in_dim3A_362], %get3A_378 : memref<24x128xf32, #tpu.memory_space<vmem>>[vector<16xi32>, vector<16xi32>], vector<16xf32>,
      %add3A_379 = arith.constant 12 : i32
      %add3A_380 = arith.addi %mul3A_111, %add3A_379 : i32
      %broadcast_in_dim3A_381 = vector.broadcast %add3A_380 : i32 to vector<16xi32>
      %add3A_382 = arith.constant 3 : i32
      %add3A_383 = vector.broadcast %add3A_382 : i32 to vector<16xi32>
      %add3A_384 = arith.addi %add3A_383, %iota3A : vector<16xi32>
      %add3A_385 = arith.constant 12 : i32
      %add3A_386 = arith.addi %mul3A_111, %add3A_385 : i32
      %get3A_387 = arith.index_cast %add3A_386 : i32 to index
      %get3A_388 = arith.constant 0 : index
      %get3A_389 = tpu.vector_load %arg28[%get3A_387, %get3A_388] {strides = array<i32>} : memref<128x16xf32, #tpu.memory_space<vmem>>, vector<16xf32>,
      tpu.vector_store_idx %arg30[%add3A_384, %broadcast_in_dim3A_381], %get3A_389 : memref<24x128xf32, #tpu.memory_space<vmem>>[vector<16xi32>, vector<16xi32>], vector<16xf32>,
      %add3A_390 = arith.constant 8 : i32
      %add3A_391 = vector.broadcast %add3A_390 : i32 to vector<16xi32>
      %add3A_392 = arith.addi %add3A_391, %iota3A : vector<16xi32>
      %add3A_393 = arith.constant 12 : i32
      %add3A_394 = arith.addi %mul3A_111, %add3A_393 : i32
      %get3A_395 = arith.index_cast %add3A_394 : i32 to index
      %get3A_396 = arith.constant 0 : index
      %get3A_397 = tpu.vector_load %arg29[%get3A_395, %get3A_396] {strides = array<i32>} : memref<128x16xf32, #tpu.memory_space<vmem>>, vector<16xf32>,
      tpu.vector_store_idx %arg30[%add3A_392, %broadcast_in_dim3A_381], %get3A_397 : memref<24x128xf32, #tpu.memory_space<vmem>>[vector<16xi32>, vector<16xi32>], vector<16xf32>,
      %add3A_398 = arith.constant 13 : i32
      %add3A_399 = arith.addi %mul3A_111, %add3A_398 : i32
      %broadcast_in_dim3A_400 = vector.broadcast %add3A_399 : i32 to vector<16xi32>
      %add3A_401 = arith.constant 3 : i32
      %add3A_402 = vector.broadcast %add3A_401 : i32 to vector<16xi32>
      %add3A_403 = arith.addi %add3A_402, %iota3A : vector<16xi32>
      %add3A_404 = arith.constant 13 : i32
      %add3A_405 = arith.addi %mul3A_111, %add3A_404 : i32
      %get3A_406 = arith.index_cast %add3A_405 : i32 to index
      %get3A_407 = arith.constant 0 : index
      %get3A_408 = tpu.vector_load %arg28[%get3A_406, %get3A_407] {strides = array<i32>} : memref<128x16xf32, #tpu.memory_space<vmem>>, vector<16xf32>,
      tpu.vector_store_idx %arg30[%add3A_403, %broadcast_in_dim3A_400], %get3A_408 : memref<24x128xf32, #tpu.memory_space<vmem>>[vector<16xi32>, vector<16xi32>], vector<16xf32>,
      %add3A_409 = arith.constant 8 : i32
      %add3A_410 = vector.broadcast %add3A_409 : i32 to vector<16xi32>
      %add3A_411 = arith.addi %add3A_410, %iota3A : vector<16xi32>
      %add3A_412 = arith.constant 13 : i32
      %add3A_413 = arith.addi %mul3A_111, %add3A_412 : i32
      %get3A_414 = arith.index_cast %add3A_413 : i32 to index
      %get3A_415 = arith.constant 0 : index
      %get3A_416 = tpu.vector_load %arg29[%get3A_414, %get3A_415] {strides = array<i32>} : memref<128x16xf32, #tpu.memory_space<vmem>>, vector<16xf32>,
      tpu.vector_store_idx %arg30[%add3A_411, %broadcast_in_dim3A_400], %get3A_416 : memref<24x128xf32, #tpu.memory_space<vmem>>[vector<16xi32>, vector<16xi32>], vector<16xf32>,
      %add3A_417 = arith.constant 14 : i32
      %add3A_418 = arith.addi %mul3A_111, %add3A_417 : i32
      %broadcast_in_dim3A_419 = vector.broadcast %add3A_418 : i32 to vector<16xi32>
      %add3A_420 = arith.constant 3 : i32
      %add3A_421 = vector.broadcast %add3A_420 : i32 to vector<16xi32>
      %add3A_422 = arith.addi %add3A_421, %iota3A : vector<16xi32>
      %add3A_423 = arith.constant 14 : i32
      %add3A_424 = arith.addi %mul3A_111, %add3A_423 : i32
      %get3A_425 = arith.index_cast %add3A_424 : i32 to index
      %get3A_426 = arith.constant 0 : index
      %get3A_427 = tpu.vector_load %arg28[%get3A_425, %get3A_426] {strides = array<i32>} : memref<128x16xf32, #tpu.memory_space<vmem>>, vector<16xf32>,
      tpu.vector_store_idx %arg30[%add3A_422, %broadcast_in_dim3A_419], %get3A_427 : memref<24x128xf32, #tpu.memory_space<vmem>>[vector<16xi32>, vector<16xi32>], vector<16xf32>,
      %add3A_428 = arith.constant 8 : i32
      %add3A_429 = vector.broadcast %add3A_428 : i32 to vector<16xi32>
      %add3A_430 = arith.addi %add3A_429, %iota3A : vector<16xi32>
      %add3A_431 = arith.constant 14 : i32
      %add3A_432 = arith.addi %mul3A_111, %add3A_431 : i32
      %get3A_433 = arith.index_cast %add3A_432 : i32 to index
      %get3A_434 = arith.constant 0 : index
      %get3A_435 = tpu.vector_load %arg29[%get3A_433, %get3A_434] {strides = array<i32>} : memref<128x16xf32, #tpu.memory_space<vmem>>, vector<16xf32>,
      tpu.vector_store_idx %arg30[%add3A_430, %broadcast_in_dim3A_419], %get3A_435 : memref<24x128xf32, #tpu.memory_space<vmem>>[vector<16xi32>, vector<16xi32>], vector<16xf32>,
      %add3A_436 = arith.constant 15 : i32
      %add3A_437 = arith.addi %mul3A_111, %add3A_436 : i32
      %broadcast_in_dim3A_438 = vector.broadcast %add3A_437 : i32 to vector<16xi32>
      %add3A_439 = arith.constant 3 : i32
      %add3A_440 = vector.broadcast %add3A_439 : i32 to vector<16xi32>
      %add3A_441 = arith.addi %add3A_440, %iota3A : vector<16xi32>
      %add3A_442 = arith.constant 15 : i32
      %add3A_443 = arith.addi %mul3A_111, %add3A_442 : i32
      %get3A_444 = arith.index_cast %add3A_443 : i32 to index
      %get3A_445 = arith.constant 0 : index
      %get3A_446 = tpu.vector_load %arg28[%get3A_444, %get3A_445] {strides = array<i32>} : memref<128x16xf32, #tpu.memory_space<vmem>>, vector<16xf32>,
      tpu.vector_store_idx %arg30[%add3A_441, %broadcast_in_dim3A_438], %get3A_446 : memref<24x128xf32, #tpu.memory_space<vmem>>[vector<16xi32>, vector<16xi32>], vector<16xf32>,
      %add3A_447 = arith.constant 8 : i32
      %add3A_448 = vector.broadcast %add3A_447 : i32 to vector<16xi32>
      %add3A_449 = arith.addi %add3A_448, %iota3A : vector<16xi32>
      %add3A_450 = arith.constant 15 : i32
      %add3A_451 = arith.addi %mul3A_111, %add3A_450 : i32
      %get3A_452 = arith.index_cast %add3A_451 : i32 to index
      %get3A_453 = arith.constant 0 : index
      %get3A_454 = tpu.vector_load %arg29[%get3A_452, %get3A_453] {strides = array<i32>} : memref<128x16xf32, #tpu.memory_space<vmem>>, vector<16xf32>,
      tpu.vector_store_idx %arg30[%add3A_449, %broadcast_in_dim3A_438], %get3A_454 : memref<24x128xf32, #tpu.memory_space<vmem>>[vector<16xi32>, vector<16xi32>], vector<16xf32>,
    }
    %scan3A_60 = arith.constant 8 : i32
    %scan3A_61 = arith.constant 0 : i32
    %scan3A_62 = arith.constant 0 : i32
    %scan3A_63 = arith.constant 24 : i32
    %scan3A_64 = arith.addi %scan3A_62, %scan3A_63 : i32
    %scan3A_65 = arith.constant 1 : i32
    scf.for %scan3A_109 = %scan3A_62 to %scan3A_64 step %scan3A_65  : i32 {
      %dma_start3A_110 = arith.constant 0 : i32
      %dma_start3A_111 = tpu.memref_slice %arg30[%scan3A_109, %dma_start3A_110] : memref<24x128xf32, #tpu.memory_space<vmem>> -> memref<1x128xf32, #tpu.memory_space<vmem>>
      %dma_start3A_112 = tpu.memref_squeeze %dma_start3A_111 : memref<1x128xf32, #tpu.memory_space<vmem>> -> memref<128xf32, #tpu.memory_space<vmem>>
      %dma_start3A_113 = tpu.memref_slice %arg21[%scan3A_109, %mul3A_45] : memref<24x4096xf32, #tpu.memory_space<hbm>> -> memref<1x128xf32, #tpu.memory_space<hbm>>
      %dma_start3A_114 = tpu.memref_squeeze %dma_start3A_113 : memref<1x128xf32, #tpu.memory_space<hbm>> -> memref<128xf32, #tpu.memory_space<hbm>>
      %dma_start3A_115 = tpu.memref_slice %arg21[%scan3A_109, %mul3A_45] : memref<24x4096xf32, #tpu.memory_space<hbm>> -> memref<1x128xf32, #tpu.memory_space<hbm>>
      %dma_start3A_116 = tpu.memref_squeeze %dma_start3A_115 : memref<1x128xf32, #tpu.memory_space<hbm>> -> memref<128xf32, #tpu.memory_space<hbm>>
      %dma_start3A_117 = arith.constant 0 : i32
      %dma_start3A_118 = tpu.memref_slice %arg30[%scan3A_109, %dma_start3A_117] : memref<24x128xf32, #tpu.memory_space<vmem>> -> memref<1x128xf32, #tpu.memory_space<vmem>>
      %dma_start3A_119 = tpu.memref_squeeze %dma_start3A_118 : memref<1x128xf32, #tpu.memory_space<vmem>> -> memref<128xf32, #tpu.memory_space<vmem>>
      tpu.enqueue_dma source(%dma_start3A_119 : memref<128xf32, #tpu.memory_space<vmem>>) target(%dma_start3A_116 : memref<128xf32, #tpu.memory_space<hbm>>) target_semaphore(%arg38 : memref<!tpu.dma_semaphore, #tpu.memory_space<semaphore_mem>>)
    }
    %scan3A_66 = arith.constant 24 : i32
    %scan3A_67 = arith.constant 0 : i32
    %scan3A_68 = arith.constant 0 : i32
    %scan3A_69 = arith.constant 24 : i32
    %scan3A_70 = arith.addi %scan3A_68, %scan3A_69 : i32
    %scan3A_71 = arith.constant 1 : i32
    scf.for %scan3A_109 = %scan3A_68 to %scan3A_70 step %scan3A_71  : i32 {
      %dma_wait3A_110 = arith.constant 0 : i32
      %dma_wait3A_111 = arith.constant 0 : i32
      %dma_wait3A_112 = arith.constant 0 : i32
      %dma_wait3A_113 = tpu.memref_slice %arg30[%dma_wait3A_110, %dma_wait3A_112] : memref<24x128xf32, #tpu.memory_space<vmem>> -> memref<1x128xf32, #tpu.memory_space<vmem>>
      %dma_wait3A_114 = tpu.memref_squeeze %dma_wait3A_113 : memref<1x128xf32, #tpu.memory_space<vmem>> -> memref<128xf32, #tpu.memory_space<vmem>>
      %dma_wait3A_115 = arith.constant 0 : i32
      %dma_wait3A_116 = tpu.memref_slice %arg21[%dma_wait3A_111, %dma_wait3A_115] : memref<24x4096xf32, #tpu.memory_space<hbm>> -> memref<1x128xf32, #tpu.memory_space<hbm>>
      %dma_wait3A_117 = tpu.memref_squeeze %dma_wait3A_116 : memref<1x128xf32, #tpu.memory_space<hbm>> -> memref<128xf32, #tpu.memory_space<hbm>>
      %dma_wait3A_118 = arith.constant 0 : i32
      %dma_wait3A_119 = tpu.memref_slice %arg21[%dma_wait3A_111, %dma_wait3A_118] : memref<24x4096xf32, #tpu.memory_space<hbm>> -> memref<1x128xf32, #tpu.memory_space<hbm>>
      %dma_wait3A_120 = tpu.memref_squeeze %dma_wait3A_119 : memref<1x128xf32, #tpu.memory_space<hbm>> -> memref<128xf32, #tpu.memory_space<hbm>>
      %dma_wait3A_121 = arith.constant 0 : i32
      %dma_wait3A_122 = tpu.memref_slice %arg30[%dma_wait3A_110, %dma_wait3A_121] : memref<24x128xf32, #tpu.memory_space<vmem>> -> memref<1x128xf32, #tpu.memory_space<vmem>>
      %dma_wait3A_123 = tpu.memref_squeeze %dma_wait3A_122 : memref<1x128xf32, #tpu.memory_space<vmem>> -> memref<128xf32, #tpu.memory_space<vmem>>
      tpu.wait_dma2 semaphore(%arg38 : memref<!tpu.dma_semaphore, #tpu.memory_space<semaphore_mem>>) src(%dma_wait3A_123 : memref<128xf32, #tpu.memory_space<vmem>>) dst(%dma_wait3A_120 : memref<128xf32, #tpu.memory_space<hbm>>)
    }
    %scan3A_72 = arith.constant 24 : i32
    %mul3A_73 = arith.constant 25600 : i32
    %mul3A_74 = arith.muli %add3A, %mul3A_73 : i32
    %run_scoped3A = arith.constant 0 : i32
    "tpu.region"() ({
      %run_scoped3A_109 = tpu.sem_alloc : memref<!tpu.dma_semaphore, #tpu.memory_space<semaphore_mem>>
      %dma_start3A_110 = arith.constant 0 : i32
      %dma_start3A_111 = tpu.memref_slice %arg31[%run_scoped3A, %dma_start3A_110] : memref<2x1024xi32, #tpu.memory_space<vmem>> -> memref<1x1024xi32, #tpu.memory_space<vmem>>
      %dma_start3A_112 = tpu.memref_squeeze %dma_start3A_111 : memref<1x1024xi32, #tpu.memory_space<vmem>> -> memref<1024xi32, #tpu.memory_space<vmem>>
      %dma_start3A_113 = tpu.memref_slice %arg5[%mul3A_74] : memref<819200xi32, #tpu.memory_space<hbm>> -> memref<1024xi32, #tpu.memory_space<hbm>>
      %dma_start3A_114 = arith.constant 0 : i32
      %dma_start3A_115 = tpu.memref_slice %arg31[%run_scoped3A, %dma_start3A_114] : memref<2x1024xi32, #tpu.memory_space<vmem>> -> memref<1x1024xi32, #tpu.memory_space<vmem>>
      %dma_start3A_116 = tpu.memref_squeeze %dma_start3A_115 : memref<1x1024xi32, #tpu.memory_space<vmem>> -> memref<1024xi32, #tpu.memory_space<vmem>>
      %dma_start3A_117 = tpu.memref_slice %arg5[%mul3A_74] : memref<819200xi32, #tpu.memory_space<hbm>> -> memref<1024xi32, #tpu.memory_space<hbm>>
      tpu.enqueue_dma source(%dma_start3A_117 : memref<1024xi32, #tpu.memory_space<hbm>>) target(%dma_start3A_116 : memref<1024xi32, #tpu.memory_space<vmem>>) target_semaphore(%run_scoped3A_109 : memref<!tpu.dma_semaphore, #tpu.memory_space<semaphore_mem>>)
      %dma_wait3A_118 = arith.constant 0 : i32
      %dma_wait3A_119 = tpu.memref_slice %arg31[%run_scoped3A, %dma_wait3A_118] : memref<2x1024xi32, #tpu.memory_space<vmem>> -> memref<1x1024xi32, #tpu.memory_space<vmem>>
      %dma_wait3A_120 = tpu.memref_squeeze %dma_wait3A_119 : memref<1x1024xi32, #tpu.memory_space<vmem>> -> memref<1024xi32, #tpu.memory_space<vmem>>
      %dma_wait3A_121 = tpu.memref_slice %arg5[%mul3A_74] : memref<819200xi32, #tpu.memory_space<hbm>> -> memref<1024xi32, #tpu.memory_space<hbm>>
      %dma_wait3A_122 = arith.constant 0 : i32
      %dma_wait3A_123 = tpu.memref_slice %arg31[%run_scoped3A, %dma_wait3A_122] : memref<2x1024xi32, #tpu.memory_space<vmem>> -> memref<1x1024xi32, #tpu.memory_space<vmem>>
      %dma_wait3A_124 = tpu.memref_squeeze %dma_wait3A_123 : memref<1x1024xi32, #tpu.memory_space<vmem>> -> memref<1024xi32, #tpu.memory_space<vmem>>
      %dma_wait3A_125 = tpu.memref_slice %arg5[%mul3A_74] : memref<819200xi32, #tpu.memory_space<hbm>> -> memref<1024xi32, #tpu.memory_space<hbm>>
      tpu.wait_dma2 semaphore(%run_scoped3A_109 : memref<!tpu.dma_semaphore, #tpu.memory_space<semaphore_mem>>) src(%dma_wait3A_125 : memref<1024xi32, #tpu.memory_space<hbm>>) dst(%dma_wait3A_124 : memref<1024xi32, #tpu.memory_space<vmem>>)
      tpu.yield
    }) : () -> ()
    %run_scoped3A_75 = arith.constant 0 : i32
    %run_scoped3A_76 = arith.constant 0 : i32
    "tpu.region"() ({
      %run_scoped3A_109 = tpu.sem_alloc : memref<!tpu.dma_semaphore, #tpu.memory_space<semaphore_mem>>
      %dma_start3A_110 = arith.constant 0 : i32
      %dma_start3A_111 = tpu.memref_slice %arg32[%run_scoped3A_75, %run_scoped3A_76, %dma_start3A_110] : memref<2x4x1024xi32, #tpu.memory_space<vmem>> -> memref<1x1x1024xi32, #tpu.memory_space<vmem>>
      %dma_start3A_112 = tpu.memref_squeeze %dma_start3A_111 : memref<1x1x1024xi32, #tpu.memory_space<vmem>> -> memref<1024xi32, #tpu.memory_space<vmem>>
      %dma_start3A_113 = tpu.memref_slice %arg6[%mul3A_74] : memref<819200xi32, #tpu.memory_space<hbm>> -> memref<1024xi32, #tpu.memory_space<hbm>>
      %dma_start3A_114 = arith.constant 0 : i32
      %dma_start3A_115 = tpu.memref_slice %arg32[%run_scoped3A_75, %run_scoped3A_76, %dma_start3A_114] : memref<2x4x1024xi32, #tpu.memory_space<vmem>> -> memref<1x1x1024xi32, #tpu.memory_space<vmem>>
      %dma_start3A_116 = tpu.memref_squeeze %dma_start3A_115 : memref<1x1x1024xi32, #tpu.memory_space<vmem>> -> memref<1024xi32, #tpu.memory_space<vmem>>
      %dma_start3A_117 = tpu.memref_slice %arg6[%mul3A_74] : memref<819200xi32, #tpu.memory_space<hbm>> -> memref<1024xi32, #tpu.memory_space<hbm>>
      tpu.enqueue_dma source(%dma_start3A_117 : memref<1024xi32, #tpu.memory_space<hbm>>) target(%dma_start3A_116 : memref<1024xi32, #tpu.memory_space<vmem>>) target_semaphore(%run_scoped3A_109 : memref<!tpu.dma_semaphore, #tpu.memory_space<semaphore_mem>>)
      %dma_wait3A_118 = arith.constant 0 : i32
      %dma_wait3A_119 = tpu.memref_slice %arg32[%run_scoped3A_75, %run_scoped3A_76, %dma_wait3A_118] : memref<2x4x1024xi32, #tpu.memory_space<vmem>> -> memref<1x1x1024xi32, #tpu.memory_space<vmem>>
      %dma_wait3A_120 = tpu.memref_squeeze %dma_wait3A_119 : memref<1x1x1024xi32, #tpu.memory_space<vmem>> -> memref<1024xi32, #tpu.memory_space<vmem>>
      %dma_wait3A_121 = tpu.memref_slice %arg6[%mul3A_74] : memref<819200xi32, #tpu.memory_space<hbm>> -> memref<1024xi32, #tpu.memory_space<hbm>>
      %dma_wait3A_122 = arith.constant 0 : i32
      %dma_wait3A_123 = tpu.memref_slice %arg32[%run_scoped3A_75, %run_scoped3A_76, %dma_wait3A_122] : memref<2x4x1024xi32, #tpu.memory_space<vmem>> -> memref<1x1x1024xi32, #tpu.memory_space<vmem>>
      %dma_wait3A_124 = tpu.memref_squeeze %dma_wait3A_123 : memref<1x1x1024xi32, #tpu.memory_space<vmem>> -> memref<1024xi32, #tpu.memory_space<vmem>>
      %dma_wait3A_125 = tpu.memref_slice %arg6[%mul3A_74] : memref<819200xi32, #tpu.memory_space<hbm>> -> memref<1024xi32, #tpu.memory_space<hbm>>
      tpu.wait_dma2 semaphore(%run_scoped3A_109 : memref<!tpu.dma_semaphore, #tpu.memory_space<semaphore_mem>>) src(%dma_wait3A_125 : memref<1024xi32, #tpu.memory_space<hbm>>) dst(%dma_wait3A_124 : memref<1024xi32, #tpu.memory_space<vmem>>)
      tpu.yield
    }) : () -> ()
    %run_scoped3A_77 = arith.constant 0 : i32
    %run_scoped3A_78 = arith.constant 1 : i32
    "tpu.region"() ({
      %run_scoped3A_109 = tpu.sem_alloc : memref<!tpu.dma_semaphore, #tpu.memory_space<semaphore_mem>>
      %dma_start3A_110 = arith.constant 0 : i32
      %dma_start3A_111 = tpu.memref_slice %arg32[%run_scoped3A_77, %run_scoped3A_78, %dma_start3A_110] : memref<2x4x1024xi32, #tpu.memory_space<vmem>> -> memref<1x1x1024xi32, #tpu.memory_space<vmem>>
      %dma_start3A_112 = tpu.memref_squeeze %dma_start3A_111 : memref<1x1x1024xi32, #tpu.memory_space<vmem>> -> memref<1024xi32, #tpu.memory_space<vmem>>
      %dma_start3A_113 = tpu.memref_slice %arg7[%mul3A_74] : memref<819200xi32, #tpu.memory_space<hbm>> -> memref<1024xi32, #tpu.memory_space<hbm>>
      %dma_start3A_114 = arith.constant 0 : i32
      %dma_start3A_115 = tpu.memref_slice %arg32[%run_scoped3A_77, %run_scoped3A_78, %dma_start3A_114] : memref<2x4x1024xi32, #tpu.memory_space<vmem>> -> memref<1x1x1024xi32, #tpu.memory_space<vmem>>
      %dma_start3A_116 = tpu.memref_squeeze %dma_start3A_115 : memref<1x1x1024xi32, #tpu.memory_space<vmem>> -> memref<1024xi32, #tpu.memory_space<vmem>>
      %dma_start3A_117 = tpu.memref_slice %arg7[%mul3A_74] : memref<819200xi32, #tpu.memory_space<hbm>> -> memref<1024xi32, #tpu.memory_space<hbm>>
      tpu.enqueue_dma source(%dma_start3A_117 : memref<1024xi32, #tpu.memory_space<hbm>>) target(%dma_start3A_116 : memref<1024xi32, #tpu.memory_space<vmem>>) target_semaphore(%run_scoped3A_109 : memref<!tpu.dma_semaphore, #tpu.memory_space<semaphore_mem>>)
      %dma_wait3A_118 = arith.constant 0 : i32
      %dma_wait3A_119 = tpu.memref_slice %arg32[%run_scoped3A_77, %run_scoped3A_78, %dma_wait3A_118] : memref<2x4x1024xi32, #tpu.memory_space<vmem>> -> memref<1x1x1024xi32, #tpu.memory_space<vmem>>
      %dma_wait3A_120 = tpu.memref_squeeze %dma_wait3A_119 : memref<1x1x1024xi32, #tpu.memory_space<vmem>> -> memref<1024xi32, #tpu.memory_space<vmem>>
      %dma_wait3A_121 = tpu.memref_slice %arg7[%mul3A_74] : memref<819200xi32, #tpu.memory_space<hbm>> -> memref<1024xi32, #tpu.memory_space<hbm>>
      %dma_wait3A_122 = arith.constant 0 : i32
      %dma_wait3A_123 = tpu.memref_slice %arg32[%run_scoped3A_77, %run_scoped3A_78, %dma_wait3A_122] : memref<2x4x1024xi32, #tpu.memory_space<vmem>> -> memref<1x1x1024xi32, #tpu.memory_space<vmem>>
      %dma_wait3A_124 = tpu.memref_squeeze %dma_wait3A_123 : memref<1x1x1024xi32, #tpu.memory_space<vmem>> -> memref<1024xi32, #tpu.memory_space<vmem>>
      %dma_wait3A_125 = tpu.memref_slice %arg7[%mul3A_74] : memref<819200xi32, #tpu.memory_space<hbm>> -> memref<1024xi32, #tpu.memory_space<hbm>>
      tpu.wait_dma2 semaphore(%run_scoped3A_109 : memref<!tpu.dma_semaphore, #tpu.memory_space<semaphore_mem>>) src(%dma_wait3A_125 : memref<1024xi32, #tpu.memory_space<hbm>>) dst(%dma_wait3A_124 : memref<1024xi32, #tpu.memory_space<vmem>>)
      tpu.yield
    }) : () -> ()
    %run_scoped3A_79 = arith.constant 0 : i32
    %run_scoped3A_80 = arith.constant 2 : i32
    "tpu.region"() ({
      %run_scoped3A_109 = tpu.sem_alloc : memref<!tpu.dma_semaphore, #tpu.memory_space<semaphore_mem>>
      %dma_start3A_110 = arith.constant 0 : i32
      %dma_start3A_111 = tpu.memref_slice %arg32[%run_scoped3A_79, %run_scoped3A_80, %dma_start3A_110] : memref<2x4x1024xi32, #tpu.memory_space<vmem>> -> memref<1x1x1024xi32, #tpu.memory_space<vmem>>
      %dma_start3A_112 = tpu.memref_squeeze %dma_start3A_111 : memref<1x1x1024xi32, #tpu.memory_space<vmem>> -> memref<1024xi32, #tpu.memory_space<vmem>>
      %dma_start3A_113 = tpu.memref_slice %arg8[%mul3A_74] : memref<819200xi32, #tpu.memory_space<hbm>> -> memref<1024xi32, #tpu.memory_space<hbm>>
      %dma_start3A_114 = arith.constant 0 : i32
      %dma_start3A_115 = tpu.memref_slice %arg32[%run_scoped3A_79, %run_scoped3A_80, %dma_start3A_114] : memref<2x4x1024xi32, #tpu.memory_space<vmem>> -> memref<1x1x1024xi32, #tpu.memory_space<vmem>>
      %dma_start3A_116 = tpu.memref_squeeze %dma_start3A_115 : memref<1x1x1024xi32, #tpu.memory_space<vmem>> -> memref<1024xi32, #tpu.memory_space<vmem>>
      %dma_start3A_117 = tpu.memref_slice %arg8[%mul3A_74] : memref<819200xi32, #tpu.memory_space<hbm>> -> memref<1024xi32, #tpu.memory_space<hbm>>
      tpu.enqueue_dma source(%dma_start3A_117 : memref<1024xi32, #tpu.memory_space<hbm>>) target(%dma_start3A_116 : memref<1024xi32, #tpu.memory_space<vmem>>) target_semaphore(%run_scoped3A_109 : memref<!tpu.dma_semaphore, #tpu.memory_space<semaphore_mem>>)
      %dma_wait3A_118 = arith.constant 0 : i32
      %dma_wait3A_119 = tpu.memref_slice %arg32[%run_scoped3A_79, %run_scoped3A_80, %dma_wait3A_118] : memref<2x4x1024xi32, #tpu.memory_space<vmem>> -> memref<1x1x1024xi32, #tpu.memory_space<vmem>>
      %dma_wait3A_120 = tpu.memref_squeeze %dma_wait3A_119 : memref<1x1x1024xi32, #tpu.memory_space<vmem>> -> memref<1024xi32, #tpu.memory_space<vmem>>
      %dma_wait3A_121 = tpu.memref_slice %arg8[%mul3A_74] : memref<819200xi32, #tpu.memory_space<hbm>> -> memref<1024xi32, #tpu.memory_space<hbm>>
      %dma_wait3A_122 = arith.constant 0 : i32
      %dma_wait3A_123 = tpu.memref_slice %arg32[%run_scoped3A_79, %run_scoped3A_80, %dma_wait3A_122] : memref<2x4x1024xi32, #tpu.memory_space<vmem>> -> memref<1x1x1024xi32, #tpu.memory_space<vmem>>
      %dma_wait3A_124 = tpu.memref_squeeze %dma_wait3A_123 : memref<1x1x1024xi32, #tpu.memory_space<vmem>> -> memref<1024xi32, #tpu.memory_space<vmem>>
      %dma_wait3A_125 = tpu.memref_slice %arg8[%mul3A_74] : memref<819200xi32, #tpu.memory_space<hbm>> -> memref<1024xi32, #tpu.memory_space<hbm>>
      tpu.wait_dma2 semaphore(%run_scoped3A_109 : memref<!tpu.dma_semaphore, #tpu.memory_space<semaphore_mem>>) src(%dma_wait3A_125 : memref<1024xi32, #tpu.memory_space<hbm>>) dst(%dma_wait3A_124 : memref<1024xi32, #tpu.memory_space<vmem>>)
      tpu.yield
    }) : () -> ()
    %run_scoped3A_81 = arith.constant 0 : i32
    %run_scoped3A_82 = arith.constant 3 : i32
    "tpu.region"() ({
      %run_scoped3A_109 = tpu.sem_alloc : memref<!tpu.dma_semaphore, #tpu.memory_space<semaphore_mem>>
      %dma_start3A_110 = arith.constant 0 : i32
      %dma_start3A_111 = tpu.memref_slice %arg32[%run_scoped3A_81, %run_scoped3A_82, %dma_start3A_110] : memref<2x4x1024xi32, #tpu.memory_space<vmem>> -> memref<1x1x1024xi32, #tpu.memory_space<vmem>>
      %dma_start3A_112 = tpu.memref_squeeze %dma_start3A_111 : memref<1x1x1024xi32, #tpu.memory_space<vmem>> -> memref<1024xi32, #tpu.memory_space<vmem>>
      %dma_start3A_113 = tpu.memref_slice %arg9[%mul3A_74] : memref<819200xi32, #tpu.memory_space<hbm>> -> memref<1024xi32, #tpu.memory_space<hbm>>
      %dma_start3A_114 = arith.constant 0 : i32
      %dma_start3A_115 = tpu.memref_slice %arg32[%run_scoped3A_81, %run_scoped3A_82, %dma_start3A_114] : memref<2x4x1024xi32, #tpu.memory_space<vmem>> -> memref<1x1x1024xi32, #tpu.memory_space<vmem>>
      %dma_start3A_116 = tpu.memref_squeeze %dma_start3A_115 : memref<1x1x1024xi32, #tpu.memory_space<vmem>> -> memref<1024xi32, #tpu.memory_space<vmem>>
      %dma_start3A_117 = tpu.memref_slice %arg9[%mul3A_74] : memref<819200xi32, #tpu.memory_space<hbm>> -> memref<1024xi32, #tpu.memory_space<hbm>>
      tpu.enqueue_dma source(%dma_start3A_117 : memref<1024xi32, #tpu.memory_space<hbm>>) target(%dma_start3A_116 : memref<1024xi32, #tpu.memory_space<vmem>>) target_semaphore(%run_scoped3A_109 : memref<!tpu.dma_semaphore, #tpu.memory_space<semaphore_mem>>)
      %dma_wait3A_118 = arith.constant 0 : i32
      %dma_wait3A_119 = tpu.memref_slice %arg32[%run_scoped3A_81, %run_scoped3A_82, %dma_wait3A_118] : memref<2x4x1024xi32, #tpu.memory_space<vmem>> -> memref<1x1x1024xi32, #tpu.memory_space<vmem>>
      %dma_wait3A_120 = tpu.memref_squeeze %dma_wait3A_119 : memref<1x1x1024xi32, #tpu.memory_space<vmem>> -> memref<1024xi32, #tpu.memory_space<vmem>>
      %dma_wait3A_121 = tpu.memref_slice %arg9[%mul3A_74] : memref<819200xi32, #tpu.memory_space<hbm>> -> memref<1024xi32, #tpu.memory_space<hbm>>
      %dma_wait3A_122 = arith.constant 0 : i32
      %dma_wait3A_123 = tpu.memref_slice %arg32[%run_scoped3A_81, %run_scoped3A_82, %dma_wait3A_122] : memref<2x4x1024xi32, #tpu.memory_space<vmem>> -> memref<1x1x1024xi32, #tpu.memory_space<vmem>>
      %dma_wait3A_124 = tpu.memref_squeeze %dma_wait3A_123 : memref<1x1x1024xi32, #tpu.memory_space<vmem>> -> memref<1024xi32, #tpu.memory_space<vmem>>
      %dma_wait3A_125 = tpu.memref_slice %arg9[%mul3A_74] : memref<819200xi32, #tpu.memory_space<hbm>> -> memref<1024xi32, #tpu.memory_space<hbm>>
      tpu.wait_dma2 semaphore(%run_scoped3A_109 : memref<!tpu.dma_semaphore, #tpu.memory_space<semaphore_mem>>) src(%dma_wait3A_125 : memref<1024xi32, #tpu.memory_space<hbm>>) dst(%dma_wait3A_124 : memref<1024xi32, #tpu.memory_space<vmem>>)
      tpu.yield
    }) : () -> ()
    %scan3A_83 = arith.constant 0 : i32
    %scan3A_84 = arith.constant 0 : i32
    %scan3A_85 = arith.constant 8 : i32
    %scan3A_86 = arith.addi %scan3A_84, %scan3A_85 : i32
    %scan3A_87 = arith.constant 1 : i32
    scf.for %scan3A_109 = %scan3A_84 to %scan3A_86 step %scan3A_87  : i32 {
      %mul3A_110 = arith.constant 128 : i32
      %mul3A_111 = arith.muli %scan3A_109, %mul3A_110 : i32
      %mul3A_112 = arith.constant 128 : i32
      %mul3A_113 = arith.muli %scan3A_109, %mul3A_112 : i32
      %dma_start3A_114 = arith.constant 0 : i32
      %dma_start3A_115 = arith.constant 0 : i32
      %dma_start3A_116 = arith.constant 0 : i32
      %dma_start3A_117 = arith.constant 0 : i32
      %dma_start3A_118 = tpu.memref_slice %arg33[%dma_start3A_115, %mul3A_113, %dma_start3A_117] : memref<2x1024x16xf32, #tpu.memory_space<vmem>> -> memref<1x128x16xf32, #tpu.memory_space<vmem>>
      %dma_start3A_119 = tpu.memref_squeeze %dma_start3A_118 : memref<1x128x16xf32, #tpu.memory_space<vmem>> -> memref<128x16xf32, #tpu.memory_space<vmem>>
      %dma_start3A_120 = tpu.memref_slice %arg31[%dma_start3A_114, %mul3A_111] : memref<2x1024xi32, #tpu.memory_space<vmem>> -> memref<1x128xi32, #tpu.memory_space<vmem>>
      %dma_start3A_121 = tpu.memref_squeeze %dma_start3A_120 : memref<1x128xi32, #tpu.memory_space<vmem>> -> memref<128xi32, #tpu.memory_space<vmem>>
      %dma_start3A_122 = arith.constant 0 : i32
      %dma_start3A_123 = arith.constant 0 : i32
      %dma_start3A_124 = tpu.memref_slice %arg19[%dma_start3A_122, %dma_start3A_123] : memref<1376567x16xf32, #tpu.memory_space<hbm>> -> memref<1376567x16xf32, #tpu.memory_space<hbm>>
      %dma_start3A_125 = tpu.memref_slice %arg40[%dma_start3A_116] : memref<2x!tpu.dma_semaphore, #tpu.memory_space<semaphore_mem>> -> memref<1x!tpu.dma_semaphore, #tpu.memory_space<semaphore_mem>>
      %dma_start3A_126 = tpu.memref_squeeze %dma_start3A_125 : memref<1x!tpu.dma_semaphore, #tpu.memory_space<semaphore_mem>> -> memref<!tpu.dma_semaphore, #tpu.memory_space<semaphore_mem>>
      tpu.enqueue_indirect_dma source(%dma_start3A_124 : memref<1376567x16xf32, #tpu.memory_space<hbm>>) target(%dma_start3A_119 : memref<128x16xf32, #tpu.memory_space<vmem>>) offsets(%dma_start3A_121 : memref<128xi32, #tpu.memory_space<vmem>>) semaphore(%dma_start3A_126 : memref<!tpu.dma_semaphore, #tpu.memory_space<semaphore_mem>>)
    }
    %scan3A_88 = arith.constant 8 : i32
    %scan3A_89 = arith.constant 0 : i32
    %scan3A_90 = arith.constant 0 : i32
    %scan3A_91 = arith.constant 25 : i32
    %scan3A_92 = arith.addi %scan3A_90, %scan3A_91 : i32
    %scan3A_93 = arith.constant 1 : i32
    scf.for %scan3A_109 = %scan3A_90 to %scan3A_92 step %scan3A_93  : i32 {
      %jit3A = arith.constant 2 : i32
      %eq3A = arith.constant 0 : i32
      %eq3A_110 = arith.cmpi eq, %jit3A, %eq3A : i32
      %jit3A_111 = arith.constant 1 : i32
      %select_n3A = arith.select %eq3A_110, %jit3A_111, %jit3A : i32
      %rem3A = arith.remsi %scan3A_109, %select_n3A : i32
      %ne3A = arith.constant 0 : i32
      %ne3A_112 = arith.cmpi ne, %rem3A, %ne3A : i32
      %lt3A = arith.constant 0 : i32
      %lt3A_113 = arith.cmpi slt, %rem3A, %lt3A : i32
      %lt3A_114 = arith.constant 0 : i32
      %lt3A_115 = arith.cmpi slt, %select_n3A, %lt3A_114 : i32
      %ne3A_116 = arith.xori %lt3A_113, %lt3A_115 : i1
      %and3A = arith.andi %ne3A_116, %ne3A_112 : i1
      %add3A_117 = arith.addi %rem3A, %select_n3A : i32
      %select_n3A_118 = arith.select %and3A, %add3A_117, %rem3A : i32
      %sub3A = arith.constant 1 : i32
      %sub3A_119 = arith.subi %sub3A, %select_n3A_118 : i32
      %mul3A_120 = arith.constant 25600 : i32
      %mul3A_121 = arith.muli %add3A, %mul3A_120 : i32
      %mul3A_122 = arith.constant 1024 : i32
      %mul3A_123 = arith.muli %scan3A_109, %mul3A_122 : i32
      %add3A_124 = arith.addi %mul3A_121, %mul3A_123 : i32
      %ge3A = arith.constant 2 : i32
      %ge3A_125 = arith.cmpi sge, %scan3A_109, %ge3A : i32
      %convert_element_type3A = arith.extui %ge3A_125 : i1 to i32
      %cond3A = arith.constant 0 : i32
      %cond3A_126 = arith.cmpi ne, %convert_element_type3A, %cond3A : i32
      scf.if %cond3A_126 {
        %scan3A_211 = arith.constant 0 : i32
        %scan3A_212 = arith.constant 0 : i32
        %scan3A_213 = arith.constant 28 : i32
        %scan3A_214 = arith.addi %scan3A_212, %scan3A_213 : i32
        %scan3A_215 = arith.constant 1 : i32
        scf.for %scan3A_217 = %scan3A_212 to %scan3A_214 step %scan3A_215  : i32 {
          %dma_wait3A_218 = arith.constant 0 : i32
          %dma_wait3A_219 = arith.constant 0 : i32
          %dma_wait3A_220 = arith.constant 0 : i32
          %dma_wait3A_221 = arith.constant 0 : i32
          %dma_wait3A_222 = tpu.memref_slice %arg34[%dma_wait3A_218, %dma_wait3A_219, %dma_wait3A_221] : memref<2x28x1024xf32, #tpu.memory_space<vmem>> -> memref<1x1x1024xf32, #tpu.memory_space<vmem>>
          %dma_wait3A_223 = tpu.memref_squeeze %dma_wait3A_222 : memref<1x1x1024xf32, #tpu.memory_space<vmem>> -> memref<1024xf32, #tpu.memory_space<vmem>>
          %dma_wait3A_224 = arith.constant 0 : i32
          %dma_wait3A_225 = tpu.memref_slice %arg22[%dma_wait3A_220, %dma_wait3A_224] : memref<28x819200xf32, #tpu.memory_space<hbm>> -> memref<1x1024xf32, #tpu.memory_space<hbm>>
          %dma_wait3A_226 = tpu.memref_squeeze %dma_wait3A_225 : memref<1x1024xf32, #tpu.memory_space<hbm>> -> memref<1024xf32, #tpu.memory_space<hbm>>
          %dma_wait3A_227 = tpu.memref_slice %arg42[%select_n3A_118] : memref<2x!tpu.dma_semaphore, #tpu.memory_space<semaphore_mem>> -> memref<1x!tpu.dma_semaphore, #tpu.memory_space<semaphore_mem>>
          %dma_wait3A_228 = tpu.memref_squeeze %dma_wait3A_227 : memref<1x!tpu.dma_semaphore, #tpu.memory_space<semaphore_mem>> -> memref<!tpu.dma_semaphore, #tpu.memory_space<semaphore_mem>>
          %dma_wait3A_229 = arith.constant 0 : i32
          %dma_wait3A_230 = tpu.memref_slice %arg22[%dma_wait3A_220, %dma_wait3A_229] : memref<28x819200xf32, #tpu.memory_space<hbm>> -> memref<1x1024xf32, #tpu.memory_space<hbm>>
          %dma_wait3A_231 = tpu.memref_squeeze %dma_wait3A_230 : memref<1x1024xf32, #tpu.memory_space<hbm>> -> memref<1024xf32, #tpu.memory_space<hbm>>
          %dma_wait3A_232 = arith.constant 0 : i32
          %dma_wait3A_233 = tpu.memref_slice %arg34[%dma_wait3A_218, %dma_wait3A_219, %dma_wait3A_232] : memref<2x28x1024xf32, #tpu.memory_space<vmem>> -> memref<1x1x1024xf32, #tpu.memory_space<vmem>>
          %dma_wait3A_234 = tpu.memref_squeeze %dma_wait3A_233 : memref<1x1x1024xf32, #tpu.memory_space<vmem>> -> memref<1024xf32, #tpu.memory_space<vmem>>
          tpu.wait_dma2 semaphore(%dma_wait3A_228 : memref<!tpu.dma_semaphore, #tpu.memory_space<semaphore_mem>>) src(%dma_wait3A_234 : memref<1024xf32, #tpu.memory_space<vmem>>) dst(%dma_wait3A_231 : memref<1024xf32, #tpu.memory_space<hbm>>)
        }
        %scan3A_216 = arith.constant 28 : i32
      } else {
      }
      %dma_start3A_127 = arith.constant 24 : i32
      %dma_start3A_128 = arith.constant 0 : i32
      %dma_start3A_129 = tpu.memref_slice %arg34[%select_n3A_118, %dma_start3A_127, %dma_start3A_128] : memref<2x28x1024xf32, #tpu.memory_space<vmem>> -> memref<1x1x1024xf32, #tpu.memory_space<vmem>>
      %dma_start3A_130 = tpu.memref_squeeze %dma_start3A_129 : memref<1x1x1024xf32, #tpu.memory_space<vmem>> -> memref<1024xf32, #tpu.memory_space<vmem>>
      %dma_start3A_131 = tpu.memref_slice %arg10[%add3A_124] : memref<819200xf32, #tpu.memory_space<hbm>> -> memref<1024xf32, #tpu.memory_space<hbm>>
      %dma_start3A_132 = tpu.memref_slice %arg41[%select_n3A_118] : memref<2x!tpu.dma_semaphore, #tpu.memory_space<semaphore_mem>> -> memref<1x!tpu.dma_semaphore, #tpu.memory_space<semaphore_mem>>
      %dma_start3A_133 = tpu.memref_squeeze %dma_start3A_132 : memref<1x!tpu.dma_semaphore, #tpu.memory_space<semaphore_mem>> -> memref<!tpu.dma_semaphore, #tpu.memory_space<semaphore_mem>>
      %dma_start3A_134 = arith.constant 0 : i32
      %dma_start3A_135 = tpu.memref_slice %arg34[%select_n3A_118, %dma_start3A_127, %dma_start3A_134] : memref<2x28x1024xf32, #tpu.memory_space<vmem>> -> memref<1x1x1024xf32, #tpu.memory_space<vmem>>
      %dma_start3A_136 = tpu.memref_squeeze %dma_start3A_135 : memref<1x1x1024xf32, #tpu.memory_space<vmem>> -> memref<1024xf32, #tpu.memory_space<vmem>>
      %dma_start3A_137 = tpu.memref_slice %arg10[%add3A_124] : memref<819200xf32, #tpu.memory_space<hbm>> -> memref<1024xf32, #tpu.memory_space<hbm>>
      tpu.enqueue_dma source(%dma_start3A_137 : memref<1024xf32, #tpu.memory_space<hbm>>) target(%dma_start3A_136 : memref<1024xf32, #tpu.memory_space<vmem>>) target_semaphore(%dma_start3A_133 : memref<!tpu.dma_semaphore, #tpu.memory_space<semaphore_mem>>)
      %dma_start3A_138 = arith.constant 25 : i32
      %dma_start3A_139 = arith.constant 0 : i32
      %dma_start3A_140 = tpu.memref_slice %arg34[%select_n3A_118, %dma_start3A_138, %dma_start3A_139] : memref<2x28x1024xf32, #tpu.memory_space<vmem>> -> memref<1x1x1024xf32, #tpu.memory_space<vmem>>
      %dma_start3A_141 = tpu.memref_squeeze %dma_start3A_140 : memref<1x1x1024xf32, #tpu.memory_space<vmem>> -> memref<1024xf32, #tpu.memory_space<vmem>>
      %dma_start3A_142 = tpu.memref_slice %arg11[%add3A_124] : memref<819200xf32, #tpu.memory_space<hbm>> -> memref<1024xf32, #tpu.memory_space<hbm>>
      %dma_start3A_143 = tpu.memref_slice %arg41[%select_n3A_118] : memref<2x!tpu.dma_semaphore, #tpu.memory_space<semaphore_mem>> -> memref<1x!tpu.dma_semaphore, #tpu.memory_space<semaphore_mem>>
      %dma_start3A_144 = tpu.memref_squeeze %dma_start3A_143 : memref<1x!tpu.dma_semaphore, #tpu.memory_space<semaphore_mem>> -> memref<!tpu.dma_semaphore, #tpu.memory_space<semaphore_mem>>
      %dma_start3A_145 = arith.constant 0 : i32
      %dma_start3A_146 = tpu.memref_slice %arg34[%select_n3A_118, %dma_start3A_138, %dma_start3A_145] : memref<2x28x1024xf32, #tpu.memory_space<vmem>> -> memref<1x1x1024xf32, #tpu.memory_space<vmem>>
      %dma_start3A_147 = tpu.memref_squeeze %dma_start3A_146 : memref<1x1x1024xf32, #tpu.memory_space<vmem>> -> memref<1024xf32, #tpu.memory_space<vmem>>
      %dma_start3A_148 = tpu.memref_slice %arg11[%add3A_124] : memref<819200xf32, #tpu.memory_space<hbm>> -> memref<1024xf32, #tpu.memory_space<hbm>>
      tpu.enqueue_dma source(%dma_start3A_148 : memref<1024xf32, #tpu.memory_space<hbm>>) target(%dma_start3A_147 : memref<1024xf32, #tpu.memory_space<vmem>>) target_semaphore(%dma_start3A_144 : memref<!tpu.dma_semaphore, #tpu.memory_space<semaphore_mem>>)
      %dma_start3A_149 = arith.constant 26 : i32
      %dma_start3A_150 = arith.constant 0 : i32
      %dma_start3A_151 = tpu.memref_slice %arg34[%select_n3A_118, %dma_start3A_149, %dma_start3A_150] : memref<2x28x1024xf32, #tpu.memory_space<vmem>> -> memref<1x1x1024xf32, #tpu.memory_space<vmem>>
      %dma_start3A_152 = tpu.memref_squeeze %dma_start3A_151 : memref<1x1x1024xf32, #tpu.memory_space<vmem>> -> memref<1024xf32, #tpu.memory_space<vmem>>
      %dma_start3A_153 = tpu.memref_slice %arg12[%add3A_124] : memref<819200xf32, #tpu.memory_space<hbm>> -> memref<1024xf32, #tpu.memory_space<hbm>>
      %dma_start3A_154 = tpu.memref_slice %arg41[%select_n3A_118] : memref<2x!tpu.dma_semaphore, #tpu.memory_space<semaphore_mem>> -> memref<1x!tpu.dma_semaphore, #tpu.memory_space<semaphore_mem>>
      %dma_start3A_155 = tpu.memref_squeeze %dma_start3A_154 : memref<1x!tpu.dma_semaphore, #tpu.memory_space<semaphore_mem>> -> memref<!tpu.dma_semaphore, #tpu.memory_space<semaphore_mem>>
      %dma_start3A_156 = arith.constant 0 : i32
      %dma_start3A_157 = tpu.memref_slice %arg34[%select_n3A_118, %dma_start3A_149, %dma_start3A_156] : memref<2x28x1024xf32, #tpu.memory_space<vmem>> -> memref<1x1x1024xf32, #tpu.memory_space<vmem>>
      %dma_start3A_158 = tpu.memref_squeeze %dma_start3A_157 : memref<1x1x1024xf32, #tpu.memory_space<vmem>> -> memref<1024xf32, #tpu.memory_space<vmem>>
      %dma_start3A_159 = tpu.memref_slice %arg12[%add3A_124] : memref<819200xf32, #tpu.memory_space<hbm>> -> memref<1024xf32, #tpu.memory_space<hbm>>
      tpu.enqueue_dma source(%dma_start3A_159 : memref<1024xf32, #tpu.memory_space<hbm>>) target(%dma_start3A_158 : memref<1024xf32, #tpu.memory_space<vmem>>) target_semaphore(%dma_start3A_155 : memref<!tpu.dma_semaphore, #tpu.memory_space<semaphore_mem>>)
      %dma_start3A_160 = arith.constant 27 : i32
      %dma_start3A_161 = arith.constant 0 : i32
      %dma_start3A_162 = tpu.memref_slice %arg34[%select_n3A_118, %dma_start3A_160, %dma_start3A_161] : memref<2x28x1024xf32, #tpu.memory_space<vmem>> -> memref<1x1x1024xf32, #tpu.memory_space<vmem>>
      %dma_start3A_163 = tpu.memref_squeeze %dma_start3A_162 : memref<1x1x1024xf32, #tpu.memory_space<vmem>> -> memref<1024xf32, #tpu.memory_space<vmem>>
      %dma_start3A_164 = tpu.memref_slice %arg13[%add3A_124] : memref<819200xf32, #tpu.memory_space<hbm>> -> memref<1024xf32, #tpu.memory_space<hbm>>
      %dma_start3A_165 = tpu.memref_slice %arg41[%select_n3A_118] : memref<2x!tpu.dma_semaphore, #tpu.memory_space<semaphore_mem>> -> memref<1x!tpu.dma_semaphore, #tpu.memory_space<semaphore_mem>>
      %dma_start3A_166 = tpu.memref_squeeze %dma_start3A_165 : memref<1x!tpu.dma_semaphore, #tpu.memory_space<semaphore_mem>> -> memref<!tpu.dma_semaphore, #tpu.memory_space<semaphore_mem>>
      %dma_start3A_167 = arith.constant 0 : i32
      %dma_start3A_168 = tpu.memref_slice %arg34[%select_n3A_118, %dma_start3A_160, %dma_start3A_167] : memref<2x28x1024xf32, #tpu.memory_space<vmem>> -> memref<1x1x1024xf32, #tpu.memory_space<vmem>>
      %dma_start3A_169 = tpu.memref_squeeze %dma_start3A_168 : memref<1x1x1024xf32, #tpu.memory_space<vmem>> -> memref<1024xf32, #tpu.memory_space<vmem>>
      %dma_start3A_170 = tpu.memref_slice %arg13[%add3A_124] : memref<819200xf32, #tpu.memory_space<hbm>> -> memref<1024xf32, #tpu.memory_space<hbm>>
      tpu.enqueue_dma source(%dma_start3A_170 : memref<1024xf32, #tpu.memory_space<hbm>>) target(%dma_start3A_169 : memref<1024xf32, #tpu.memory_space<vmem>>) target_semaphore(%dma_start3A_166 : memref<!tpu.dma_semaphore, #tpu.memory_space<semaphore_mem>>)
      %lt3A_171 = arith.constant 24 : i32
      %lt3A_172 = arith.cmpi slt, %scan3A_109, %lt3A_171 : i32
      %convert_element_type3A_173 = arith.extui %lt3A_172 : i1 to i32
      %cond3A_174 = arith.constant 0 : i32
      %cond3A_175 = arith.cmpi ne, %convert_element_type3A_173, %cond3A_174 : i32
      scf.if %cond3A_175 {
        %add3A_211 = arith.constant 1 : i32
        %add3A_212 = arith.addi %scan3A_109, %add3A_211 : i32
        %mul3A_213 = arith.constant 25600 : i32
        %mul3A_214 = arith.muli %add3A, %mul3A_213 : i32
        %mul3A_215 = arith.constant 1024 : i32
        %mul3A_216 = arith.muli %add3A_212, %mul3A_215 : i32
        %add3A_217 = arith.addi %mul3A_214, %mul3A_216 : i32
        %dma_start3A_218 = arith.constant 0 : i32
        %dma_start3A_219 = tpu.memref_slice %arg31[%sub3A_119, %dma_start3A_218] : memref<2x1024xi32, #tpu.memory_space<vmem>> -> memref<1x1024xi32, #tpu.memory_space<vmem>>
        %dma_start3A_220 = tpu.memref_squeeze %dma_start3A_219 : memref<1x1024xi32, #tpu.memory_space<vmem>> -> memref<1024xi32, #tpu.memory_space<vmem>>
        %dma_start3A_221 = tpu.memref_slice %arg5[%add3A_217] : memref<819200xi32, #tpu.memory_space<hbm>> -> memref<1024xi32, #tpu.memory_space<hbm>>
        %dma_start3A_222 = tpu.memref_slice %arg39[%sub3A_119] : memref<2x!tpu.dma_semaphore, #tpu.memory_space<semaphore_mem>> -> memref<1x!tpu.dma_semaphore, #tpu.memory_space<semaphore_mem>>
        %dma_start3A_223 = tpu.memref_squeeze %dma_start3A_222 : memref<1x!tpu.dma_semaphore, #tpu.memory_space<semaphore_mem>> -> memref<!tpu.dma_semaphore, #tpu.memory_space<semaphore_mem>>
        %dma_start3A_224 = arith.constant 0 : i32
        %dma_start3A_225 = tpu.memref_slice %arg31[%sub3A_119, %dma_start3A_224] : memref<2x1024xi32, #tpu.memory_space<vmem>> -> memref<1x1024xi32, #tpu.memory_space<vmem>>
        %dma_start3A_226 = tpu.memref_squeeze %dma_start3A_225 : memref<1x1024xi32, #tpu.memory_space<vmem>> -> memref<1024xi32, #tpu.memory_space<vmem>>
        %dma_start3A_227 = tpu.memref_slice %arg5[%add3A_217] : memref<819200xi32, #tpu.memory_space<hbm>> -> memref<1024xi32, #tpu.memory_space<hbm>>
        tpu.enqueue_dma source(%dma_start3A_227 : memref<1024xi32, #tpu.memory_space<hbm>>) target(%dma_start3A_226 : memref<1024xi32, #tpu.memory_space<vmem>>) target_semaphore(%dma_start3A_223 : memref<!tpu.dma_semaphore, #tpu.memory_space<semaphore_mem>>)
        %dma_start3A_228 = arith.constant 0 : i32
        %dma_start3A_229 = arith.constant 0 : i32
        %dma_start3A_230 = tpu.memref_slice %arg32[%sub3A_119, %dma_start3A_228, %dma_start3A_229] : memref<2x4x1024xi32, #tpu.memory_space<vmem>> -> memref<1x1x1024xi32, #tpu.memory_space<vmem>>
        %dma_start3A_231 = tpu.memref_squeeze %dma_start3A_230 : memref<1x1x1024xi32, #tpu.memory_space<vmem>> -> memref<1024xi32, #tpu.memory_space<vmem>>
        %dma_start3A_232 = tpu.memref_slice %arg6[%add3A_217] : memref<819200xi32, #tpu.memory_space<hbm>> -> memref<1024xi32, #tpu.memory_space<hbm>>
        %dma_start3A_233 = tpu.memref_slice %arg39[%sub3A_119] : memref<2x!tpu.dma_semaphore, #tpu.memory_space<semaphore_mem>> -> memref<1x!tpu.dma_semaphore, #tpu.memory_space<semaphore_mem>>
        %dma_start3A_234 = tpu.memref_squeeze %dma_start3A_233 : memref<1x!tpu.dma_semaphore, #tpu.memory_space<semaphore_mem>> -> memref<!tpu.dma_semaphore, #tpu.memory_space<semaphore_mem>>
        %dma_start3A_235 = arith.constant 0 : i32
        %dma_start3A_236 = tpu.memref_slice %arg32[%sub3A_119, %dma_start3A_228, %dma_start3A_235] : memref<2x4x1024xi32, #tpu.memory_space<vmem>> -> memref<1x1x1024xi32, #tpu.memory_space<vmem>>
        %dma_start3A_237 = tpu.memref_squeeze %dma_start3A_236 : memref<1x1x1024xi32, #tpu.memory_space<vmem>> -> memref<1024xi32, #tpu.memory_space<vmem>>
        %dma_start3A_238 = tpu.memref_slice %arg6[%add3A_217] : memref<819200xi32, #tpu.memory_space<hbm>> -> memref<1024xi32, #tpu.memory_space<hbm>>
        tpu.enqueue_dma source(%dma_start3A_238 : memref<1024xi32, #tpu.memory_space<hbm>>) target(%dma_start3A_237 : memref<1024xi32, #tpu.memory_space<vmem>>) target_semaphore(%dma_start3A_234 : memref<!tpu.dma_semaphore, #tpu.memory_space<semaphore_mem>>)
        %dma_start3A_239 = arith.constant 1 : i32
        %dma_start3A_240 = arith.constant 0 : i32
        %dma_start3A_241 = tpu.memref_slice %arg32[%sub3A_119, %dma_start3A_239, %dma_start3A_240] : memref<2x4x1024xi32, #tpu.memory_space<vmem>> -> memref<1x1x1024xi32, #tpu.memory_space<vmem>>
        %dma_start3A_242 = tpu.memref_squeeze %dma_start3A_241 : memref<1x1x1024xi32, #tpu.memory_space<vmem>> -> memref<1024xi32, #tpu.memory_space<vmem>>
        %dma_start3A_243 = tpu.memref_slice %arg7[%add3A_217] : memref<819200xi32, #tpu.memory_space<hbm>> -> memref<1024xi32, #tpu.memory_space<hbm>>
        %dma_start3A_244 = tpu.memref_slice %arg39[%sub3A_119] : memref<2x!tpu.dma_semaphore, #tpu.memory_space<semaphore_mem>> -> memref<1x!tpu.dma_semaphore, #tpu.memory_space<semaphore_mem>>
        %dma_start3A_245 = tpu.memref_squeeze %dma_start3A_244 : memref<1x!tpu.dma_semaphore, #tpu.memory_space<semaphore_mem>> -> memref<!tpu.dma_semaphore, #tpu.memory_space<semaphore_mem>>
        %dma_start3A_246 = arith.constant 0 : i32
        %dma_start3A_247 = tpu.memref_slice %arg32[%sub3A_119, %dma_start3A_239, %dma_start3A_246] : memref<2x4x1024xi32, #tpu.memory_space<vmem>> -> memref<1x1x1024xi32, #tpu.memory_space<vmem>>
        %dma_start3A_248 = tpu.memref_squeeze %dma_start3A_247 : memref<1x1x1024xi32, #tpu.memory_space<vmem>> -> memref<1024xi32, #tpu.memory_space<vmem>>
        %dma_start3A_249 = tpu.memref_slice %arg7[%add3A_217] : memref<819200xi32, #tpu.memory_space<hbm>> -> memref<1024xi32, #tpu.memory_space<hbm>>
        tpu.enqueue_dma source(%dma_start3A_249 : memref<1024xi32, #tpu.memory_space<hbm>>) target(%dma_start3A_248 : memref<1024xi32, #tpu.memory_space<vmem>>) target_semaphore(%dma_start3A_245 : memref<!tpu.dma_semaphore, #tpu.memory_space<semaphore_mem>>)
        %dma_start3A_250 = arith.constant 2 : i32
        %dma_start3A_251 = arith.constant 0 : i32
        %dma_start3A_252 = tpu.memref_slice %arg32[%sub3A_119, %dma_start3A_250, %dma_start3A_251] : memref<2x4x1024xi32, #tpu.memory_space<vmem>> -> memref<1x1x1024xi32, #tpu.memory_space<vmem>>
        %dma_start3A_253 = tpu.memref_squeeze %dma_start3A_252 : memref<1x1x1024xi32, #tpu.memory_space<vmem>> -> memref<1024xi32, #tpu.memory_space<vmem>>
        %dma_start3A_254 = tpu.memref_slice %arg8[%add3A_217] : memref<819200xi32, #tpu.memory_space<hbm>> -> memref<1024xi32, #tpu.memory_space<hbm>>
        %dma_start3A_255 = tpu.memref_slice %arg39[%sub3A_119] : memref<2x!tpu.dma_semaphore, #tpu.memory_space<semaphore_mem>> -> memref<1x!tpu.dma_semaphore, #tpu.memory_space<semaphore_mem>>
        %dma_start3A_256 = tpu.memref_squeeze %dma_start3A_255 : memref<1x!tpu.dma_semaphore, #tpu.memory_space<semaphore_mem>> -> memref<!tpu.dma_semaphore, #tpu.memory_space<semaphore_mem>>
        %dma_start3A_257 = arith.constant 0 : i32
        %dma_start3A_258 = tpu.memref_slice %arg32[%sub3A_119, %dma_start3A_250, %dma_start3A_257] : memref<2x4x1024xi32, #tpu.memory_space<vmem>> -> memref<1x1x1024xi32, #tpu.memory_space<vmem>>
        %dma_start3A_259 = tpu.memref_squeeze %dma_start3A_258 : memref<1x1x1024xi32, #tpu.memory_space<vmem>> -> memref<1024xi32, #tpu.memory_space<vmem>>
        %dma_start3A_260 = tpu.memref_slice %arg8[%add3A_217] : memref<819200xi32, #tpu.memory_space<hbm>> -> memref<1024xi32, #tpu.memory_space<hbm>>
        tpu.enqueue_dma source(%dma_start3A_260 : memref<1024xi32, #tpu.memory_space<hbm>>) target(%dma_start3A_259 : memref<1024xi32, #tpu.memory_space<vmem>>) target_semaphore(%dma_start3A_256 : memref<!tpu.dma_semaphore, #tpu.memory_space<semaphore_mem>>)
        %dma_start3A_261 = arith.constant 3 : i32
        %dma_start3A_262 = arith.constant 0 : i32
        %dma_start3A_263 = tpu.memref_slice %arg32[%sub3A_119, %dma_start3A_261, %dma_start3A_262] : memref<2x4x1024xi32, #tpu.memory_space<vmem>> -> memref<1x1x1024xi32, #tpu.memory_space<vmem>>
        %dma_start3A_264 = tpu.memref_squeeze %dma_start3A_263 : memref<1x1x1024xi32, #tpu.memory_space<vmem>> -> memref<1024xi32, #tpu.memory_space<vmem>>
        %dma_start3A_265 = tpu.memref_slice %arg9[%add3A_217] : memref<819200xi32, #tpu.memory_space<hbm>> -> memref<1024xi32, #tpu.memory_space<hbm>>
        %dma_start3A_266 = tpu.memref_slice %arg39[%sub3A_119] : memref<2x!tpu.dma_semaphore, #tpu.memory_space<semaphore_mem>> -> memref<1x!tpu.dma_semaphore, #tpu.memory_space<semaphore_mem>>
        %dma_start3A_267 = tpu.memref_squeeze %dma_start3A_266 : memref<1x!tpu.dma_semaphore, #tpu.memory_space<semaphore_mem>> -> memref<!tpu.dma_semaphore, #tpu.memory_space<semaphore_mem>>
        %dma_start3A_268 = arith.constant 0 : i32
        %dma_start3A_269 = tpu.memref_slice %arg32[%sub3A_119, %dma_start3A_261, %dma_start3A_268] : memref<2x4x1024xi32, #tpu.memory_space<vmem>> -> memref<1x1x1024xi32, #tpu.memory_space<vmem>>
        %dma_start3A_270 = tpu.memref_squeeze %dma_start3A_269 : memref<1x1x1024xi32, #tpu.memory_space<vmem>> -> memref<1024xi32, #tpu.memory_space<vmem>>
        %dma_start3A_271 = tpu.memref_slice %arg9[%add3A_217] : memref<819200xi32, #tpu.memory_space<hbm>> -> memref<1024xi32, #tpu.memory_space<hbm>>
        tpu.enqueue_dma source(%dma_start3A_271 : memref<1024xi32, #tpu.memory_space<hbm>>) target(%dma_start3A_270 : memref<1024xi32, #tpu.memory_space<vmem>>) target_semaphore(%dma_start3A_267 : memref<!tpu.dma_semaphore, #tpu.memory_space<semaphore_mem>>)
      } else {
      }
      %scan3A_176 = arith.constant 0 : i32
      %scan3A_177 = arith.constant 0 : i32
      %scan3A_178 = arith.constant 64 : i32
      %scan3A_179 = arith.addi %scan3A_177, %scan3A_178 : i32
      %scan3A_180 = arith.constant 1 : i32
      scf.for %scan3A_211 = %scan3A_177 to %scan3A_179 step %scan3A_180  : i32 {
        %mul3A_212 = arith.constant 16 : i32
        %mul3A_213 = arith.muli %scan3A_211, %mul3A_212 : i32
        %get3A_214 = arith.constant 0 : i32
        %get3A_215 = arith.index_cast %select_n3A_118 : i32 to index
        %get3A_216 = arith.index_cast %get3A_214 : i32 to index
        %get3A_217 = arith.index_cast %mul3A_213 : i32 to index
        %get3A_218 = tpu.vector_load %arg32[%get3A_215, %get3A_216, %get3A_217] {strides = array<i32>} : memref<2x4x1024xi32, #tpu.memory_space<vmem>>, vector<16xi32>,
        %lt3A_219 = arith.constant 0 : i32
        %lt3A_220 = vector.broadcast %lt3A_219 : i32 to vector<16xi32>
        %lt3A_221 = arith.cmpi slt, %get3A_218, %lt3A_220 : vector<16xi32>
        %add3A_222 = arith.constant 16 : i32
        %add3A_223 = vector.broadcast %add3A_222 : i32 to vector<16xi32>
        %add3A_224 = arith.addi %get3A_218, %add3A_223 : vector<16xi32>
        %select_n3A_225 = arith.select %lt3A_221, %add3A_224, %get3A_218 : vector<16xi1>, vector<16xi32>
        %broadcast_in_dim3A = vector.shape_cast %select_n3A_225 : vector<16xi32> to vector<16x1xi32>
        %gather3A = vector.shape_cast %broadcast_in_dim3A : vector<16x1xi32> to vector<16xi32>
        %gather3A_226 = tpu.dynamic_gather %get3A_3[%gather3A] in [0] : vector<16xf32>, vector<16xi32> -> vector<16xf32>
        %swap3A = arith.constant 16 : i32
        %swap3A_227 = arith.index_cast %select_n3A_118 : i32 to index
        %swap3A_228 = arith.index_cast %swap3A : i32 to index
        %swap3A_229 = arith.index_cast %mul3A_213 : i32 to index
        %swap3A_230 = tpu.vector_load %arg34[%swap3A_227, %swap3A_228, %swap3A_229] {strides = array<i32>} : memref<2x28x1024xf32, #tpu.memory_space<vmem>>, vector<16xf32>,
        tpu.vector_store %arg34[%swap3A_227, %swap3A_228, %swap3A_229], %gather3A_226 {strides = array<i32>} : memref<2x28x1024xf32, #tpu.memory_space<vmem>>, vector<16xf32>,
        %lt3A_231 = arith.constant 0 : i32
        %lt3A_232 = vector.broadcast %lt3A_231 : i32 to vector<16xi32>
        %lt3A_233 = arith.cmpi slt, %get3A_218, %lt3A_232 : vector<16xi32>
        %add3A_234 = arith.constant 16 : i32
        %add3A_235 = vector.broadcast %add3A_234 : i32 to vector<16xi32>
        %add3A_236 = arith.addi %get3A_218, %add3A_235 : vector<16xi32>
        %select_n3A_237 = arith.select %lt3A_233, %add3A_236, %get3A_218 : vector<16xi1>, vector<16xi32>
        %broadcast_in_dim3A_238 = vector.shape_cast %select_n3A_237 : vector<16xi32> to vector<16x1xi32>
        %gather3A_239 = vector.shape_cast %broadcast_in_dim3A_238 : vector<16x1xi32> to vector<16xi32>
        %gather3A_240 = tpu.dynamic_gather %get3A_7[%gather3A_239] in [0] : vector<16xf32>, vector<16xi32> -> vector<16xf32>
        %swap3A_241 = arith.constant 17 : i32
        %swap3A_242 = arith.index_cast %select_n3A_118 : i32 to index
        %swap3A_243 = arith.index_cast %swap3A_241 : i32 to index
        %swap3A_244 = arith.index_cast %mul3A_213 : i32 to index
        %swap3A_245 = tpu.vector_load %arg34[%swap3A_242, %swap3A_243, %swap3A_244] {strides = array<i32>} : memref<2x28x1024xf32, #tpu.memory_space<vmem>>, vector<16xf32>,
        tpu.vector_store %arg34[%swap3A_242, %swap3A_243, %swap3A_244], %gather3A_240 {strides = array<i32>} : memref<2x28x1024xf32, #tpu.memory_space<vmem>>, vector<16xf32>,
        %get3A_246 = arith.constant 1 : i32
        %get3A_247 = arith.index_cast %select_n3A_118 : i32 to index
        %get3A_248 = arith.index_cast %get3A_246 : i32 to index
        %get3A_249 = arith.index_cast %mul3A_213 : i32 to index
        %get3A_250 = tpu.vector_load %arg32[%get3A_247, %get3A_248, %get3A_249] {strides = array<i32>} : memref<2x4x1024xi32, #tpu.memory_space<vmem>>, vector<16xi32>,
        %lt3A_251 = arith.constant 0 : i32
        %lt3A_252 = vector.broadcast %lt3A_251 : i32 to vector<16xi32>
        %lt3A_253 = arith.cmpi slt, %get3A_250, %lt3A_252 : vector<16xi32>
        %add3A_254 = arith.constant 16 : i32
        %add3A_255 = vector.broadcast %add3A_254 : i32 to vector<16xi32>
        %add3A_256 = arith.addi %get3A_250, %add3A_255 : vector<16xi32>
        %select_n3A_257 = arith.select %lt3A_253, %add3A_256, %get3A_250 : vector<16xi1>, vector<16xi32>
        %broadcast_in_dim3A_258 = vector.shape_cast %select_n3A_257 : vector<16xi32> to vector<16x1xi32>
        %gather3A_259 = vector.shape_cast %broadcast_in_dim3A_258 : vector<16x1xi32> to vector<16xi32>
        %gather3A_260 = tpu.dynamic_gather %get3A_11[%gather3A_259] in [0] : vector<16xf32>, vector<16xi32> -> vector<16xf32>
        %swap3A_261 = arith.constant 18 : i32
        %swap3A_262 = arith.index_cast %select_n3A_118 : i32 to index
        %swap3A_263 = arith.index_cast %swap3A_261 : i32 to index
        %swap3A_264 = arith.index_cast %mul3A_213 : i32 to index
        %swap3A_265 = tpu.vector_load %arg34[%swap3A_262, %swap3A_263, %swap3A_264] {strides = array<i32>} : memref<2x28x1024xf32, #tpu.memory_space<vmem>>, vector<16xf32>,
        tpu.vector_store %arg34[%swap3A_262, %swap3A_263, %swap3A_264], %gather3A_260 {strides = array<i32>} : memref<2x28x1024xf32, #tpu.memory_space<vmem>>, vector<16xf32>,
        %lt3A_266 = arith.constant 0 : i32
        %lt3A_267 = vector.broadcast %lt3A_266 : i32 to vector<16xi32>
        %lt3A_268 = arith.cmpi slt, %get3A_250, %lt3A_267 : vector<16xi32>
        %add3A_269 = arith.constant 16 : i32
        %add3A_270 = vector.broadcast %add3A_269 : i32 to vector<16xi32>
        %add3A_271 = arith.addi %get3A_250, %add3A_270 : vector<16xi32>
        %select_n3A_272 = arith.select %lt3A_268, %add3A_271, %get3A_250 : vector<16xi1>, vector<16xi32>
        %broadcast_in_dim3A_273 = vector.shape_cast %select_n3A_272 : vector<16xi32> to vector<16x1xi32>
        %gather3A_274 = vector.shape_cast %broadcast_in_dim3A_273 : vector<16x1xi32> to vector<16xi32>
        %gather3A_275 = tpu.dynamic_gather %get3A_15[%gather3A_274] in [0] : vector<16xf32>, vector<16xi32> -> vector<16xf32>
        %swap3A_276 = arith.constant 19 : i32
        %swap3A_277 = arith.index_cast %select_n3A_118 : i32 to index
        %swap3A_278 = arith.index_cast %swap3A_276 : i32 to index
        %swap3A_279 = arith.index_cast %mul3A_213 : i32 to index
        %swap3A_280 = tpu.vector_load %arg34[%swap3A_277, %swap3A_278, %swap3A_279] {strides = array<i32>} : memref<2x28x1024xf32, #tpu.memory_space<vmem>>, vector<16xf32>,
        tpu.vector_store %arg34[%swap3A_277, %swap3A_278, %swap3A_279], %gather3A_275 {strides = array<i32>} : memref<2x28x1024xf32, #tpu.memory_space<vmem>>, vector<16xf32>,
        %get3A_281 = arith.constant 2 : i32
        %get3A_282 = arith.index_cast %select_n3A_118 : i32 to index
        %get3A_283 = arith.index_cast %get3A_281 : i32 to index
        %get3A_284 = arith.index_cast %mul3A_213 : i32 to index
        %get3A_285 = tpu.vector_load %arg32[%get3A_282, %get3A_283, %get3A_284] {strides = array<i32>} : memref<2x4x1024xi32, #tpu.memory_space<vmem>>, vector<16xi32>,
        %lt3A_286 = arith.constant 0 : i32
        %lt3A_287 = vector.broadcast %lt3A_286 : i32 to vector<16xi32>
        %lt3A_288 = arith.cmpi slt, %get3A_285, %lt3A_287 : vector<16xi32>
        %add3A_289 = arith.constant 16 : i32
        %add3A_290 = vector.broadcast %add3A_289 : i32 to vector<16xi32>
        %add3A_291 = arith.addi %get3A_285, %add3A_290 : vector<16xi32>
        %select_n3A_292 = arith.select %lt3A_288, %add3A_291, %get3A_285 : vector<16xi1>, vector<16xi32>
        %broadcast_in_dim3A_293 = vector.shape_cast %select_n3A_292 : vector<16xi32> to vector<16x1xi32>
        %gather3A_294 = vector.shape_cast %broadcast_in_dim3A_293 : vector<16x1xi32> to vector<16xi32>
        %gather3A_295 = tpu.dynamic_gather %get3A_19[%gather3A_294] in [0] : vector<16xf32>, vector<16xi32> -> vector<16xf32>
        %swap3A_296 = arith.constant 20 : i32
        %swap3A_297 = arith.index_cast %select_n3A_118 : i32 to index
        %swap3A_298 = arith.index_cast %swap3A_296 : i32 to index
        %swap3A_299 = arith.index_cast %mul3A_213 : i32 to index
        %swap3A_300 = tpu.vector_load %arg34[%swap3A_297, %swap3A_298, %swap3A_299] {strides = array<i32>} : memref<2x28x1024xf32, #tpu.memory_space<vmem>>, vector<16xf32>,
        tpu.vector_store %arg34[%swap3A_297, %swap3A_298, %swap3A_299], %gather3A_295 {strides = array<i32>} : memref<2x28x1024xf32, #tpu.memory_space<vmem>>, vector<16xf32>,
        %lt3A_301 = arith.constant 0 : i32
        %lt3A_302 = vector.broadcast %lt3A_301 : i32 to vector<16xi32>
        %lt3A_303 = arith.cmpi slt, %get3A_285, %lt3A_302 : vector<16xi32>
        %add3A_304 = arith.constant 16 : i32
        %add3A_305 = vector.broadcast %add3A_304 : i32 to vector<16xi32>
        %add3A_306 = arith.addi %get3A_285, %add3A_305 : vector<16xi32>
        %select_n3A_307 = arith.select %lt3A_303, %add3A_306, %get3A_285 : vector<16xi1>, vector<16xi32>
        %broadcast_in_dim3A_308 = vector.shape_cast %select_n3A_307 : vector<16xi32> to vector<16x1xi32>
        %gather3A_309 = vector.shape_cast %broadcast_in_dim3A_308 : vector<16x1xi32> to vector<16xi32>
        %gather3A_310 = tpu.dynamic_gather %get3A_23[%gather3A_309] in [0] : vector<16xf32>, vector<16xi32> -> vector<16xf32>
        %swap3A_311 = arith.constant 21 : i32
        %swap3A_312 = arith.index_cast %select_n3A_118 : i32 to index
        %swap3A_313 = arith.index_cast %swap3A_311 : i32 to index
        %swap3A_314 = arith.index_cast %mul3A_213 : i32 to index
        %swap3A_315 = tpu.vector_load %arg34[%swap3A_312, %swap3A_313, %swap3A_314] {strides = array<i32>} : memref<2x28x1024xf32, #tpu.memory_space<vmem>>, vector<16xf32>,
        tpu.vector_store %arg34[%swap3A_312, %swap3A_313, %swap3A_314], %gather3A_310 {strides = array<i32>} : memref<2x28x1024xf32, #tpu.memory_space<vmem>>, vector<16xf32>,
        %get3A_316 = arith.constant 3 : i32
        %get3A_317 = arith.index_cast %select_n3A_118 : i32 to index
        %get3A_318 = arith.index_cast %get3A_316 : i32 to index
        %get3A_319 = arith.index_cast %mul3A_213 : i32 to index
        %get3A_320 = tpu.vector_load %arg32[%get3A_317, %get3A_318, %get3A_319] {strides = array<i32>} : memref<2x4x1024xi32, #tpu.memory_space<vmem>>, vector<16xi32>,
        %lt3A_321 = arith.constant 0 : i32
        %lt3A_322 = vector.broadcast %lt3A_321 : i32 to vector<16xi32>
        %lt3A_323 = arith.cmpi slt, %get3A_320, %lt3A_322 : vector<16xi32>
        %add3A_324 = arith.constant 16 : i32
        %add3A_325 = vector.broadcast %add3A_324 : i32 to vector<16xi32>
        %add3A_326 = arith.addi %get3A_320, %add3A_325 : vector<16xi32>
        %select_n3A_327 = arith.select %lt3A_323, %add3A_326, %get3A_320 : vector<16xi1>, vector<16xi32>
        %broadcast_in_dim3A_328 = vector.shape_cast %select_n3A_327 : vector<16xi32> to vector<16x1xi32>
        %gather3A_329 = vector.shape_cast %broadcast_in_dim3A_328 : vector<16x1xi32> to vector<16xi32>
        %gather3A_330 = tpu.dynamic_gather %get3A_27[%gather3A_329] in [0] : vector<16xf32>, vector<16xi32> -> vector<16xf32>
        %swap3A_331 = arith.constant 22 : i32
        %swap3A_332 = arith.index_cast %select_n3A_118 : i32 to index
        %swap3A_333 = arith.index_cast %swap3A_331 : i32 to index
        %swap3A_334 = arith.index_cast %mul3A_213 : i32 to index
        %swap3A_335 = tpu.vector_load %arg34[%swap3A_332, %swap3A_333, %swap3A_334] {strides = array<i32>} : memref<2x28x1024xf32, #tpu.memory_space<vmem>>, vector<16xf32>,
        tpu.vector_store %arg34[%swap3A_332, %swap3A_333, %swap3A_334], %gather3A_330 {strides = array<i32>} : memref<2x28x1024xf32, #tpu.memory_space<vmem>>, vector<16xf32>,
        %lt3A_336 = arith.constant 0 : i32
        %lt3A_337 = vector.broadcast %lt3A_336 : i32 to vector<16xi32>
        %lt3A_338 = arith.cmpi slt, %get3A_320, %lt3A_337 : vector<16xi32>
        %add3A_339 = arith.constant 16 : i32
        %add3A_340 = vector.broadcast %add3A_339 : i32 to vector<16xi32>
        %add3A_341 = arith.addi %get3A_320, %add3A_340 : vector<16xi32>
        %select_n3A_342 = arith.select %lt3A_338, %add3A_341, %get3A_320 : vector<16xi1>, vector<16xi32>
        %broadcast_in_dim3A_343 = vector.shape_cast %select_n3A_342 : vector<16xi32> to vector<16x1xi32>
        %gather3A_344 = vector.shape_cast %broadcast_in_dim3A_343 : vector<16x1xi32> to vector<16xi32>
        %gather3A_345 = tpu.dynamic_gather %get3A_31[%gather3A_344] in [0] : vector<16xf32>, vector<16xi32> -> vector<16xf32>
        %swap3A_346 = arith.constant 23 : i32
        %swap3A_347 = arith.index_cast %select_n3A_118 : i32 to index
        %swap3A_348 = arith.index_cast %swap3A_346 : i32 to index
        %swap3A_349 = arith.index_cast %mul3A_213 : i32 to index
        %swap3A_350 = tpu.vector_load %arg34[%swap3A_347, %swap3A_348, %swap3A_349] {strides = array<i32>} : memref<2x28x1024xf32, #tpu.memory_space<vmem>>, vector<16xf32>,
        tpu.vector_store %arg34[%swap3A_347, %swap3A_348, %swap3A_349], %gather3A_345 {strides = array<i32>} : memref<2x28x1024xf32, #tpu.memory_space<vmem>>, vector<16xf32>,
      }
      %scan3A_181 = arith.constant 64 : i32
      %scan3A_182 = arith.constant 0 : i32
      %scan3A_183 = arith.constant 0 : i32
      %scan3A_184 = arith.constant 8 : i32
      %scan3A_185 = arith.addi %scan3A_183, %scan3A_184 : i32
      %scan3A_186 = arith.constant 1 : i32
      scf.for %scan3A_211 = %scan3A_183 to %scan3A_185 step %scan3A_186  : i32 {
        %dma_wait3A_212 = arith.constant 0 : i32
        %dma_wait3A_213 = arith.constant 0 : i32
        %dma_wait3A_214 = tpu.memref_slice %arg33[%select_n3A_118, %dma_wait3A_212, %dma_wait3A_213] : memref<2x1024x16xf32, #tpu.memory_space<vmem>> -> memref<1x128x16xf32, #tpu.memory_space<vmem>>
        %dma_wait3A_215 = tpu.memref_squeeze %dma_wait3A_214 : memref<1x128x16xf32, #tpu.memory_space<vmem>> -> memref<128x16xf32, #tpu.memory_space<vmem>>
        %dma_wait3A_216 = arith.constant 0 : i32
        %dma_wait3A_217 = arith.constant 0 : i32
        %dma_wait3A_218 = tpu.memref_slice %arg19[%dma_wait3A_216, %dma_wait3A_217] : memref<1376567x16xf32, #tpu.memory_space<hbm>> -> memref<128x16xf32, #tpu.memory_space<hbm>>
        %dma_wait3A_219 = tpu.memref_slice %arg40[%select_n3A_118] : memref<2x!tpu.dma_semaphore, #tpu.memory_space<semaphore_mem>> -> memref<1x!tpu.dma_semaphore, #tpu.memory_space<semaphore_mem>>
        %dma_wait3A_220 = tpu.memref_squeeze %dma_wait3A_219 : memref<1x!tpu.dma_semaphore, #tpu.memory_space<semaphore_mem>> -> memref<!tpu.dma_semaphore, #tpu.memory_space<semaphore_mem>>
        %dma_wait3A_221 = arith.constant 0 : i32
        %dma_wait3A_222 = arith.constant 0 : i32
        %dma_wait3A_223 = tpu.memref_slice %arg33[%select_n3A_118, %dma_wait3A_221, %dma_wait3A_222] : memref<2x1024x16xf32, #tpu.memory_space<vmem>> -> memref<1x128x16xf32, #tpu.memory_space<vmem>>
        %dma_wait3A_224 = tpu.memref_squeeze %dma_wait3A_223 : memref<1x128x16xf32, #tpu.memory_space<vmem>> -> memref<128x16xf32, #tpu.memory_space<vmem>>
        %dma_wait3A_225 = arith.constant 0 : i32
        %dma_wait3A_226 = arith.constant 0 : i32
        %dma_wait3A_227 = tpu.memref_slice %arg19[%dma_wait3A_225, %dma_wait3A_226] : memref<1376567x16xf32, #tpu.memory_space<hbm>> -> memref<128x16xf32, #tpu.memory_space<hbm>>
        tpu.wait_dma2 semaphore(%dma_wait3A_220 : memref<!tpu.dma_semaphore, #tpu.memory_space<semaphore_mem>>) src(%dma_wait3A_227 : memref<128x16xf32, #tpu.memory_space<hbm>>) dst(%dma_wait3A_224 : memref<128x16xf32, #tpu.memory_space<vmem>>)
      }
      %scan3A_187 = arith.constant 8 : i32
      %scan3A_188 = arith.constant 0 : i32
      %scan3A_189 = arith.constant 0 : i32
      %scan3A_190 = arith.constant 64 : i32
      %scan3A_191 = arith.addi %scan3A_189, %scan3A_190 : i32
      %scan3A_192 = arith.constant 1 : i32
      scf.for %scan3A_211 = %scan3A_189 to %scan3A_191 step %scan3A_192  : i32 {
        %mul3A_212 = arith.constant 16 : i32
        %mul3A_213 = arith.muli %scan3A_211, %mul3A_212 : i32
        %add3A_214 = arith.constant 0 : i32
        %add3A_215 = arith.addi %mul3A_213, %add3A_214 : i32
        %broadcast_in_dim3A = vector.broadcast %add3A_215 : i32 to vector<16xi32>
        %add3A_216 = arith.constant 0 : i32
        %add3A_217 = arith.addi %mul3A_213, %add3A_216 : i32
        %get3A_218 = arith.index_cast %select_n3A_118 : i32 to index
        %get3A_219 = arith.index_cast %add3A_217 : i32 to index
        %get3A_220 = arith.constant 0 : index
        %get3A_221 = tpu.vector_load %arg33[%get3A_218, %get3A_219, %get3A_220] {strides = array<i32>} : memref<2x1024x16xf32, #tpu.memory_space<vmem>>, vector<16xf32>,
        %scatter3A = arith.constant 0 : i32
        %scatter3A_222 = arith.constant 0 : i32
        %scatter3A_223 = tpu.memref_slice %arg34[%select_n3A_118, %scatter3A, %scatter3A_222] : memref<2x28x1024xf32, #tpu.memory_space<vmem>> -> memref<1x28x1024xf32, #tpu.memory_space<vmem>>
        %scatter3A_224 = tpu.memref_squeeze %scatter3A_223 : memref<1x28x1024xf32, #tpu.memory_space<vmem>> -> memref<28x1024xf32, #tpu.memory_space<vmem>>
        tpu.vector_store_idx %scatter3A_224[%iota3A, %broadcast_in_dim3A], %get3A_221 : memref<28x1024xf32, #tpu.memory_space<vmem>>[vector<16xi32>, vector<16xi32>], vector<16xf32>,
        %add3A_225 = arith.constant 1 : i32
        %add3A_226 = arith.addi %mul3A_213, %add3A_225 : i32
        %broadcast_in_dim3A_227 = vector.broadcast %add3A_226 : i32 to vector<16xi32>
        %add3A_228 = arith.constant 1 : i32
        %add3A_229 = arith.addi %mul3A_213, %add3A_228 : i32
        %get3A_230 = arith.index_cast %select_n3A_118 : i32 to index
        %get3A_231 = arith.index_cast %add3A_229 : i32 to index
        %get3A_232 = arith.constant 0 : index
        %get3A_233 = tpu.vector_load %arg33[%get3A_230, %get3A_231, %get3A_232] {strides = array<i32>} : memref<2x1024x16xf32, #tpu.memory_space<vmem>>, vector<16xf32>,
        %scatter3A_234 = arith.constant 0 : i32
        %scatter3A_235 = arith.constant 0 : i32
        %scatter3A_236 = tpu.memref_slice %arg34[%select_n3A_118, %scatter3A_234, %scatter3A_235] : memref<2x28x1024xf32, #tpu.memory_space<vmem>> -> memref<1x28x1024xf32, #tpu.memory_space<vmem>>
        %scatter3A_237 = tpu.memref_squeeze %scatter3A_236 : memref<1x28x1024xf32, #tpu.memory_space<vmem>> -> memref<28x1024xf32, #tpu.memory_space<vmem>>
        tpu.vector_store_idx %scatter3A_237[%iota3A, %broadcast_in_dim3A_227], %get3A_233 : memref<28x1024xf32, #tpu.memory_space<vmem>>[vector<16xi32>, vector<16xi32>], vector<16xf32>,
        %add3A_238 = arith.constant 2 : i32
        %add3A_239 = arith.addi %mul3A_213, %add3A_238 : i32
        %broadcast_in_dim3A_240 = vector.broadcast %add3A_239 : i32 to vector<16xi32>
        %add3A_241 = arith.constant 2 : i32
        %add3A_242 = arith.addi %mul3A_213, %add3A_241 : i32
        %get3A_243 = arith.index_cast %select_n3A_118 : i32 to index
        %get3A_244 = arith.index_cast %add3A_242 : i32 to index
        %get3A_245 = arith.constant 0 : index
        %get3A_246 = tpu.vector_load %arg33[%get3A_243, %get3A_244, %get3A_245] {strides = array<i32>} : memref<2x1024x16xf32, #tpu.memory_space<vmem>>, vector<16xf32>,
        %scatter3A_247 = arith.constant 0 : i32
        %scatter3A_248 = arith.constant 0 : i32
        %scatter3A_249 = tpu.memref_slice %arg34[%select_n3A_118, %scatter3A_247, %scatter3A_248] : memref<2x28x1024xf32, #tpu.memory_space<vmem>> -> memref<1x28x1024xf32, #tpu.memory_space<vmem>>
        %scatter3A_250 = tpu.memref_squeeze %scatter3A_249 : memref<1x28x1024xf32, #tpu.memory_space<vmem>> -> memref<28x1024xf32, #tpu.memory_space<vmem>>
        tpu.vector_store_idx %scatter3A_250[%iota3A, %broadcast_in_dim3A_240], %get3A_246 : memref<28x1024xf32, #tpu.memory_space<vmem>>[vector<16xi32>, vector<16xi32>], vector<16xf32>,
        %add3A_251 = arith.constant 3 : i32
        %add3A_252 = arith.addi %mul3A_213, %add3A_251 : i32
        %broadcast_in_dim3A_253 = vector.broadcast %add3A_252 : i32 to vector<16xi32>
        %add3A_254 = arith.constant 3 : i32
        %add3A_255 = arith.addi %mul3A_213, %add3A_254 : i32
        %get3A_256 = arith.index_cast %select_n3A_118 : i32 to index
        %get3A_257 = arith.index_cast %add3A_255 : i32 to index
        %get3A_258 = arith.constant 0 : index
        %get3A_259 = tpu.vector_load %arg33[%get3A_256, %get3A_257, %get3A_258] {strides = array<i32>} : memref<2x1024x16xf32, #tpu.memory_space<vmem>>, vector<16xf32>,
        %scatter3A_260 = arith.constant 0 : i32
        %scatter3A_261 = arith.constant 0 : i32
        %scatter3A_262 = tpu.memref_slice %arg34[%select_n3A_118, %scatter3A_260, %scatter3A_261] : memref<2x28x1024xf32, #tpu.memory_space<vmem>> -> memref<1x28x1024xf32, #tpu.memory_space<vmem>>
        %scatter3A_263 = tpu.memref_squeeze %scatter3A_262 : memref<1x28x1024xf32, #tpu.memory_space<vmem>> -> memref<28x1024xf32, #tpu.memory_space<vmem>>
        tpu.vector_store_idx %scatter3A_263[%iota3A, %broadcast_in_dim3A_253], %get3A_259 : memref<28x1024xf32, #tpu.memory_space<vmem>>[vector<16xi32>, vector<16xi32>], vector<16xf32>,
        %add3A_264 = arith.constant 4 : i32
        %add3A_265 = arith.addi %mul3A_213, %add3A_264 : i32
        %broadcast_in_dim3A_266 = vector.broadcast %add3A_265 : i32 to vector<16xi32>
        %add3A_267 = arith.constant 4 : i32
        %add3A_268 = arith.addi %mul3A_213, %add3A_267 : i32
        %get3A_269 = arith.index_cast %select_n3A_118 : i32 to index
        %get3A_270 = arith.index_cast %add3A_268 : i32 to index
        %get3A_271 = arith.constant 0 : index
        %get3A_272 = tpu.vector_load %arg33[%get3A_269, %get3A_270, %get3A_271] {strides = array<i32>} : memref<2x1024x16xf32, #tpu.memory_space<vmem>>, vector<16xf32>,
        %scatter3A_273 = arith.constant 0 : i32
        %scatter3A_274 = arith.constant 0 : i32
        %scatter3A_275 = tpu.memref_slice %arg34[%select_n3A_118, %scatter3A_273, %scatter3A_274] : memref<2x28x1024xf32, #tpu.memory_space<vmem>> -> memref<1x28x1024xf32, #tpu.memory_space<vmem>>
        %scatter3A_276 = tpu.memref_squeeze %scatter3A_275 : memref<1x28x1024xf32, #tpu.memory_space<vmem>> -> memref<28x1024xf32, #tpu.memory_space<vmem>>
        tpu.vector_store_idx %scatter3A_276[%iota3A, %broadcast_in_dim3A_266], %get3A_272 : memref<28x1024xf32, #tpu.memory_space<vmem>>[vector<16xi32>, vector<16xi32>], vector<16xf32>,
        %add3A_277 = arith.constant 5 : i32
        %add3A_278 = arith.addi %mul3A_213, %add3A_277 : i32
        %broadcast_in_dim3A_279 = vector.broadcast %add3A_278 : i32 to vector<16xi32>
        %add3A_280 = arith.constant 5 : i32
        %add3A_281 = arith.addi %mul3A_213, %add3A_280 : i32
        %get3A_282 = arith.index_cast %select_n3A_118 : i32 to index
        %get3A_283 = arith.index_cast %add3A_281 : i32 to index
        %get3A_284 = arith.constant 0 : index
        %get3A_285 = tpu.vector_load %arg33[%get3A_282, %get3A_283, %get3A_284] {strides = array<i32>} : memref<2x1024x16xf32, #tpu.memory_space<vmem>>, vector<16xf32>,
        %scatter3A_286 = arith.constant 0 : i32
        %scatter3A_287 = arith.constant 0 : i32
        %scatter3A_288 = tpu.memref_slice %arg34[%select_n3A_118, %scatter3A_286, %scatter3A_287] : memref<2x28x1024xf32, #tpu.memory_space<vmem>> -> memref<1x28x1024xf32, #tpu.memory_space<vmem>>
        %scatter3A_289 = tpu.memref_squeeze %scatter3A_288 : memref<1x28x1024xf32, #tpu.memory_space<vmem>> -> memref<28x1024xf32, #tpu.memory_space<vmem>>
        tpu.vector_store_idx %scatter3A_289[%iota3A, %broadcast_in_dim3A_279], %get3A_285 : memref<28x1024xf32, #tpu.memory_space<vmem>>[vector<16xi32>, vector<16xi32>], vector<16xf32>,
        %add3A_290 = arith.constant 6 : i32
        %add3A_291 = arith.addi %mul3A_213, %add3A_290 : i32
        %broadcast_in_dim3A_292 = vector.broadcast %add3A_291 : i32 to vector<16xi32>
        %add3A_293 = arith.constant 6 : i32
        %add3A_294 = arith.addi %mul3A_213, %add3A_293 : i32
        %get3A_295 = arith.index_cast %select_n3A_118 : i32 to index
        %get3A_296 = arith.index_cast %add3A_294 : i32 to index
        %get3A_297 = arith.constant 0 : index
        %get3A_298 = tpu.vector_load %arg33[%get3A_295, %get3A_296, %get3A_297] {strides = array<i32>} : memref<2x1024x16xf32, #tpu.memory_space<vmem>>, vector<16xf32>,
        %scatter3A_299 = arith.constant 0 : i32
        %scatter3A_300 = arith.constant 0 : i32
        %scatter3A_301 = tpu.memref_slice %arg34[%select_n3A_118, %scatter3A_299, %scatter3A_300] : memref<2x28x1024xf32, #tpu.memory_space<vmem>> -> memref<1x28x1024xf32, #tpu.memory_space<vmem>>
        %scatter3A_302 = tpu.memref_squeeze %scatter3A_301 : memref<1x28x1024xf32, #tpu.memory_space<vmem>> -> memref<28x1024xf32, #tpu.memory_space<vmem>>
        tpu.vector_store_idx %scatter3A_302[%iota3A, %broadcast_in_dim3A_292], %get3A_298 : memref<28x1024xf32, #tpu.memory_space<vmem>>[vector<16xi32>, vector<16xi32>], vector<16xf32>,
        %add3A_303 = arith.constant 7 : i32
        %add3A_304 = arith.addi %mul3A_213, %add3A_303 : i32
        %broadcast_in_dim3A_305 = vector.broadcast %add3A_304 : i32 to vector<16xi32>
        %add3A_306 = arith.constant 7 : i32
        %add3A_307 = arith.addi %mul3A_213, %add3A_306 : i32
        %get3A_308 = arith.index_cast %select_n3A_118 : i32 to index
        %get3A_309 = arith.index_cast %add3A_307 : i32 to index
        %get3A_310 = arith.constant 0 : index
        %get3A_311 = tpu.vector_load %arg33[%get3A_308, %get3A_309, %get3A_310] {strides = array<i32>} : memref<2x1024x16xf32, #tpu.memory_space<vmem>>, vector<16xf32>,
        %scatter3A_312 = arith.constant 0 : i32
        %scatter3A_313 = arith.constant 0 : i32
        %scatter3A_314 = tpu.memref_slice %arg34[%select_n3A_118, %scatter3A_312, %scatter3A_313] : memref<2x28x1024xf32, #tpu.memory_space<vmem>> -> memref<1x28x1024xf32, #tpu.memory_space<vmem>>
        %scatter3A_315 = tpu.memref_squeeze %scatter3A_314 : memref<1x28x1024xf32, #tpu.memory_space<vmem>> -> memref<28x1024xf32, #tpu.memory_space<vmem>>
        tpu.vector_store_idx %scatter3A_315[%iota3A, %broadcast_in_dim3A_305], %get3A_311 : memref<28x1024xf32, #tpu.memory_space<vmem>>[vector<16xi32>, vector<16xi32>], vector<16xf32>,
        %add3A_316 = arith.constant 8 : i32
        %add3A_317 = arith.addi %mul3A_213, %add3A_316 : i32
        %broadcast_in_dim3A_318 = vector.broadcast %add3A_317 : i32 to vector<16xi32>
        %add3A_319 = arith.constant 8 : i32
        %add3A_320 = arith.addi %mul3A_213, %add3A_319 : i32
        %get3A_321 = arith.index_cast %select_n3A_118 : i32 to index
        %get3A_322 = arith.index_cast %add3A_320 : i32 to index
        %get3A_323 = arith.constant 0 : index
        %get3A_324 = tpu.vector_load %arg33[%get3A_321, %get3A_322, %get3A_323] {strides = array<i32>} : memref<2x1024x16xf32, #tpu.memory_space<vmem>>, vector<16xf32>,
        %scatter3A_325 = arith.constant 0 : i32
        %scatter3A_326 = arith.constant 0 : i32
        %scatter3A_327 = tpu.memref_slice %arg34[%select_n3A_118, %scatter3A_325, %scatter3A_326] : memref<2x28x1024xf32, #tpu.memory_space<vmem>> -> memref<1x28x1024xf32, #tpu.memory_space<vmem>>
        %scatter3A_328 = tpu.memref_squeeze %scatter3A_327 : memref<1x28x1024xf32, #tpu.memory_space<vmem>> -> memref<28x1024xf32, #tpu.memory_space<vmem>>
        tpu.vector_store_idx %scatter3A_328[%iota3A, %broadcast_in_dim3A_318], %get3A_324 : memref<28x1024xf32, #tpu.memory_space<vmem>>[vector<16xi32>, vector<16xi32>], vector<16xf32>,
        %add3A_329 = arith.constant 9 : i32
        %add3A_330 = arith.addi %mul3A_213, %add3A_329 : i32
        %broadcast_in_dim3A_331 = vector.broadcast %add3A_330 : i32 to vector<16xi32>
        %add3A_332 = arith.constant 9 : i32
        %add3A_333 = arith.addi %mul3A_213, %add3A_332 : i32
        %get3A_334 = arith.index_cast %select_n3A_118 : i32 to index
        %get3A_335 = arith.index_cast %add3A_333 : i32 to index
        %get3A_336 = arith.constant 0 : index
        %get3A_337 = tpu.vector_load %arg33[%get3A_334, %get3A_335, %get3A_336] {strides = array<i32>} : memref<2x1024x16xf32, #tpu.memory_space<vmem>>, vector<16xf32>,
        %scatter3A_338 = arith.constant 0 : i32
        %scatter3A_339 = arith.constant 0 : i32
        %scatter3A_340 = tpu.memref_slice %arg34[%select_n3A_118, %scatter3A_338, %scatter3A_339] : memref<2x28x1024xf32, #tpu.memory_space<vmem>> -> memref<1x28x1024xf32, #tpu.memory_space<vmem>>
        %scatter3A_341 = tpu.memref_squeeze %scatter3A_340 : memref<1x28x1024xf32, #tpu.memory_space<vmem>> -> memref<28x1024xf32, #tpu.memory_space<vmem>>
        tpu.vector_store_idx %scatter3A_341[%iota3A, %broadcast_in_dim3A_331], %get3A_337 : memref<28x1024xf32, #tpu.memory_space<vmem>>[vector<16xi32>, vector<16xi32>], vector<16xf32>,
        %add3A_342 = arith.constant 10 : i32
        %add3A_343 = arith.addi %mul3A_213, %add3A_342 : i32
        %broadcast_in_dim3A_344 = vector.broadcast %add3A_343 : i32 to vector<16xi32>
        %add3A_345 = arith.constant 10 : i32
        %add3A_346 = arith.addi %mul3A_213, %add3A_345 : i32
        %get3A_347 = arith.index_cast %select_n3A_118 : i32 to index
        %get3A_348 = arith.index_cast %add3A_346 : i32 to index
        %get3A_349 = arith.constant 0 : index
        %get3A_350 = tpu.vector_load %arg33[%get3A_347, %get3A_348, %get3A_349] {strides = array<i32>} : memref<2x1024x16xf32, #tpu.memory_space<vmem>>, vector<16xf32>,
        %scatter3A_351 = arith.constant 0 : i32
        %scatter3A_352 = arith.constant 0 : i32
        %scatter3A_353 = tpu.memref_slice %arg34[%select_n3A_118, %scatter3A_351, %scatter3A_352] : memref<2x28x1024xf32, #tpu.memory_space<vmem>> -> memref<1x28x1024xf32, #tpu.memory_space<vmem>>
        %scatter3A_354 = tpu.memref_squeeze %scatter3A_353 : memref<1x28x1024xf32, #tpu.memory_space<vmem>> -> memref<28x1024xf32, #tpu.memory_space<vmem>>
        tpu.vector_store_idx %scatter3A_354[%iota3A, %broadcast_in_dim3A_344], %get3A_350 : memref<28x1024xf32, #tpu.memory_space<vmem>>[vector<16xi32>, vector<16xi32>], vector<16xf32>,
        %add3A_355 = arith.constant 11 : i32
        %add3A_356 = arith.addi %mul3A_213, %add3A_355 : i32
        %broadcast_in_dim3A_357 = vector.broadcast %add3A_356 : i32 to vector<16xi32>
        %add3A_358 = arith.constant 11 : i32
        %add3A_359 = arith.addi %mul3A_213, %add3A_358 : i32
        %get3A_360 = arith.index_cast %select_n3A_118 : i32 to index
        %get3A_361 = arith.index_cast %add3A_359 : i32 to index
        %get3A_362 = arith.constant 0 : index
        %get3A_363 = tpu.vector_load %arg33[%get3A_360, %get3A_361, %get3A_362] {strides = array<i32>} : memref<2x1024x16xf32, #tpu.memory_space<vmem>>, vector<16xf32>,
        %scatter3A_364 = arith.constant 0 : i32
        %scatter3A_365 = arith.constant 0 : i32
        %scatter3A_366 = tpu.memref_slice %arg34[%select_n3A_118, %scatter3A_364, %scatter3A_365] : memref<2x28x1024xf32, #tpu.memory_space<vmem>> -> memref<1x28x1024xf32, #tpu.memory_space<vmem>>
        %scatter3A_367 = tpu.memref_squeeze %scatter3A_366 : memref<1x28x1024xf32, #tpu.memory_space<vmem>> -> memref<28x1024xf32, #tpu.memory_space<vmem>>
        tpu.vector_store_idx %scatter3A_367[%iota3A, %broadcast_in_dim3A_357], %get3A_363 : memref<28x1024xf32, #tpu.memory_space<vmem>>[vector<16xi32>, vector<16xi32>], vector<16xf32>,
        %add3A_368 = arith.constant 12 : i32
        %add3A_369 = arith.addi %mul3A_213, %add3A_368 : i32
        %broadcast_in_dim3A_370 = vector.broadcast %add3A_369 : i32 to vector<16xi32>
        %add3A_371 = arith.constant 12 : i32
        %add3A_372 = arith.addi %mul3A_213, %add3A_371 : i32
        %get3A_373 = arith.index_cast %select_n3A_118 : i32 to index
        %get3A_374 = arith.index_cast %add3A_372 : i32 to index
        %get3A_375 = arith.constant 0 : index
        %get3A_376 = tpu.vector_load %arg33[%get3A_373, %get3A_374, %get3A_375] {strides = array<i32>} : memref<2x1024x16xf32, #tpu.memory_space<vmem>>, vector<16xf32>,
        %scatter3A_377 = arith.constant 0 : i32
        %scatter3A_378 = arith.constant 0 : i32
        %scatter3A_379 = tpu.memref_slice %arg34[%select_n3A_118, %scatter3A_377, %scatter3A_378] : memref<2x28x1024xf32, #tpu.memory_space<vmem>> -> memref<1x28x1024xf32, #tpu.memory_space<vmem>>
        %scatter3A_380 = tpu.memref_squeeze %scatter3A_379 : memref<1x28x1024xf32, #tpu.memory_space<vmem>> -> memref<28x1024xf32, #tpu.memory_space<vmem>>
        tpu.vector_store_idx %scatter3A_380[%iota3A, %broadcast_in_dim3A_370], %get3A_376 : memref<28x1024xf32, #tpu.memory_space<vmem>>[vector<16xi32>, vector<16xi32>], vector<16xf32>,
        %add3A_381 = arith.constant 13 : i32
        %add3A_382 = arith.addi %mul3A_213, %add3A_381 : i32
        %broadcast_in_dim3A_383 = vector.broadcast %add3A_382 : i32 to vector<16xi32>
        %add3A_384 = arith.constant 13 : i32
        %add3A_385 = arith.addi %mul3A_213, %add3A_384 : i32
        %get3A_386 = arith.index_cast %select_n3A_118 : i32 to index
        %get3A_387 = arith.index_cast %add3A_385 : i32 to index
        %get3A_388 = arith.constant 0 : index
        %get3A_389 = tpu.vector_load %arg33[%get3A_386, %get3A_387, %get3A_388] {strides = array<i32>} : memref<2x1024x16xf32, #tpu.memory_space<vmem>>, vector<16xf32>,
        %scatter3A_390 = arith.constant 0 : i32
        %scatter3A_391 = arith.constant 0 : i32
        %scatter3A_392 = tpu.memref_slice %arg34[%select_n3A_118, %scatter3A_390, %scatter3A_391] : memref<2x28x1024xf32, #tpu.memory_space<vmem>> -> memref<1x28x1024xf32, #tpu.memory_space<vmem>>
        %scatter3A_393 = tpu.memref_squeeze %scatter3A_392 : memref<1x28x1024xf32, #tpu.memory_space<vmem>> -> memref<28x1024xf32, #tpu.memory_space<vmem>>
        tpu.vector_store_idx %scatter3A_393[%iota3A, %broadcast_in_dim3A_383], %get3A_389 : memref<28x1024xf32, #tpu.memory_space<vmem>>[vector<16xi32>, vector<16xi32>], vector<16xf32>,
        %add3A_394 = arith.constant 14 : i32
        %add3A_395 = arith.addi %mul3A_213, %add3A_394 : i32
        %broadcast_in_dim3A_396 = vector.broadcast %add3A_395 : i32 to vector<16xi32>
        %add3A_397 = arith.constant 14 : i32
        %add3A_398 = arith.addi %mul3A_213, %add3A_397 : i32
        %get3A_399 = arith.index_cast %select_n3A_118 : i32 to index
        %get3A_400 = arith.index_cast %add3A_398 : i32 to index
        %get3A_401 = arith.constant 0 : index
        %get3A_402 = tpu.vector_load %arg33[%get3A_399, %get3A_400, %get3A_401] {strides = array<i32>} : memref<2x1024x16xf32, #tpu.memory_space<vmem>>, vector<16xf32>,
        %scatter3A_403 = arith.constant 0 : i32
        %scatter3A_404 = arith.constant 0 : i32
        %scatter3A_405 = tpu.memref_slice %arg34[%select_n3A_118, %scatter3A_403, %scatter3A_404] : memref<2x28x1024xf32, #tpu.memory_space<vmem>> -> memref<1x28x1024xf32, #tpu.memory_space<vmem>>
        %scatter3A_406 = tpu.memref_squeeze %scatter3A_405 : memref<1x28x1024xf32, #tpu.memory_space<vmem>> -> memref<28x1024xf32, #tpu.memory_space<vmem>>
        tpu.vector_store_idx %scatter3A_406[%iota3A, %broadcast_in_dim3A_396], %get3A_402 : memref<28x1024xf32, #tpu.memory_space<vmem>>[vector<16xi32>, vector<16xi32>], vector<16xf32>,
        %add3A_407 = arith.constant 15 : i32
        %add3A_408 = arith.addi %mul3A_213, %add3A_407 : i32
        %broadcast_in_dim3A_409 = vector.broadcast %add3A_408 : i32 to vector<16xi32>
        %add3A_410 = arith.constant 15 : i32
        %add3A_411 = arith.addi %mul3A_213, %add3A_410 : i32
        %get3A_412 = arith.index_cast %select_n3A_118 : i32 to index
        %get3A_413 = arith.index_cast %add3A_411 : i32 to index
        %get3A_414 = arith.constant 0 : index
        %get3A_415 = tpu.vector_load %arg33[%get3A_412, %get3A_413, %get3A_414] {strides = array<i32>} : memref<2x1024x16xf32, #tpu.memory_space<vmem>>, vector<16xf32>,
        %scatter3A_416 = arith.constant 0 : i32
        %scatter3A_417 = arith.constant 0 : i32
        %scatter3A_418 = tpu.memref_slice %arg34[%select_n3A_118, %scatter3A_416, %scatter3A_417] : memref<2x28x1024xf32, #tpu.memory_space<vmem>> -> memref<1x28x1024xf32, #tpu.memory_space<vmem>>
        %scatter3A_419 = tpu.memref_squeeze %scatter3A_418 : memref<1x28x1024xf32, #tpu.memory_space<vmem>> -> memref<28x1024xf32, #tpu.memory_space<vmem>>
        tpu.vector_store_idx %scatter3A_419[%iota3A, %broadcast_in_dim3A_409], %get3A_415 : memref<28x1024xf32, #tpu.memory_space<vmem>>[vector<16xi32>, vector<16xi32>], vector<16xf32>,
      }
      %scan3A_193 = arith.constant 64 : i32
      %scan3A_194 = arith.constant 0 : i32
      %scan3A_195 = arith.constant 0 : i32
      %scan3A_196 = arith.constant 4 : i32
      %scan3A_197 = arith.addi %scan3A_195, %scan3A_196 : i32
      %scan3A_198 = arith.constant 1 : i32
      scf.for %scan3A_211 = %scan3A_195 to %scan3A_197 step %scan3A_198  : i32 {
        %dma_wait3A_212 = arith.constant 24 : i32
        %dma_wait3A_213 = arith.constant 0 : i32
        %dma_wait3A_214 = tpu.memref_slice %arg34[%select_n3A_118, %dma_wait3A_212, %dma_wait3A_213] : memref<2x28x1024xf32, #tpu.memory_space<vmem>> -> memref<1x1x1024xf32, #tpu.memory_space<vmem>>
        %dma_wait3A_215 = tpu.memref_squeeze %dma_wait3A_214 : memref<1x1x1024xf32, #tpu.memory_space<vmem>> -> memref<1024xf32, #tpu.memory_space<vmem>>
        %dma_wait3A_216 = arith.constant 0 : i32
        %dma_wait3A_217 = tpu.memref_slice %arg10[%dma_wait3A_216] : memref<819200xf32, #tpu.memory_space<hbm>> -> memref<1024xf32, #tpu.memory_space<hbm>>
        %dma_wait3A_218 = tpu.memref_slice %arg41[%select_n3A_118] : memref<2x!tpu.dma_semaphore, #tpu.memory_space<semaphore_mem>> -> memref<1x!tpu.dma_semaphore, #tpu.memory_space<semaphore_mem>>
        %dma_wait3A_219 = tpu.memref_squeeze %dma_wait3A_218 : memref<1x!tpu.dma_semaphore, #tpu.memory_space<semaphore_mem>> -> memref<!tpu.dma_semaphore, #tpu.memory_space<semaphore_mem>>
        %dma_wait3A_220 = arith.constant 0 : i32
        %dma_wait3A_221 = tpu.memref_slice %arg34[%select_n3A_118, %dma_wait3A_212, %dma_wait3A_220] : memref<2x28x1024xf32, #tpu.memory_space<vmem>> -> memref<1x1x1024xf32, #tpu.memory_space<vmem>>
        %dma_wait3A_222 = tpu.memref_squeeze %dma_wait3A_221 : memref<1x1x1024xf32, #tpu.memory_space<vmem>> -> memref<1024xf32, #tpu.memory_space<vmem>>
        %dma_wait3A_223 = arith.constant 0 : i32
        %dma_wait3A_224 = tpu.memref_slice %arg10[%dma_wait3A_223] : memref<819200xf32, #tpu.memory_space<hbm>> -> memref<1024xf32, #tpu.memory_space<hbm>>
        tpu.wait_dma2 semaphore(%dma_wait3A_219 : memref<!tpu.dma_semaphore, #tpu.memory_space<semaphore_mem>>) src(%dma_wait3A_224 : memref<1024xf32, #tpu.memory_space<hbm>>) dst(%dma_wait3A_222 : memref<1024xf32, #tpu.memory_space<vmem>>)
      }
      %scan3A_199 = arith.constant 4 : i32
      %scan3A_200 = arith.constant 0 : i32
      %scan3A_201 = arith.constant 0 : i32
      %scan3A_202 = arith.constant 28 : i32
      %scan3A_203 = arith.addi %scan3A_201, %scan3A_202 : i32
      %scan3A_204 = arith.constant 1 : i32
      scf.for %scan3A_211 = %scan3A_201 to %scan3A_203 step %scan3A_204  : i32 {
        %dma_start3A_212 = arith.constant 0 : i32
        %dma_start3A_213 = tpu.memref_slice %arg34[%select_n3A_118, %scan3A_211, %dma_start3A_212] : memref<2x28x1024xf32, #tpu.memory_space<vmem>> -> memref<1x1x1024xf32, #tpu.memory_space<vmem>>
        %dma_start3A_214 = tpu.memref_squeeze %dma_start3A_213 : memref<1x1x1024xf32, #tpu.memory_space<vmem>> -> memref<1024xf32, #tpu.memory_space<vmem>>
        %dma_start3A_215 = tpu.memref_slice %arg22[%scan3A_211, %add3A_124] : memref<28x819200xf32, #tpu.memory_space<hbm>> -> memref<1x1024xf32, #tpu.memory_space<hbm>>
        %dma_start3A_216 = tpu.memref_squeeze %dma_start3A_215 : memref<1x1024xf32, #tpu.memory_space<hbm>> -> memref<1024xf32, #tpu.memory_space<hbm>>
        %dma_start3A_217 = tpu.memref_slice %arg42[%select_n3A_118] : memref<2x!tpu.dma_semaphore, #tpu.memory_space<semaphore_mem>> -> memref<1x!tpu.dma_semaphore, #tpu.memory_space<semaphore_mem>>
        %dma_start3A_218 = tpu.memref_squeeze %dma_start3A_217 : memref<1x!tpu.dma_semaphore, #tpu.memory_space<semaphore_mem>> -> memref<!tpu.dma_semaphore, #tpu.memory_space<semaphore_mem>>
        %dma_start3A_219 = tpu.memref_slice %arg22[%scan3A_211, %add3A_124] : memref<28x819200xf32, #tpu.memory_space<hbm>> -> memref<1x1024xf32, #tpu.memory_space<hbm>>
        %dma_start3A_220 = tpu.memref_squeeze %dma_start3A_219 : memref<1x1024xf32, #tpu.memory_space<hbm>> -> memref<1024xf32, #tpu.memory_space<hbm>>
        %dma_start3A_221 = arith.constant 0 : i32
        %dma_start3A_222 = tpu.memref_slice %arg34[%select_n3A_118, %scan3A_211, %dma_start3A_221] : memref<2x28x1024xf32, #tpu.memory_space<vmem>> -> memref<1x1x1024xf32, #tpu.memory_space<vmem>>
        %dma_start3A_223 = tpu.memref_squeeze %dma_start3A_222 : memref<1x1x1024xf32, #tpu.memory_space<vmem>> -> memref<1024xf32, #tpu.memory_space<vmem>>
        tpu.enqueue_dma source(%dma_start3A_223 : memref<1024xf32, #tpu.memory_space<vmem>>) target(%dma_start3A_220 : memref<1024xf32, #tpu.memory_space<hbm>>) target_semaphore(%dma_start3A_218 : memref<!tpu.dma_semaphore, #tpu.memory_space<semaphore_mem>>)
      }
      %scan3A_205 = arith.constant 28 : i32
      %lt3A_206 = arith.constant 24 : i32
      %lt3A_207 = arith.cmpi slt, %scan3A_109, %lt3A_206 : i32
      %convert_element_type3A_208 = arith.extui %lt3A_207 : i1 to i32
      %cond3A_209 = arith.constant 0 : i32
      %cond3A_210 = arith.cmpi ne, %convert_element_type3A_208, %cond3A_209 : i32
      scf.if %cond3A_210 {
        %dma_wait3A_211 = arith.constant 0 : i32
        %dma_wait3A_212 = tpu.memref_slice %arg31[%sub3A_119, %dma_wait3A_211] : memref<2x1024xi32, #tpu.memory_space<vmem>> -> memref<1x1024xi32, #tpu.memory_space<vmem>>
        %dma_wait3A_213 = tpu.memref_squeeze %dma_wait3A_212 : memref<1x1024xi32, #tpu.memory_space<vmem>> -> memref<1024xi32, #tpu.memory_space<vmem>>
        %dma_wait3A_214 = arith.constant 0 : i32
        %dma_wait3A_215 = tpu.memref_slice %arg5[%dma_wait3A_214] : memref<819200xi32, #tpu.memory_space<hbm>> -> memref<1024xi32, #tpu.memory_space<hbm>>
        %dma_wait3A_216 = tpu.memref_slice %arg39[%sub3A_119] : memref<2x!tpu.dma_semaphore, #tpu.memory_space<semaphore_mem>> -> memref<1x!tpu.dma_semaphore, #tpu.memory_space<semaphore_mem>>
        %dma_wait3A_217 = tpu.memref_squeeze %dma_wait3A_216 : memref<1x!tpu.dma_semaphore, #tpu.memory_space<semaphore_mem>> -> memref<!tpu.dma_semaphore, #tpu.memory_space<semaphore_mem>>
        %dma_wait3A_218 = arith.constant 0 : i32
        %dma_wait3A_219 = tpu.memref_slice %arg31[%sub3A_119, %dma_wait3A_218] : memref<2x1024xi32, #tpu.memory_space<vmem>> -> memref<1x1024xi32, #tpu.memory_space<vmem>>
        %dma_wait3A_220 = tpu.memref_squeeze %dma_wait3A_219 : memref<1x1024xi32, #tpu.memory_space<vmem>> -> memref<1024xi32, #tpu.memory_space<vmem>>
        %dma_wait3A_221 = arith.constant 0 : i32
        %dma_wait3A_222 = tpu.memref_slice %arg5[%dma_wait3A_221] : memref<819200xi32, #tpu.memory_space<hbm>> -> memref<1024xi32, #tpu.memory_space<hbm>>
        tpu.wait_dma2 semaphore(%dma_wait3A_217 : memref<!tpu.dma_semaphore, #tpu.memory_space<semaphore_mem>>) src(%dma_wait3A_222 : memref<1024xi32, #tpu.memory_space<hbm>>) dst(%dma_wait3A_220 : memref<1024xi32, #tpu.memory_space<vmem>>)
        %dma_wait3A_223 = arith.constant 0 : i32
        %dma_wait3A_224 = arith.constant 0 : i32
        %dma_wait3A_225 = tpu.memref_slice %arg32[%sub3A_119, %dma_wait3A_223, %dma_wait3A_224] : memref<2x4x1024xi32, #tpu.memory_space<vmem>> -> memref<1x1x1024xi32, #tpu.memory_space<vmem>>
        %dma_wait3A_226 = tpu.memref_squeeze %dma_wait3A_225 : memref<1x1x1024xi32, #tpu.memory_space<vmem>> -> memref<1024xi32, #tpu.memory_space<vmem>>
        %dma_wait3A_227 = arith.constant 0 : i32
        %dma_wait3A_228 = tpu.memref_slice %arg6[%dma_wait3A_227] : memref<819200xi32, #tpu.memory_space<hbm>> -> memref<1024xi32, #tpu.memory_space<hbm>>
        %dma_wait3A_229 = tpu.memref_slice %arg39[%sub3A_119] : memref<2x!tpu.dma_semaphore, #tpu.memory_space<semaphore_mem>> -> memref<1x!tpu.dma_semaphore, #tpu.memory_space<semaphore_mem>>
        %dma_wait3A_230 = tpu.memref_squeeze %dma_wait3A_229 : memref<1x!tpu.dma_semaphore, #tpu.memory_space<semaphore_mem>> -> memref<!tpu.dma_semaphore, #tpu.memory_space<semaphore_mem>>
        %dma_wait3A_231 = arith.constant 0 : i32
        %dma_wait3A_232 = tpu.memref_slice %arg32[%sub3A_119, %dma_wait3A_223, %dma_wait3A_231] : memref<2x4x1024xi32, #tpu.memory_space<vmem>> -> memref<1x1x1024xi32, #tpu.memory_space<vmem>>
        %dma_wait3A_233 = tpu.memref_squeeze %dma_wait3A_232 : memref<1x1x1024xi32, #tpu.memory_space<vmem>> -> memref<1024xi32, #tpu.memory_space<vmem>>
        %dma_wait3A_234 = arith.constant 0 : i32
        %dma_wait3A_235 = tpu.memref_slice %arg6[%dma_wait3A_234] : memref<819200xi32, #tpu.memory_space<hbm>> -> memref<1024xi32, #tpu.memory_space<hbm>>
        tpu.wait_dma2 semaphore(%dma_wait3A_230 : memref<!tpu.dma_semaphore, #tpu.memory_space<semaphore_mem>>) src(%dma_wait3A_235 : memref<1024xi32, #tpu.memory_space<hbm>>) dst(%dma_wait3A_233 : memref<1024xi32, #tpu.memory_space<vmem>>)
        %dma_wait3A_236 = arith.constant 1 : i32
        %dma_wait3A_237 = arith.constant 0 : i32
        %dma_wait3A_238 = tpu.memref_slice %arg32[%sub3A_119, %dma_wait3A_236, %dma_wait3A_237] : memref<2x4x1024xi32, #tpu.memory_space<vmem>> -> memref<1x1x1024xi32, #tpu.memory_space<vmem>>
        %dma_wait3A_239 = tpu.memref_squeeze %dma_wait3A_238 : memref<1x1x1024xi32, #tpu.memory_space<vmem>> -> memref<1024xi32, #tpu.memory_space<vmem>>
        %dma_wait3A_240 = arith.constant 0 : i32
        %dma_wait3A_241 = tpu.memref_slice %arg7[%dma_wait3A_240] : memref<819200xi32, #tpu.memory_space<hbm>> -> memref<1024xi32, #tpu.memory_space<hbm>>
        %dma_wait3A_242 = tpu.memref_slice %arg39[%sub3A_119] : memref<2x!tpu.dma_semaphore, #tpu.memory_space<semaphore_mem>> -> memref<1x!tpu.dma_semaphore, #tpu.memory_space<semaphore_mem>>
        %dma_wait3A_243 = tpu.memref_squeeze %dma_wait3A_242 : memref<1x!tpu.dma_semaphore, #tpu.memory_space<semaphore_mem>> -> memref<!tpu.dma_semaphore, #tpu.memory_space<semaphore_mem>>
        %dma_wait3A_244 = arith.constant 0 : i32
        %dma_wait3A_245 = tpu.memref_slice %arg32[%sub3A_119, %dma_wait3A_236, %dma_wait3A_244] : memref<2x4x1024xi32, #tpu.memory_space<vmem>> -> memref<1x1x1024xi32, #tpu.memory_space<vmem>>
        %dma_wait3A_246 = tpu.memref_squeeze %dma_wait3A_245 : memref<1x1x1024xi32, #tpu.memory_space<vmem>> -> memref<1024xi32, #tpu.memory_space<vmem>>
        %dma_wait3A_247 = arith.constant 0 : i32
        %dma_wait3A_248 = tpu.memref_slice %arg7[%dma_wait3A_247] : memref<819200xi32, #tpu.memory_space<hbm>> -> memref<1024xi32, #tpu.memory_space<hbm>>
        tpu.wait_dma2 semaphore(%dma_wait3A_243 : memref<!tpu.dma_semaphore, #tpu.memory_space<semaphore_mem>>) src(%dma_wait3A_248 : memref<1024xi32, #tpu.memory_space<hbm>>) dst(%dma_wait3A_246 : memref<1024xi32, #tpu.memory_space<vmem>>)
        %dma_wait3A_249 = arith.constant 2 : i32
        %dma_wait3A_250 = arith.constant 0 : i32
        %dma_wait3A_251 = tpu.memref_slice %arg32[%sub3A_119, %dma_wait3A_249, %dma_wait3A_250] : memref<2x4x1024xi32, #tpu.memory_space<vmem>> -> memref<1x1x1024xi32, #tpu.memory_space<vmem>>
        %dma_wait3A_252 = tpu.memref_squeeze %dma_wait3A_251 : memref<1x1x1024xi32, #tpu.memory_space<vmem>> -> memref<1024xi32, #tpu.memory_space<vmem>>
        %dma_wait3A_253 = arith.constant 0 : i32
        %dma_wait3A_254 = tpu.memref_slice %arg8[%dma_wait3A_253] : memref<819200xi32, #tpu.memory_space<hbm>> -> memref<1024xi32, #tpu.memory_space<hbm>>
        %dma_wait3A_255 = tpu.memref_slice %arg39[%sub3A_119] : memref<2x!tpu.dma_semaphore, #tpu.memory_space<semaphore_mem>> -> memref<1x!tpu.dma_semaphore, #tpu.memory_space<semaphore_mem>>
        %dma_wait3A_256 = tpu.memref_squeeze %dma_wait3A_255 : memref<1x!tpu.dma_semaphore, #tpu.memory_space<semaphore_mem>> -> memref<!tpu.dma_semaphore, #tpu.memory_space<semaphore_mem>>
        %dma_wait3A_257 = arith.constant 0 : i32
        %dma_wait3A_258 = tpu.memref_slice %arg32[%sub3A_119, %dma_wait3A_249, %dma_wait3A_257] : memref<2x4x1024xi32, #tpu.memory_space<vmem>> -> memref<1x1x1024xi32, #tpu.memory_space<vmem>>
        %dma_wait3A_259 = tpu.memref_squeeze %dma_wait3A_258 : memref<1x1x1024xi32, #tpu.memory_space<vmem>> -> memref<1024xi32, #tpu.memory_space<vmem>>
        %dma_wait3A_260 = arith.constant 0 : i32
        %dma_wait3A_261 = tpu.memref_slice %arg8[%dma_wait3A_260] : memref<819200xi32, #tpu.memory_space<hbm>> -> memref<1024xi32, #tpu.memory_space<hbm>>
        tpu.wait_dma2 semaphore(%dma_wait3A_256 : memref<!tpu.dma_semaphore, #tpu.memory_space<semaphore_mem>>) src(%dma_wait3A_261 : memref<1024xi32, #tpu.memory_space<hbm>>) dst(%dma_wait3A_259 : memref<1024xi32, #tpu.memory_space<vmem>>)
        %dma_wait3A_262 = arith.constant 3 : i32
        %dma_wait3A_263 = arith.constant 0 : i32
        %dma_wait3A_264 = tpu.memref_slice %arg32[%sub3A_119, %dma_wait3A_262, %dma_wait3A_263] : memref<2x4x1024xi32, #tpu.memory_space<vmem>> -> memref<1x1x1024xi32, #tpu.memory_space<vmem>>
        %dma_wait3A_265 = tpu.memref_squeeze %dma_wait3A_264 : memref<1x1x1024xi32, #tpu.memory_space<vmem>> -> memref<1024xi32, #tpu.memory_space<vmem>>
        %dma_wait3A_266 = arith.constant 0 : i32
        %dma_wait3A_267 = tpu.memref_slice %arg9[%dma_wait3A_266] : memref<819200xi32, #tpu.memory_space<hbm>> -> memref<1024xi32, #tpu.memory_space<hbm>>
        %dma_wait3A_268 = tpu.memref_slice %arg39[%sub3A_119] : memref<2x!tpu.dma_semaphore, #tpu.memory_space<semaphore_mem>> -> memref<1x!tpu.dma_semaphore, #tpu.memory_space<semaphore_mem>>
        %dma_wait3A_269 = tpu.memref_squeeze %dma_wait3A_268 : memref<1x!tpu.dma_semaphore, #tpu.memory_space<semaphore_mem>> -> memref<!tpu.dma_semaphore, #tpu.memory_space<semaphore_mem>>
        %dma_wait3A_270 = arith.constant 0 : i32
        %dma_wait3A_271 = tpu.memref_slice %arg32[%sub3A_119, %dma_wait3A_262, %dma_wait3A_270] : memref<2x4x1024xi32, #tpu.memory_space<vmem>> -> memref<1x1x1024xi32, #tpu.memory_space<vmem>>
        %dma_wait3A_272 = tpu.memref_squeeze %dma_wait3A_271 : memref<1x1x1024xi32, #tpu.memory_space<vmem>> -> memref<1024xi32, #tpu.memory_space<vmem>>
        %dma_wait3A_273 = arith.constant 0 : i32
        %dma_wait3A_274 = tpu.memref_slice %arg9[%dma_wait3A_273] : memref<819200xi32, #tpu.memory_space<hbm>> -> memref<1024xi32, #tpu.memory_space<hbm>>
        tpu.wait_dma2 semaphore(%dma_wait3A_269 : memref<!tpu.dma_semaphore, #tpu.memory_space<semaphore_mem>>) src(%dma_wait3A_274 : memref<1024xi32, #tpu.memory_space<hbm>>) dst(%dma_wait3A_272 : memref<1024xi32, #tpu.memory_space<vmem>>)
        %scan3A_275 = arith.constant 0 : i32
        %scan3A_276 = arith.constant 0 : i32
        %scan3A_277 = arith.constant 8 : i32
        %scan3A_278 = arith.addi %scan3A_276, %scan3A_277 : i32
        %scan3A_279 = arith.constant 1 : i32
        scf.for %scan3A_281 = %scan3A_276 to %scan3A_278 step %scan3A_279  : i32 {
          %mul3A_282 = arith.constant 128 : i32
          %mul3A_283 = arith.muli %scan3A_281, %mul3A_282 : i32
          %mul3A_284 = arith.constant 128 : i32
          %mul3A_285 = arith.muli %scan3A_281, %mul3A_284 : i32
          %dma_start3A_286 = arith.constant 0 : i32
          %dma_start3A_287 = tpu.memref_slice %arg33[%sub3A_119, %mul3A_285, %dma_start3A_286] : memref<2x1024x16xf32, #tpu.memory_space<vmem>> -> memref<1x128x16xf32, #tpu.memory_space<vmem>>
          %dma_start3A_288 = tpu.memref_squeeze %dma_start3A_287 : memref<1x128x16xf32, #tpu.memory_space<vmem>> -> memref<128x16xf32, #tpu.memory_space<vmem>>
          %dma_start3A_289 = tpu.memref_slice %arg31[%sub3A_119, %mul3A_283] : memref<2x1024xi32, #tpu.memory_space<vmem>> -> memref<1x128xi32, #tpu.memory_space<vmem>>
          %dma_start3A_290 = tpu.memref_squeeze %dma_start3A_289 : memref<1x128xi32, #tpu.memory_space<vmem>> -> memref<128xi32, #tpu.memory_space<vmem>>
          %dma_start3A_291 = arith.constant 0 : i32
          %dma_start3A_292 = arith.constant 0 : i32
          %dma_start3A_293 = tpu.memref_slice %arg19[%dma_start3A_291, %dma_start3A_292] : memref<1376567x16xf32, #tpu.memory_space<hbm>> -> memref<1376567x16xf32, #tpu.memory_space<hbm>>
          %dma_start3A_294 = tpu.memref_slice %arg40[%sub3A_119] : memref<2x!tpu.dma_semaphore, #tpu.memory_space<semaphore_mem>> -> memref<1x!tpu.dma_semaphore, #tpu.memory_space<semaphore_mem>>
          %dma_start3A_295 = tpu.memref_squeeze %dma_start3A_294 : memref<1x!tpu.dma_semaphore, #tpu.memory_space<semaphore_mem>> -> memref<!tpu.dma_semaphore, #tpu.memory_space<semaphore_mem>>
          tpu.enqueue_indirect_dma source(%dma_start3A_293 : memref<1376567x16xf32, #tpu.memory_space<hbm>>) target(%dma_start3A_288 : memref<128x16xf32, #tpu.memory_space<vmem>>) offsets(%dma_start3A_290 : memref<128xi32, #tpu.memory_space<vmem>>) semaphore(%dma_start3A_295 : memref<!tpu.dma_semaphore, #tpu.memory_space<semaphore_mem>>)
        }
        %scan3A_280 = arith.constant 8 : i32
      } else {
      }
    }
    %scan3A_94 = arith.constant 25 : i32
    %scan3A_95 = arith.constant 0 : i32
    %scan3A_96 = arith.constant 0 : i32
    %scan3A_97 = arith.constant 28 : i32
    %scan3A_98 = arith.addi %scan3A_96, %scan3A_97 : i32
    %scan3A_99 = arith.constant 1 : i32
    scf.for %scan3A_109 = %scan3A_96 to %scan3A_98 step %scan3A_99  : i32 {
      %dma_wait3A_110 = arith.constant 0 : i32
      %dma_wait3A_111 = arith.constant 0 : i32
      %dma_wait3A_112 = arith.constant 0 : i32
      %dma_wait3A_113 = arith.constant 0 : i32
      %dma_wait3A_114 = arith.constant 0 : i32
      %dma_wait3A_115 = tpu.memref_slice %arg34[%dma_wait3A_110, %dma_wait3A_111, %dma_wait3A_114] : memref<2x28x1024xf32, #tpu.memory_space<vmem>> -> memref<1x1x1024xf32, #tpu.memory_space<vmem>>
      %dma_wait3A_116 = tpu.memref_squeeze %dma_wait3A_115 : memref<1x1x1024xf32, #tpu.memory_space<vmem>> -> memref<1024xf32, #tpu.memory_space<vmem>>
      %dma_wait3A_117 = arith.constant 0 : i32
      %dma_wait3A_118 = tpu.memref_slice %arg22[%dma_wait3A_112, %dma_wait3A_117] : memref<28x819200xf32, #tpu.memory_space<hbm>> -> memref<1x1024xf32, #tpu.memory_space<hbm>>
      %dma_wait3A_119 = tpu.memref_squeeze %dma_wait3A_118 : memref<1x1024xf32, #tpu.memory_space<hbm>> -> memref<1024xf32, #tpu.memory_space<hbm>>
      %dma_wait3A_120 = tpu.memref_slice %arg42[%dma_wait3A_113] : memref<2x!tpu.dma_semaphore, #tpu.memory_space<semaphore_mem>> -> memref<1x!tpu.dma_semaphore, #tpu.memory_space<semaphore_mem>>
      %dma_wait3A_121 = tpu.memref_squeeze %dma_wait3A_120 : memref<1x!tpu.dma_semaphore, #tpu.memory_space<semaphore_mem>> -> memref<!tpu.dma_semaphore, #tpu.memory_space<semaphore_mem>>
      %dma_wait3A_122 = arith.constant 0 : i32
      %dma_wait3A_123 = tpu.memref_slice %arg22[%dma_wait3A_112, %dma_wait3A_122] : memref<28x819200xf32, #tpu.memory_space<hbm>> -> memref<1x1024xf32, #tpu.memory_space<hbm>>
      %dma_wait3A_124 = tpu.memref_squeeze %dma_wait3A_123 : memref<1x1024xf32, #tpu.memory_space<hbm>> -> memref<1024xf32, #tpu.memory_space<hbm>>
      %dma_wait3A_125 = arith.constant 0 : i32
      %dma_wait3A_126 = tpu.memref_slice %arg34[%dma_wait3A_110, %dma_wait3A_111, %dma_wait3A_125] : memref<2x28x1024xf32, #tpu.memory_space<vmem>> -> memref<1x1x1024xf32, #tpu.memory_space<vmem>>
      %dma_wait3A_127 = tpu.memref_squeeze %dma_wait3A_126 : memref<1x1x1024xf32, #tpu.memory_space<vmem>> -> memref<1024xf32, #tpu.memory_space<vmem>>
      tpu.wait_dma2 semaphore(%dma_wait3A_121 : memref<!tpu.dma_semaphore, #tpu.memory_space<semaphore_mem>>) src(%dma_wait3A_127 : memref<1024xf32, #tpu.memory_space<vmem>>) dst(%dma_wait3A_124 : memref<1024xf32, #tpu.memory_space<hbm>>)
      %dma_wait3A_128 = arith.constant 1 : i32
      %dma_wait3A_129 = arith.constant 0 : i32
      %dma_wait3A_130 = arith.constant 0 : i32
      %dma_wait3A_131 = arith.constant 1 : i32
      %dma_wait3A_132 = arith.constant 0 : i32
      %dma_wait3A_133 = tpu.memref_slice %arg34[%dma_wait3A_128, %dma_wait3A_129, %dma_wait3A_132] : memref<2x28x1024xf32, #tpu.memory_space<vmem>> -> memref<1x1x1024xf32, #tpu.memory_space<vmem>>
      %dma_wait3A_134 = tpu.memref_squeeze %dma_wait3A_133 : memref<1x1x1024xf32, #tpu.memory_space<vmem>> -> memref<1024xf32, #tpu.memory_space<vmem>>
      %dma_wait3A_135 = arith.constant 0 : i32
      %dma_wait3A_136 = tpu.memref_slice %arg22[%dma_wait3A_130, %dma_wait3A_135] : memref<28x819200xf32, #tpu.memory_space<hbm>> -> memref<1x1024xf32, #tpu.memory_space<hbm>>
      %dma_wait3A_137 = tpu.memref_squeeze %dma_wait3A_136 : memref<1x1024xf32, #tpu.memory_space<hbm>> -> memref<1024xf32, #tpu.memory_space<hbm>>
      %dma_wait3A_138 = tpu.memref_slice %arg42[%dma_wait3A_131] : memref<2x!tpu.dma_semaphore, #tpu.memory_space<semaphore_mem>> -> memref<1x!tpu.dma_semaphore, #tpu.memory_space<semaphore_mem>>
      %dma_wait3A_139 = tpu.memref_squeeze %dma_wait3A_138 : memref<1x!tpu.dma_semaphore, #tpu.memory_space<semaphore_mem>> -> memref<!tpu.dma_semaphore, #tpu.memory_space<semaphore_mem>>
      %dma_wait3A_140 = arith.constant 0 : i32
      %dma_wait3A_141 = tpu.memref_slice %arg22[%dma_wait3A_130, %dma_wait3A_140] : memref<28x819200xf32, #tpu.memory_space<hbm>> -> memref<1x1024xf32, #tpu.memory_space<hbm>>
      %dma_wait3A_142 = tpu.memref_squeeze %dma_wait3A_141 : memref<1x1024xf32, #tpu.memory_space<hbm>> -> memref<1024xf32, #tpu.memory_space<hbm>>
      %dma_wait3A_143 = arith.constant 0 : i32
      %dma_wait3A_144 = tpu.memref_slice %arg34[%dma_wait3A_128, %dma_wait3A_129, %dma_wait3A_143] : memref<2x28x1024xf32, #tpu.memory_space<vmem>> -> memref<1x1x1024xf32, #tpu.memory_space<vmem>>
      %dma_wait3A_145 = tpu.memref_squeeze %dma_wait3A_144 : memref<1x1x1024xf32, #tpu.memory_space<vmem>> -> memref<1024xf32, #tpu.memory_space<vmem>>
      tpu.wait_dma2 semaphore(%dma_wait3A_139 : memref<!tpu.dma_semaphore, #tpu.memory_space<semaphore_mem>>) src(%dma_wait3A_145 : memref<1024xf32, #tpu.memory_space<vmem>>) dst(%dma_wait3A_142 : memref<1024xf32, #tpu.memory_space<hbm>>)
    }
    %scan3A_100 = arith.constant 28 : i32
    %mul3A_101 = arith.constant 128 : i32
    %mul3A_102 = arith.muli %add3A, %mul3A_101 : i32
    %scan3A_103 = arith.constant 0 : i32
    %scan3A_104 = arith.constant 0 : i32
    %scan3A_105 = arith.constant 50 : i32
    %scan3A_106 = arith.addi %scan3A_104, %scan3A_105 : i32
    %scan3A_107 = arith.constant 1 : i32
    scf.for %scan3A_109 = %scan3A_104 to %scan3A_106 step %scan3A_107  : i32 {
      %mul3A_110 = arith.constant 4096 : i32
      %mul3A_111 = arith.muli %scan3A_109, %mul3A_110 : i32
      %add3A_112 = arith.addi %mul3A_111, %mul3A_102 : i32
      "tpu.region"() ({
        %run_scoped3A_155 = tpu.sem_alloc : memref<!tpu.dma_semaphore, #tpu.memory_space<semaphore_mem>>
        %dma_start3A_156 = tpu.memref_slice %arg14[%add3A_112] : memref<204800xi32, #tpu.memory_space<hbm>> -> memref<128xi32, #tpu.memory_space<hbm>>
        %dma_start3A_157 = tpu.memref_slice %arg14[%add3A_112] : memref<204800xi32, #tpu.memory_space<hbm>> -> memref<128xi32, #tpu.memory_space<hbm>>
        tpu.enqueue_dma source(%dma_start3A_157 : memref<128xi32, #tpu.memory_space<hbm>>) target(%arg35 : memref<128xi32, #tpu.memory_space<vmem>>) target_semaphore(%run_scoped3A_155 : memref<!tpu.dma_semaphore, #tpu.memory_space<semaphore_mem>>)
        %dma_wait3A_158 = tpu.memref_slice %arg14[%add3A_112] : memref<204800xi32, #tpu.memory_space<hbm>> -> memref<128xi32, #tpu.memory_space<hbm>>
        %dma_wait3A_159 = tpu.memref_slice %arg14[%add3A_112] : memref<204800xi32, #tpu.memory_space<hbm>> -> memref<128xi32, #tpu.memory_space<hbm>>
        tpu.wait_dma2 semaphore(%run_scoped3A_155 : memref<!tpu.dma_semaphore, #tpu.memory_space<semaphore_mem>>) src(%dma_wait3A_159 : memref<128xi32, #tpu.memory_space<hbm>>) dst(%arg35 : memref<128xi32, #tpu.memory_space<vmem>>)
        tpu.yield
      }) : () -> ()
      %dma_start3A_113 = arith.constant 0 : i32
      %dma_start3A_114 = arith.constant 0 : i32
      %dma_start3A_115 = tpu.memref_slice %arg20[%dma_start3A_113, %dma_start3A_114] : memref<101009x16xf32, #tpu.memory_space<hbm>> -> memref<101009x16xf32, #tpu.memory_space<hbm>>
      tpu.enqueue_indirect_dma source(%dma_start3A_115 : memref<101009x16xf32, #tpu.memory_space<hbm>>) target(%arg36 : memref<128x16xf32, #tpu.memory_space<vmem>>) offsets(%arg35 : memref<128xi32, #tpu.memory_space<vmem>>) semaphore(%arg38 : memref<!tpu.dma_semaphore, #tpu.memory_space<semaphore_mem>>)
      %dma_wait3A_116 = arith.constant 0 : i32
      %dma_wait3A_117 = arith.constant 0 : i32
      %dma_wait3A_118 = tpu.memref_slice %arg20[%dma_wait3A_116, %dma_wait3A_117] : memref<101009x16xf32, #tpu.memory_space<hbm>> -> memref<101009x16xf32, #tpu.memory_space<hbm>>
      tpu.wait_indirect_dma semaphore(%arg38 : memref<!tpu.dma_semaphore, #tpu.memory_space<semaphore_mem>>) src(%dma_wait3A_118 : memref<101009x16xf32, #tpu.memory_space<hbm>>) dst(%arg36 : memref<128x16xf32, #tpu.memory_space<vmem>>)
      %scan3A_119 = arith.constant 0 : i32
      %scan3A_120 = arith.constant 0 : i32
      %scan3A_121 = arith.constant 8 : i32
      %scan3A_122 = arith.addi %scan3A_120, %scan3A_121 : i32
      %scan3A_123 = arith.constant 1 : i32
      scf.for %scan3A_155 = %scan3A_120 to %scan3A_122 step %scan3A_123  : i32 {
        %mul3A_156 = arith.constant 16 : i32
        %mul3A_157 = arith.muli %scan3A_155, %mul3A_156 : i32
        %add3A_158 = arith.constant 0 : i32
        %add3A_159 = arith.addi %mul3A_157, %add3A_158 : i32
        %broadcast_in_dim3A = vector.broadcast %add3A_159 : i32 to vector<16xi32>
        %add3A_160 = arith.constant 0 : i32
        %add3A_161 = arith.addi %mul3A_157, %add3A_160 : i32
        %get3A_162 = arith.index_cast %add3A_161 : i32 to index
        %get3A_163 = arith.constant 0 : index
        %get3A_164 = tpu.vector_load %arg36[%get3A_162, %get3A_163] {strides = array<i32>} : memref<128x16xf32, #tpu.memory_space<vmem>>, vector<16xf32>,
        tpu.vector_store_idx %arg37[%iota3A, %broadcast_in_dim3A], %get3A_164 : memref<16x128xf32, #tpu.memory_space<vmem>>[vector<16xi32>, vector<16xi32>], vector<16xf32>,
        %add3A_165 = arith.constant 1 : i32
        %add3A_166 = arith.addi %mul3A_157, %add3A_165 : i32
        %broadcast_in_dim3A_167 = vector.broadcast %add3A_166 : i32 to vector<16xi32>
        %add3A_168 = arith.constant 1 : i32
        %add3A_169 = arith.addi %mul3A_157, %add3A_168 : i32
        %get3A_170 = arith.index_cast %add3A_169 : i32 to index
        %get3A_171 = arith.constant 0 : index
        %get3A_172 = tpu.vector_load %arg36[%get3A_170, %get3A_171] {strides = array<i32>} : memref<128x16xf32, #tpu.memory_space<vmem>>, vector<16xf32>,
        tpu.vector_store_idx %arg37[%iota3A, %broadcast_in_dim3A_167], %get3A_172 : memref<16x128xf32, #tpu.memory_space<vmem>>[vector<16xi32>, vector<16xi32>], vector<16xf32>,
        %add3A_173 = arith.constant 2 : i32
        %add3A_174 = arith.addi %mul3A_157, %add3A_173 : i32
        %broadcast_in_dim3A_175 = vector.broadcast %add3A_174 : i32 to vector<16xi32>
        %add3A_176 = arith.constant 2 : i32
        %add3A_177 = arith.addi %mul3A_157, %add3A_176 : i32
        %get3A_178 = arith.index_cast %add3A_177 : i32 to index
        %get3A_179 = arith.constant 0 : index
        %get3A_180 = tpu.vector_load %arg36[%get3A_178, %get3A_179] {strides = array<i32>} : memref<128x16xf32, #tpu.memory_space<vmem>>, vector<16xf32>,
        tpu.vector_store_idx %arg37[%iota3A, %broadcast_in_dim3A_175], %get3A_180 : memref<16x128xf32, #tpu.memory_space<vmem>>[vector<16xi32>, vector<16xi32>], vector<16xf32>,
        %add3A_181 = arith.constant 3 : i32
        %add3A_182 = arith.addi %mul3A_157, %add3A_181 : i32
        %broadcast_in_dim3A_183 = vector.broadcast %add3A_182 : i32 to vector<16xi32>
        %add3A_184 = arith.constant 3 : i32
        %add3A_185 = arith.addi %mul3A_157, %add3A_184 : i32
        %get3A_186 = arith.index_cast %add3A_185 : i32 to index
        %get3A_187 = arith.constant 0 : index
        %get3A_188 = tpu.vector_load %arg36[%get3A_186, %get3A_187] {strides = array<i32>} : memref<128x16xf32, #tpu.memory_space<vmem>>, vector<16xf32>,
        tpu.vector_store_idx %arg37[%iota3A, %broadcast_in_dim3A_183], %get3A_188 : memref<16x128xf32, #tpu.memory_space<vmem>>[vector<16xi32>, vector<16xi32>], vector<16xf32>,
        %add3A_189 = arith.constant 4 : i32
        %add3A_190 = arith.addi %mul3A_157, %add3A_189 : i32
        %broadcast_in_dim3A_191 = vector.broadcast %add3A_190 : i32 to vector<16xi32>
        %add3A_192 = arith.constant 4 : i32
        %add3A_193 = arith.addi %mul3A_157, %add3A_192 : i32
        %get3A_194 = arith.index_cast %add3A_193 : i32 to index
        %get3A_195 = arith.constant 0 : index
        %get3A_196 = tpu.vector_load %arg36[%get3A_194, %get3A_195] {strides = array<i32>} : memref<128x16xf32, #tpu.memory_space<vmem>>, vector<16xf32>,
        tpu.vector_store_idx %arg37[%iota3A, %broadcast_in_dim3A_191], %get3A_196 : memref<16x128xf32, #tpu.memory_space<vmem>>[vector<16xi32>, vector<16xi32>], vector<16xf32>,
        %add3A_197 = arith.constant 5 : i32
        %add3A_198 = arith.addi %mul3A_157, %add3A_197 : i32
        %broadcast_in_dim3A_199 = vector.broadcast %add3A_198 : i32 to vector<16xi32>
        %add3A_200 = arith.constant 5 : i32
        %add3A_201 = arith.addi %mul3A_157, %add3A_200 : i32
        %get3A_202 = arith.index_cast %add3A_201 : i32 to index
        %get3A_203 = arith.constant 0 : index
        %get3A_204 = tpu.vector_load %arg36[%get3A_202, %get3A_203] {strides = array<i32>} : memref<128x16xf32, #tpu.memory_space<vmem>>, vector<16xf32>,
        tpu.vector_store_idx %arg37[%iota3A, %broadcast_in_dim3A_199], %get3A_204 : memref<16x128xf32, #tpu.memory_space<vmem>>[vector<16xi32>, vector<16xi32>], vector<16xf32>,
        %add3A_205 = arith.constant 6 : i32
        %add3A_206 = arith.addi %mul3A_157, %add3A_205 : i32
        %broadcast_in_dim3A_207 = vector.broadcast %add3A_206 : i32 to vector<16xi32>
        %add3A_208 = arith.constant 6 : i32
        %add3A_209 = arith.addi %mul3A_157, %add3A_208 : i32
        %get3A_210 = arith.index_cast %add3A_209 : i32 to index
        %get3A_211 = arith.constant 0 : index
        %get3A_212 = tpu.vector_load %arg36[%get3A_210, %get3A_211] {strides = array<i32>} : memref<128x16xf32, #tpu.memory_space<vmem>>, vector<16xf32>,
        tpu.vector_store_idx %arg37[%iota3A, %broadcast_in_dim3A_207], %get3A_212 : memref<16x128xf32, #tpu.memory_space<vmem>>[vector<16xi32>, vector<16xi32>], vector<16xf32>,
        %add3A_213 = arith.constant 7 : i32
        %add3A_214 = arith.addi %mul3A_157, %add3A_213 : i32
        %broadcast_in_dim3A_215 = vector.broadcast %add3A_214 : i32 to vector<16xi32>
        %add3A_216 = arith.constant 7 : i32
        %add3A_217 = arith.addi %mul3A_157, %add3A_216 : i32
        %get3A_218 = arith.index_cast %add3A_217 : i32 to index
        %get3A_219 = arith.constant 0 : index
        %get3A_220 = tpu.vector_load %arg36[%get3A_218, %get3A_219] {strides = array<i32>} : memref<128x16xf32, #tpu.memory_space<vmem>>, vector<16xf32>,
        tpu.vector_store_idx %arg37[%iota3A, %broadcast_in_dim3A_215], %get3A_220 : memref<16x128xf32, #tpu.memory_space<vmem>>[vector<16xi32>, vector<16xi32>], vector<16xf32>,
        %add3A_221 = arith.constant 8 : i32
        %add3A_222 = arith.addi %mul3A_157, %add3A_221 : i32
        %broadcast_in_dim3A_223 = vector.broadcast %add3A_222 : i32 to vector<16xi32>
        %add3A_224 = arith.constant 8 : i32
        %add3A_225 = arith.addi %mul3A_157, %add3A_224 : i32
        %get3A_226 = arith.index_cast %add3A_225 : i32 to index
        %get3A_227 = arith.constant 0 : index
        %get3A_228 = tpu.vector_load %arg36[%get3A_226, %get3A_227] {strides = array<i32>} : memref<128x16xf32, #tpu.memory_space<vmem>>, vector<16xf32>,
        tpu.vector_store_idx %arg37[%iota3A, %broadcast_in_dim3A_223], %get3A_228 : memref<16x128xf32, #tpu.memory_space<vmem>>[vector<16xi32>, vector<16xi32>], vector<16xf32>,
        %add3A_229 = arith.constant 9 : i32
        %add3A_230 = arith.addi %mul3A_157, %add3A_229 : i32
        %broadcast_in_dim3A_231 = vector.broadcast %add3A_230 : i32 to vector<16xi32>
        %add3A_232 = arith.constant 9 : i32
        %add3A_233 = arith.addi %mul3A_157, %add3A_232 : i32
        %get3A_234 = arith.index_cast %add3A_233 : i32 to index
        %get3A_235 = arith.constant 0 : index
        %get3A_236 = tpu.vector_load %arg36[%get3A_234, %get3A_235] {strides = array<i32>} : memref<128x16xf32, #tpu.memory_space<vmem>>, vector<16xf32>,
        tpu.vector_store_idx %arg37[%iota3A, %broadcast_in_dim3A_231], %get3A_236 : memref<16x128xf32, #tpu.memory_space<vmem>>[vector<16xi32>, vector<16xi32>], vector<16xf32>,
        %add3A_237 = arith.constant 10 : i32
        %add3A_238 = arith.addi %mul3A_157, %add3A_237 : i32
        %broadcast_in_dim3A_239 = vector.broadcast %add3A_238 : i32 to vector<16xi32>
        %add3A_240 = arith.constant 10 : i32
        %add3A_241 = arith.addi %mul3A_157, %add3A_240 : i32
        %get3A_242 = arith.index_cast %add3A_241 : i32 to index
        %get3A_243 = arith.constant 0 : index
        %get3A_244 = tpu.vector_load %arg36[%get3A_242, %get3A_243] {strides = array<i32>} : memref<128x16xf32, #tpu.memory_space<vmem>>, vector<16xf32>,
        tpu.vector_store_idx %arg37[%iota3A, %broadcast_in_dim3A_239], %get3A_244 : memref<16x128xf32, #tpu.memory_space<vmem>>[vector<16xi32>, vector<16xi32>], vector<16xf32>,
        %add3A_245 = arith.constant 11 : i32
        %add3A_246 = arith.addi %mul3A_157, %add3A_245 : i32
        %broadcast_in_dim3A_247 = vector.broadcast %add3A_246 : i32 to vector<16xi32>
        %add3A_248 = arith.constant 11 : i32
        %add3A_249 = arith.addi %mul3A_157, %add3A_248 : i32
        %get3A_250 = arith.index_cast %add3A_249 : i32 to index
        %get3A_251 = arith.constant 0 : index
        %get3A_252 = tpu.vector_load %arg36[%get3A_250, %get3A_251] {strides = array<i32>} : memref<128x16xf32, #tpu.memory_space<vmem>>, vector<16xf32>,
        tpu.vector_store_idx %arg37[%iota3A, %broadcast_in_dim3A_247], %get3A_252 : memref<16x128xf32, #tpu.memory_space<vmem>>[vector<16xi32>, vector<16xi32>], vector<16xf32>,
        %add3A_253 = arith.constant 12 : i32
        %add3A_254 = arith.addi %mul3A_157, %add3A_253 : i32
        %broadcast_in_dim3A_255 = vector.broadcast %add3A_254 : i32 to vector<16xi32>
        %add3A_256 = arith.constant 12 : i32
        %add3A_257 = arith.addi %mul3A_157, %add3A_256 : i32
        %get3A_258 = arith.index_cast %add3A_257 : i32 to index
        %get3A_259 = arith.constant 0 : index
        %get3A_260 = tpu.vector_load %arg36[%get3A_258, %get3A_259] {strides = array<i32>} : memref<128x16xf32, #tpu.memory_space<vmem>>, vector<16xf32>,
        tpu.vector_store_idx %arg37[%iota3A, %broadcast_in_dim3A_255], %get3A_260 : memref<16x128xf32, #tpu.memory_space<vmem>>[vector<16xi32>, vector<16xi32>], vector<16xf32>,
        %add3A_261 = arith.constant 13 : i32
        %add3A_262 = arith.addi %mul3A_157, %add3A_261 : i32
        %broadcast_in_dim3A_263 = vector.broadcast %add3A_262 : i32 to vector<16xi32>
        %add3A_264 = arith.constant 13 : i32
        %add3A_265 = arith.addi %mul3A_157, %add3A_264 : i32
        %get3A_266 = arith.index_cast %add3A_265 : i32 to index
        %get3A_267 = arith.constant 0 : index
        %get3A_268 = tpu.vector_load %arg36[%get3A_266, %get3A_267] {strides = array<i32>} : memref<128x16xf32, #tpu.memory_space<vmem>>, vector<16xf32>,
        tpu.vector_store_idx %arg37[%iota3A, %broadcast_in_dim3A_263], %get3A_268 : memref<16x128xf32, #tpu.memory_space<vmem>>[vector<16xi32>, vector<16xi32>], vector<16xf32>,
        %add3A_269 = arith.constant 14 : i32
        %add3A_270 = arith.addi %mul3A_157, %add3A_269 : i32
        %broadcast_in_dim3A_271 = vector.broadcast %add3A_270 : i32 to vector<16xi32>
        %add3A_272 = arith.constant 14 : i32
        %add3A_273 = arith.addi %mul3A_157, %add3A_272 : i32
        %get3A_274 = arith.index_cast %add3A_273 : i32 to index
        %get3A_275 = arith.constant 0 : index
        %get3A_276 = tpu.vector_load %arg36[%get3A_274, %get3A_275] {strides = array<i32>} : memref<128x16xf32, #tpu.memory_space<vmem>>, vector<16xf32>,
        tpu.vector_store_idx %arg37[%iota3A, %broadcast_in_dim3A_271], %get3A_276 : memref<16x128xf32, #tpu.memory_space<vmem>>[vector<16xi32>, vector<16xi32>], vector<16xf32>,
        %add3A_277 = arith.constant 15 : i32
        %add3A_278 = arith.addi %mul3A_157, %add3A_277 : i32
        %broadcast_in_dim3A_279 = vector.broadcast %add3A_278 : i32 to vector<16xi32>
        %add3A_280 = arith.constant 15 : i32
        %add3A_281 = arith.addi %mul3A_157, %add3A_280 : i32
        %get3A_282 = arith.index_cast %add3A_281 : i32 to index
        %get3A_283 = arith.constant 0 : index
        %get3A_284 = tpu.vector_load %arg36[%get3A_282, %get3A_283] {strides = array<i32>} : memref<128x16xf32, #tpu.memory_space<vmem>>, vector<16xf32>,
        tpu.vector_store_idx %arg37[%iota3A, %broadcast_in_dim3A_279], %get3A_284 : memref<16x128xf32, #tpu.memory_space<vmem>>[vector<16xi32>, vector<16xi32>], vector<16xf32>,
      }
      %scan3A_124 = arith.constant 8 : i32
      %dma_start3A_125 = arith.constant 15 : i32
      %dma_start3A_126 = arith.constant 0 : i32
      %dma_start3A_127 = tpu.memref_slice %arg37[%dma_start3A_125, %dma_start3A_126] : memref<16x128xf32, #tpu.memory_space<vmem>> -> memref<1x128xf32, #tpu.memory_space<vmem>>
      %dma_start3A_128 = tpu.memref_squeeze %dma_start3A_127 : memref<1x128xf32, #tpu.memory_space<vmem>> -> memref<128xf32, #tpu.memory_space<vmem>>
      %dma_start3A_129 = tpu.memref_slice %arg15[%add3A_112] : memref<204800xf32, #tpu.memory_space<hbm>> -> memref<128xf32, #tpu.memory_space<hbm>>
      %dma_start3A_130 = arith.constant 0 : i32
      %dma_start3A_131 = tpu.memref_slice %arg37[%dma_start3A_125, %dma_start3A_130] : memref<16x128xf32, #tpu.memory_space<vmem>> -> memref<1x128xf32, #tpu.memory_space<vmem>>
      %dma_start3A_132 = tpu.memref_squeeze %dma_start3A_131 : memref<1x128xf32, #tpu.memory_space<vmem>> -> memref<128xf32, #tpu.memory_space<vmem>>
      %dma_start3A_133 = tpu.memref_slice %arg15[%add3A_112] : memref<204800xf32, #tpu.memory_space<hbm>> -> memref<128xf32, #tpu.memory_space<hbm>>
      tpu.enqueue_dma source(%dma_start3A_133 : memref<128xf32, #tpu.memory_space<hbm>>) target(%dma_start3A_132 : memref<128xf32, #tpu.memory_space<vmem>>) target_semaphore(%arg38 : memref<!tpu.dma_semaphore, #tpu.memory_space<semaphore_mem>>)
      %dma_wait3A_134 = arith.constant 15 : i32
      %dma_wait3A_135 = arith.constant 0 : i32
      %dma_wait3A_136 = tpu.memref_slice %arg37[%dma_wait3A_134, %dma_wait3A_135] : memref<16x128xf32, #tpu.memory_space<vmem>> -> memref<1x128xf32, #tpu.memory_space<vmem>>
      %dma_wait3A_137 = tpu.memref_squeeze %dma_wait3A_136 : memref<1x128xf32, #tpu.memory_space<vmem>> -> memref<128xf32, #tpu.memory_space<vmem>>
      %dma_wait3A_138 = tpu.memref_slice %arg15[%add3A_112] : memref<204800xf32, #tpu.memory_space<hbm>> -> memref<128xf32, #tpu.memory_space<hbm>>
      %dma_wait3A_139 = arith.constant 0 : i32
      %dma_wait3A_140 = tpu.memref_slice %arg37[%dma_wait3A_134, %dma_wait3A_139] : memref<16x128xf32, #tpu.memory_space<vmem>> -> memref<1x128xf32, #tpu.memory_space<vmem>>
      %dma_wait3A_141 = tpu.memref_squeeze %dma_wait3A_140 : memref<1x128xf32, #tpu.memory_space<vmem>> -> memref<128xf32, #tpu.memory_space<vmem>>
      %dma_wait3A_142 = tpu.memref_slice %arg15[%add3A_112] : memref<204800xf32, #tpu.memory_space<hbm>> -> memref<128xf32, #tpu.memory_space<hbm>>
      tpu.wait_dma2 semaphore(%arg38 : memref<!tpu.dma_semaphore, #tpu.memory_space<semaphore_mem>>) src(%dma_wait3A_142 : memref<128xf32, #tpu.memory_space<hbm>>) dst(%dma_wait3A_141 : memref<128xf32, #tpu.memory_space<vmem>>)
      %scan3A_143 = arith.constant 0 : i32
      %scan3A_144 = arith.constant 0 : i32
      %scan3A_145 = arith.constant 16 : i32
      %scan3A_146 = arith.addi %scan3A_144, %scan3A_145 : i32
      %scan3A_147 = arith.constant 1 : i32
      scf.for %scan3A_155 = %scan3A_144 to %scan3A_146 step %scan3A_147  : i32 {
        %mul3A_156 = arith.constant 16 : i32
        %mul3A_157 = arith.muli %scan3A_109, %mul3A_156 : i32
        %add3A_158 = arith.addi %mul3A_157, %scan3A_155 : i32
        %dma_start3A_159 = arith.constant 0 : i32
        %dma_start3A_160 = tpu.memref_slice %arg37[%scan3A_155, %dma_start3A_159] : memref<16x128xf32, #tpu.memory_space<vmem>> -> memref<1x128xf32, #tpu.memory_space<vmem>>
        %dma_start3A_161 = tpu.memref_squeeze %dma_start3A_160 : memref<1x128xf32, #tpu.memory_space<vmem>> -> memref<128xf32, #tpu.memory_space<vmem>>
        %dma_start3A_162 = tpu.memref_slice %arg23[%add3A_158, %mul3A_102] : memref<800x4096xf32, #tpu.memory_space<hbm>> -> memref<1x128xf32, #tpu.memory_space<hbm>>
        %dma_start3A_163 = tpu.memref_squeeze %dma_start3A_162 : memref<1x128xf32, #tpu.memory_space<hbm>> -> memref<128xf32, #tpu.memory_space<hbm>>
        %dma_start3A_164 = tpu.memref_slice %arg23[%add3A_158, %mul3A_102] : memref<800x4096xf32, #tpu.memory_space<hbm>> -> memref<1x128xf32, #tpu.memory_space<hbm>>
        %dma_start3A_165 = tpu.memref_squeeze %dma_start3A_164 : memref<1x128xf32, #tpu.memory_space<hbm>> -> memref<128xf32, #tpu.memory_space<hbm>>
        %dma_start3A_166 = arith.constant 0 : i32
        %dma_start3A_167 = tpu.memref_slice %arg37[%scan3A_155, %dma_start3A_166] : memref<16x128xf32, #tpu.memory_space<vmem>> -> memref<1x128xf32, #tpu.memory_space<vmem>>
        %dma_start3A_168 = tpu.memref_squeeze %dma_start3A_167 : memref<1x128xf32, #tpu.memory_space<vmem>> -> memref<128xf32, #tpu.memory_space<vmem>>
        tpu.enqueue_dma source(%dma_start3A_168 : memref<128xf32, #tpu.memory_space<vmem>>) target(%dma_start3A_165 : memref<128xf32, #tpu.memory_space<hbm>>) target_semaphore(%arg38 : memref<!tpu.dma_semaphore, #tpu.memory_space<semaphore_mem>>)
      }
      %scan3A_148 = arith.constant 16 : i32
      %scan3A_149 = arith.constant 0 : i32
      %scan3A_150 = arith.constant 0 : i32
      %scan3A_151 = arith.constant 16 : i32
      %scan3A_152 = arith.addi %scan3A_150, %scan3A_151 : i32
      %scan3A_153 = arith.constant 1 : i32
      scf.for %scan3A_155 = %scan3A_150 to %scan3A_152 step %scan3A_153  : i32 {
        %dma_wait3A_156 = arith.constant 0 : i32
        %dma_wait3A_157 = arith.constant 0 : i32
        %dma_wait3A_158 = arith.constant 0 : i32
        %dma_wait3A_159 = tpu.memref_slice %arg37[%dma_wait3A_156, %dma_wait3A_158] : memref<16x128xf32, #tpu.memory_space<vmem>> -> memref<1x128xf32, #tpu.memory_space<vmem>>
        %dma_wait3A_160 = tpu.memref_squeeze %dma_wait3A_159 : memref<1x128xf32, #tpu.memory_space<vmem>> -> memref<128xf32, #tpu.memory_space<vmem>>
        %dma_wait3A_161 = arith.constant 0 : i32
        %dma_wait3A_162 = tpu.memref_slice %arg23[%dma_wait3A_157, %dma_wait3A_161] : memref<800x4096xf32, #tpu.memory_space<hbm>> -> memref<1x128xf32, #tpu.memory_space<hbm>>
        %dma_wait3A_163 = tpu.memref_squeeze %dma_wait3A_162 : memref<1x128xf32, #tpu.memory_space<hbm>> -> memref<128xf32, #tpu.memory_space<hbm>>
        %dma_wait3A_164 = arith.constant 0 : i32
        %dma_wait3A_165 = tpu.memref_slice %arg23[%dma_wait3A_157, %dma_wait3A_164] : memref<800x4096xf32, #tpu.memory_space<hbm>> -> memref<1x128xf32, #tpu.memory_space<hbm>>
        %dma_wait3A_166 = tpu.memref_squeeze %dma_wait3A_165 : memref<1x128xf32, #tpu.memory_space<hbm>> -> memref<128xf32, #tpu.memory_space<hbm>>
        %dma_wait3A_167 = arith.constant 0 : i32
        %dma_wait3A_168 = tpu.memref_slice %arg37[%dma_wait3A_156, %dma_wait3A_167] : memref<16x128xf32, #tpu.memory_space<vmem>> -> memref<1x128xf32, #tpu.memory_space<vmem>>
        %dma_wait3A_169 = tpu.memref_squeeze %dma_wait3A_168 : memref<1x128xf32, #tpu.memory_space<vmem>> -> memref<128xf32, #tpu.memory_space<vmem>>
        tpu.wait_dma2 semaphore(%arg38 : memref<!tpu.dma_semaphore, #tpu.memory_space<semaphore_mem>>) src(%dma_wait3A_169 : memref<128xf32, #tpu.memory_space<vmem>>) dst(%dma_wait3A_166 : memref<128xf32, #tpu.memory_space<hbm>>)
      }
      %scan3A_154 = arith.constant 16 : i32
    }
    %scan3A_108 = arith.constant 50 : i32
    return
  }
}

</mosaic_0001>

<sc_bundles>
// kernel: _run.3.cloned.1.call-start
scs
__scs_entry_jumppad:
0x0: {  	(pc) =	sbr.rel $0x88, $3  }
0x1: {  	(tag) =	ssettag $0x0;
	lr =	simm.s32 $0x1  }
0x2: {  	[smem:$0x3F8E] =	sst lr;
	_ =	strace $0xD0000000  }
0x3: {  	_ = 	snop  }
0x4: {  	_ = 	snop  }
0x5: {  	_ = 	snop  }
0x6: {  	_ = 	snop  }
0x7: {  	_ = 	snop  }
__scs_overlays_trampoline_lowered:
0x8: {  	[smem:$0x3F9D] =	sst s0  }
0x9: {  	[smem:$0x3F9E] =	sst s1  }
0xa: {  	[smem:$0x3F9F] =	sst s2  }
0xb: {  	[smem:$0x3FA0] =	sst s3  }
0xc: {  	[smem:$0x3FA1] =	sst s4  }
0xd: {  	[smem:$0x3FA2] =	sst s5  }
0xe: {  	[smem:$0x3FA3] =	sst s6  }
0xf: {  	[smem:$0x3FA4] =	sst s7  }
0x10: {  	[smem:$0x3FA5] =	sst s8  }
0x11: {  	[smem:$0x3FA6] =	sst s9;
	s0 =	simm.s32 @!p0 $0x0  }
0x12: {  	s1 =	sld [smem:$0x3F8C];
	s0 =	simm.s32 @p0 $0x1  }
0x13: {  	[smem:$0x3FA7] =	sst s0;
	s0 =	simm.s32 @!p1 $0x0  }
0x14: {  	s2 =	sld [smem:$0x3F8B];
	s0 =	simm.s32 @p1 $0x1  }
0x15: {  	[smem:$0x3FA8] =	sst s0;
	s0 =	simm.s32 @!p2 $0x0  }
0x16: {  	s3 =	sld [smem:$0x3FDB];
	s0 =	simm.s32 @p2 $0x1  }
0x17: {  	s4 =	simm.s32 $0x1BF5;
	[smem:$0x3FAA] =	sst s0  }
0x18: {  	s0 =	sld [smem:$0x3F8D];
	_ =	swait.ge [sflag:s4], $0x0  }
0x19: {  	s7 =	sld [smem:$0x3F8E]  }
0x1a: {  	s8 =	sadd.s32 $0xFFFFE003, lr  }
0x1b: {  	s9 =	sadd.s32 $0xFFFFFEF7, lr;
	s5 =	simm.s32 $0xFFFFFFFF;
	p2 =	slt.u32 s8, $0xFFFFF086  }
0x1c: {  	p1 =	slt.u32 s9, $0xF7A;
	s5 =	simm.s32 @!p2 $0x0  }
0x1d: {  	s5 =	simm.s32 @p1 $0x1;
	p0 =	seq.s32 s7, s2  }
0x1e: {  	s7 =	smul.u32 @!p0 $0xF7A, s2;
	p2 =	seq.s32 @!p0 s5, $0x0  }
0x1f: {  	s9 =	smul.u32 $0xF7A, s1;
	s8 =	simm.s32 @!p0 $0x1BF5;
	p2 =	por !p2, p0  }
0x20: {  	[sflag:s8] =	ssyncset.s32 @!p0 $0xFFFFF086;
	s6 =	sadd.s32 @!p0 s3, s7;
	s7 =	simm.s32 @!p0 $0x108  }
0x21: {  	s3 =	sadd.s32 s3, s9;
	s6 =	sadd.s32 @!p0 $0x88, s6;
	s7 =	simm.s32 @p2 $0x1082  }
0x22: {  	[simem:s7], [sflag:s8] =	dma.local @!p0 [hbm:s6], $0xF7A  }
0x23: {  	s9 =	sor.u32 $0xD0000000, s2;
	s6 =	simm.s32 $0x108;
	_ =	swait.ge @!p0 [sflag:s8], $0x0  }
0x24: {  	s3 =	sadd.s32 $0x88, s3;
	s6 =	simm.s32 @!p1 $0x1082;
	[sflag:s4] =	ssyncset.s32 $0xFFFFF086  }
0x25: {  	[simem:s6], [sflag:s4] =	dma.local [hbm:s3], $0xF7A  }
0x26: {  	[smem:$0x3F8E] =	sst s1;
	(tag) =	ssettag s2;
	_ =	strace s9  }
0x27: {  	s1 =	sld [smem:$0x3F9E]  }
0x28: {  	s2 =	sld [smem:$0x3F9F]  }
0x29: {  	s4 =	sld [smem:$0x3FA1]  }
0x2a: {  	p0 =	seq.s32 s5, $0x0;
	s5 =	sld [smem:$0x3FA2]  }
0x2b: {  	s6 =	sld [smem:$0x3FA3]  }
0x2c: {  	s7 =	sld [smem:$0x3FA4]  }
0x2d: {  	s3 =	simm.s32 $0x108;
	s8 =	sld [smem:$0x3FA5]  }
0x2e: {  	s3 =	simm.s32 @!p0 $0x1082;
	s9 =	sld [smem:$0x3FA6]  }
0x2f: {  	lr =	sadd.s32 s0, s3;
	s0 =	sld [smem:$0x3F9D]  }
0x30: {  	s3 =	sld [smem:$0x3FA0]  }
0x31: {  	[smem:$0x3FA9] =	sst s10  }
0x32: {  	s10 =	sld [smem:$0x3FA7];
	_ =	sdelay $0x3  }
0x33: {  	p0 =	seq.s32 s10, $0x1;
	s10 =	sld [smem:$0x3FA9];
	_ =	sdelay $0x3  }
0x34: {  	[smem:$0x3FA9] =	sst s10  }
0x35: {  	s10 =	sld [smem:$0x3FA8];
	_ =	sdelay $0x3  }
0x36: {  	p1 =	seq.s32 s10, $0x1;
	s10 =	sld [smem:$0x3FA9];
	_ =	sdelay $0x3  }
0x37: {  	[smem:$0x3FA9] =	sst s10  }
0x38: {  	s10 =	sld [smem:$0x3FAA]  }
0x39: {  	_ = 	snop;
	(pc) =	sbr.ind lr, $3  }
0x3a: {  	_ = 	snop  }
0x3b: {  	_ = 	snop  }
0x3c: {  	p2 =	seq.s32 s10, $0x1;
	s10 =	sld [smem:$0x3FA9]  }
0x3d: {  	_ =	shalt  }
0x3e: {  	_ =	shalt  }
0x3f: {  	_ =	shalt  }
0x40: {  	_ =	shalt  }
0x41: {  	_ =	shalt  }
0x42: {  	_ =	shalt  }
0x43: {  	_ =	shalt  }
0x44: {  	_ =	shalt  }
0x45: {  	_ =	shalt  }
0x46: {  	_ =	shalt  }
0x47: {  	_ =	shalt  }
0x48: {  	_ =	shalt  }
0x49: {  	_ =	shalt  }
0x4a: {  	_ =	shalt  }
0x4b: {  	_ =	shalt  }
0x4c: {  	_ =	shalt  }
0x4d: {  	_ =	shalt  }
0x4e: {  	_ =	shalt  }
0x4f: {  	_ =	shalt  }
0x50: {  	_ =	shalt  }
0x51: {  	_ =	shalt  }
0x52: {  	_ =	shalt  }
0x53: {  	_ =	shalt  }
0x54: {  	_ =	shalt  }
0x55: {  	_ =	shalt  }
0x56: {  	_ =	shalt  }
0x57: {  	_ =	shalt  }
0x58: {  	_ =	shalt  }
0x59: {  	_ =	shalt  }
0x5a: {  	_ =	shalt  }
0x5b: {  	_ =	shalt  }
0x5c: {  	_ =	shalt  }
0x5d: {  	_ =	shalt  }
0x5e: {  	_ =	shalt  }
0x5f: {  	_ =	shalt  }
0x60: {  	_ =	shalt  }
0x61: {  	_ =	shalt  }
0x62: {  	_ =	shalt  }
0x63: {  	_ =	shalt  }
0x64: {  	_ =	shalt  }
0x65: {  	_ =	shalt  }
0x66: {  	_ =	shalt  }
0x67: {  	_ =	shalt  }
0x68: {  	_ =	shalt  }
0x69: {  	_ =	shalt  }
0x6a: {  	_ =	shalt  }
0x6b: {  	_ =	shalt  }
0x6c: {  	_ =	shalt  }
0x6d: {  	_ =	shalt  }
0x6e: {  	_ =	shalt  }
0x6f: {  	_ =	shalt  }
0x70: {  	_ =	shalt  }
0x71: {  	_ =	shalt  }
0x72: {  	_ =	shalt  }
0x73: {  	_ =	shalt  }
0x74: {  	_ =	shalt  }
0x75: {  	_ =	shalt  }
0x76: {  	_ =	shalt  }
0x77: {  	_ =	shalt  }
0x78: {  	_ =	shalt  }
0x79: {  	_ =	shalt  }
0x7a: {  	_ =	shalt  }
0x7b: {  	_ =	shalt  }
0x7c: {  	_ =	shalt  }
0x7d: {  	_ =	shalt  }
0x7e: {  	_ =	shalt  }
0x7f: {  	_ =	shalt  }
0x80: {  	_ =	shalt  }
0x81: {  	_ =	shalt  }
0x82: {  	_ =	shalt  }
0x83: {  	_ =	shalt  }
0x84: {  	_ =	shalt  }
0x85: {  	_ =	shalt  }
0x86: {  	_ =	shalt  }
0x87: {  	_ =	shalt  }
.Lfunc_end0:
.L_simem_size_0:
called_computation_lowered:
.L_overlay_start_0:
0x88: {  	s2 =	sld [smem:$0x3FD9]  }
0x89: {  	s3 =	sld [smem:$0x3FFE];
	_ =	sdelay $0x1  }
0x8a: {  	s1 =	srdreg.scid  }
0x8b: {  	s0 =	sand.u32 $0x1, s1  }
0x8c: {  	s22 =	sshll.u32 s0, $0xA;
	s2 =	sadd.s32 s3, s2  }
0x8d: {  	s2 =	sadd.s32 s2, s22  }
0x8e: {  	[smem:$0x3FB5] =	sst s2  }
0x8f: {  	_ = 	snop  }
0x90: {  	s2 =	sld [smem:$0x3FC9]  }
0x91: {  	s3 =	sld [smem:$0x3FC8]  }
0x92: {  	s4 =	sld [smem:$0x3FC7]  }
0x93: {  	s5 =	sld [smem:$0x3FC6]  }
0x94: {  	s6 =	sld [smem:$0x3FC5]  }
0x95: {  	s7 =	sld [smem:$0x3FC4]  }
0x96: {  	s8 =	sld [smem:$0x3FC3]  }
0x97: {  	s9 =	sld [smem:$0x3FC2]  }
0x98: {  	s10 =	sld [smem:$0x3FC1]  }
0x99: {  	s11 =	sld [smem:$0x3FC0]  }
0x9a: {  	s12 =	sld [smem:$0x3FBF]  }
0x9b: {  	s16 =	sld [smem:$0x3FD0]  }
0x9c: {  	s13 =	sld [smem:$0x3FBE]  }
0x9d: {  	s14 =	sld [smem:$0x3FBD]  }
0x9e: {  	s17 =	simm.s32 $0xA;
	s18 =	simm.s32 $0x10;
	s15 =	sld [smem:$0x3FBC]  }
0x9f: {  	[smem:s18], [sflag:s17] =	dma.local [hbm:s16], $0x1  }
0xa0: {  	_ =	swait.eq [sflag:s17], $0x1  }
0xa1: {  	[sflag:s17] =	ssyncset.done $0x0  }
0xa2: {  	s18 =	sld [smem:$0x10];
	[sflag:s17] =	ssyncadd.s32 $0xFFFFFFFF  }
0xa3: {  	s17 =	sld [smem:$0x12];
	(tm) =	ssettm $0x1  }
0xa4: {  	s23 =	sld [smem:$0x3FFB];
	_ =	sdelay $0x3  }
0xa5: {  	_ =	strace s23  }
0xa6: {  	s16 =	sld [smem:$0x3FFC];
	_ =	sdelay $0x3  }
0xa7: {  	_ =	strace s16  }
0xa8: {  	s16 =	sld [smem:$0x3FFD];
	_ =	sdelay $0x3  }
0xa9: {  	_ =	strace s16  }
0xaa: {  	_ =	strace $0x8FFFFFFF  }
0xab: {  	s24 =	sld [smem:$0x3FDB];
	_ =	sdelay $0x1  }
0xac: {  	s19 =	simm.s32 $_scs_section_size  }
0xad: {  	s20 =	simm.s32 $_size__tile_task_arg_handler_lowered;
	s21 =	simm.s32 $_tile_task_arg_handler_lowered  }
0xae: {  	s28 =	simm.s32 $0x1BFF;
	s26 =	sshll.u32 s21, $0x1;
	s19 =	sadd.s32 s19, s24  }
0xaf: {  	s25 =	sshll.u32 s20, $0x1;
	s22 =	simm.s32 $0x60;
	s20 =	sadd.s32 s26, s19  }
0xb0: {  	[timem:s22], [sflag:s28] =	dma.local [hbm:s20], s25  }
0xb1: {  	_ =	swait.ge [sflag:s28], s25  }
0xb2: {  	s29 =	simm.s32 $_tile_overlayer_lowered;
	s16 =	ssub.s32 $0x0, s25;
	[sflag:s28] =	ssyncset.done $0x0  }
0xb3: {  	s30 =	simm.s32 $_size__tile_overlayer_lowered;
	s20 =	sshll.u32 s29, $0x1;
	[sflag:s28] =	ssyncadd.s32 s16  }
0xb4: {  	s31 =	sshll.u32 s30, $0x1;
	s20 =	sadd.s32 s20, s19;
	s16 =	simm.s32 $0x0  }
0xb5: {  	[timem:s16], [sflag:s28] =	dma.local [hbm:s20], s31  }
0xb6: {  	_ =	swait.ge [sflag:s28], s31  }
0xb7: {  	s22 =	ssub.s32 $0x0, s31;
	[sflag:s28] =	ssyncset.done $0x0  }
0xb8: {  	[sflag:s28] =	ssyncadd.s32 s22;
	_ =	sdelay $0x1  }
0xb9: {  	s23 =	simm.s32 $0x1B8B  }
0xba: {  	_ =	swait.ge [sflag:s23], $0x1  }
0xbb: {  	[sflag:s23] =	ssyncset.done $0x0  }
0xbc: {  	s25 =	simm.s32 $0x1B8E;
	s24 =	sld [smem:$0x3FFE];
	[sflag:s23] =	ssyncadd.s32 $0xFFFFFFFF  }
0xbd: {  	s26 =	simm.s32 $execute0_lowered;
	[smem:$0x3FD2] =	sst s25  }
0xbe: {  	s21 =	sshll.u32 s26, $0x1;
	_ =	strace $0x80000046;
	[dreg:$0x1] =	wrdreg $0xFFFFFFFF  }
0xbf: {  	s19 =	sadd.s32 s19, s21;
	s28 =	simm.s32 $_size_execute0_lowered;
	[dreg:$0x0] =	wrdreg $0x0  }
0xc0: {  	s21 =	sshll.u32 s28, $0x1;
	[dreg:$0x2] =	wrdreg s19  }
0xc1: {  	[dreg:$0x3] =	wrdreg s21  }
0xc2: {  	[dreg:$0x4] =	wrdreg $0xC0  }
0xc3: {  	_ =	task [dreg:s16], $0x5FFFF  }
0xc4: {  	[dreg:$0x1] =	wrdreg $0xFFFFFFFF  }
0xc5: {  	[dreg:$0x0] =	wrdreg $0x30  }
0xc6: {  	[dreg:$0x2] =	wrdreg $0x0  }
0xc7: {  	[dreg:$0x3] =	wrdreg s24  }
0xc8: {  	[dreg:$0x4] =	wrdreg s18  }
0xc9: {  	[dreg:$0x5] =	wrdreg s17  }
0xca: {  	[dreg:$0x6] =	wrdreg $0x9  }
0xcb: {  	_ =	task [dreg:s16], $0x7FFFF  }
0xcc: {  	[dreg:$0x1] =	wrdreg $0xFFFFFFFF  }
0xcd: {  	[dreg:$0x0] =	wrdreg $0x60  }
0xce: {  	[dreg:$0x2] =	wrdreg s2  }
0xcf: {  	[dreg:$0x3] =	wrdreg s3  }
0xd0: {  	[dreg:$0x4] =	wrdreg s4  }
0xd1: {  	[dreg:$0x5] =	wrdreg s5  }
0xd2: {  	[dreg:$0x6] =	wrdreg s6  }
0xd3: {  	[dreg:$0x7] =	wrdreg s7  }
0xd4: {  	[dreg:$0x8] =	wrdreg s8  }
0xd5: {  	[dreg:$0x9] =	wrdreg s9  }
0xd6: {  	[dreg:$0xa] =	wrdreg s10  }
0xd7: {  	[dreg:$0xb] =	wrdreg s11  }
0xd8: {  	[dreg:$0xc] =	wrdreg s12  }
0xd9: {  	[dreg:$0xd] =	wrdreg s13  }
0xda: {  	[dreg:$0xe] =	wrdreg s14  }
0xdb: {  	[dreg:$0xf] =	wrdreg s15  }
0xdc: {  	_ =	task.clear_ibuf [dreg:s16], $0x10FFFF;
	_ =	strace $0x90000046  }
0xdd: {  	s29 =	simm.s32 $0x9;
	_ =	strace $0x80000048  }
0xde: {  	_ =	swait.ge [sflag:s29], $0x1  }
0xdf: {  	[sflag:s29] =	ssyncadd.s32 $0xFFFFFFFF  }
0xe0: {  	_ =	strace $0x90000048  }
0xe1: {  	_ =	sfence  }
0xe2: {  	s30 =	sld [smem:$0x0];
	_ =	sdelay $0x2  }
0xe3: {  	s31 =	sshll.u32 s1, $0xD;
	s1 =	sshrl.u32 s1, $0x2  }
0xe4: {  	s3 =	sand.u32 $0x4000, s31;
	s1 =	sadd.s32 s1, s30  }
0xe5: {  	s0 =	sor.u32 s3, s0;
	s1 =	sshll.u32 s1, $0x11  }
0xe6: {  	s0 =	sor.u32 s1, s0  }
0xe7: {  	s0 =	sadd.s32 $0x8F2B, s0  }
0xe8: {  	[sflag:s0] =	ssyncadd.remote.s32 $0x1  }
0xe9: {  	_ =	sfence.sel $0xFFFF  }
0xea: {  	[dreg:$0x0] =	wrdreg $0xFFFFFFFF;
	(pc) =	sbr.abs _section_cstart, $3  }
0xeb: {  	[dreg:$0x1] =	wrdreg $0xFFFFFFFF  }
0xec: {  	_ =	task.clear_ibuf [dreg:s16], $0x2FFFF;
	_ =	strace $0x9FFFFFFF  }
0xed: {  	(tm) =	ssettm $0x7FFFFFFF  }
tec
_tile_task_arg_handler_lowered:
.L_overlay_start_1:
0x0: {  	(tag) =	ssettag $0x1  }
0x1: {  	s0 =	rddreg [dreg:$0x0]  }
0x2: {  	s1 =	rddreg [dreg:$0x1]  }
0x3: {  	s2 =	rddreg [dreg:$0x2]  }
0x4: {  	s3 =	rddreg [dreg:$0x3]  }
0x5: {  	s4 =	rddreg [dreg:$0x4]  }
0x6: {  	s5 =	rddreg [dreg:$0x5]  }
0x7: {  	s6 =	rddreg [dreg:$0x6]  }
0x8: {  	s7 =	rddreg [dreg:$0x7]  }
0x9: {  	s8 =	rddreg [dreg:$0x8]  }
0xa: {  	s9 =	rddreg [dreg:$0x9]  }
0xb: {  	s10 =	rddreg [dreg:$0xa]  }
0xc: {  	s11 =	rddreg [dreg:$0xb]  }
0xd: {  	s12 =	rddreg [dreg:$0xc]  }
0xe: {  	s13 =	rddreg [dreg:$0xd]  }
0xf: {  	[smem:s0] =	sst s1  }
0x10: {  	[smem:s0+$0x1] =	sst s2  }
0x11: {  	[smem:s0+$0x2] =	sst s3  }
0x12: {  	[smem:s0+$0x3] =	sst s4  }
0x13: {  	[smem:s0+$0x4] =	sst s5  }
0x14: {  	[smem:s0+$0x5] =	sst s6  }
0x15: {  	[smem:s0+$0x6] =	sst s7  }
0x16: {  	[smem:s0+$0x7] =	sst s8  }
0x17: {  	[smem:s0+$0x8] =	sst s9  }
0x18: {  	[smem:s0+$0x9] =	sst s10  }
0x19: {  	[smem:s0+$0xA] =	sst s11  }
0x1a: {  	[smem:s0+$0xB] =	sst s12  }
0x1b: {  	[smem:s0+$0xC] =	sst s13;
	_ =	shalt  }
.Lfunc_end2:
execute0_lowered:
.L_overlay_start_2:
0x1c: {  	(tag) =	ssettag $0x2  }
0x1d: {  	s0 =	rddreg [dreg:$0x0]  }
0x1e: {  	s1 =	rddreg [dreg:$0x1]  }
0x1f: {  	s2 =	rddreg [dreg:$0x2]  }
0x20: {  	s8 =	rddreg [dreg:$0x3]  }
0x21: {  	s9 =	rddreg [dreg:$0x4]  }
0x22: {  	s10 =	rddreg [dreg:$0x5]  }
0x23: {  	s15 =	rddreg [dreg:$0x6]  }
0x24: {  	s16 =	rddreg [dreg:$0x7];
	s11 =	simm.s32 $0x0;
	s5 =	srdreg.scid  }
0x25: {  	s17 =	stileid.u32;
	s28 =	simm.s32 $0x1A630;
	[smem:$0x7FF] =	sst s11  }
0x26: {  	s30 =	simm.s32 $0x1AEB0;
	s31 =	simm.s32 $0x1B630;
	s3 =	sld [smem:$0x0]  }
0x27: {  	s5 =	sand.u32 $0x1, s5;
	s7 =	smul.u32 $0xC800, s17;
	s12 =	sld [smem:$0x3]  }
0x28: {  	s23 =	sshll.u32 s17, $0x1;
	s4 =	sld [smem:$0x1];
	s21 =	smul.u32 $0x6400, s5  }
0x29: {  	s24 =	sshll.u32 s17, $0x8;
	s6 =	sld [smem:$0x2];
	s13 =	ssub.s32 $0x2, s5  }
0x2a: {  	s22 =	sshrl.u32 s13, $0x1;
	s7 =	sadd.s32 s21, s7;
	[dreg:$0xe] =	wrdreg s12  }
0x2b: {  	s14 =	sadd.s32 $0x95200, s3;
	s12 =	ssub.s32 s13, s22;
	s13 =	sor.u32 s5, s23  }
0x2c: {  	s5 =	sshll.u32 s5, $0x7;
	s7 =	sshrl.u32 s7, $0x3;
	_ =	strace $0x80000047  }
0x2d: {  	[dreg:$0xf] =	wrdreg s14;
	s25 =	sshll.u32 s13, $0x4;
	s14 =	sadd.s32 $0x1C00, s3  }
0x2e: {  	s23 =	sadd.s32 $0x1503000, s3;
	s0 =	sadd.s32 s0, s25;
	[dreg:$0x15] =	wrdreg s14  }
0x2f: {  	v14 =	vlaneseq.u32;
	s5 =	sor.u32 s5, s24;
	s26 =	sadd.s32 s1, s25;
	[dreg:$0x10] =	wrdreg s0  }
0x30: {  	v1 =	vimm.s32 $0x0;
	vm0 =	vcmask $0x300;
	v0 =	vmul.u32 $0x80, v14;
	s29 =	sshrl.u32 s5, $0x3;
	s5 =	sadd.s32 s2, s25;
	[dreg:$0x11] =	wrdreg s26  }
0x31: {  	v1 =	vsel vm0, $0x3, v1;
	v14 =	vmul.u32 $0x400, v14;
	s18 =	smul.u32 $0x6400, s13;
	[dreg:$0x12] =	wrdreg s5;
	s0 =	sadd.s32 s29, s6  }
0x32: {  	v2 =	vadd.s32 $0x180, v0;
	v3 =	vadd.s32 $0x400, v0;
	v4 =	vadd.s32 $0x181, v0;
	s19 =	sadd.s32 s29, s4;
	s6 =	sadd.s32 $0x94E00, s3;
	[dreg:$0x13] =	wrdreg s0  }
0x33: {  	v5 =	vadd.s32 $0x401, v0;
	v6 =	vadd.s32 $0x182, v0;
	v7 =	vadd.s32 $0x402, v0;
	s17 =	sshrl.u32 s18, $0x3;
	s29 =	smax.u32 s12, $0x1;
	[dreg:$0x14] =	wrdreg s6  }
0x34: {  	v8 =	vadd.s32 $0x183, v0;
	v9 =	vadd.s32 $0x403, v0;
	v10 =	vadd.s32 $0x184, v0;
	s7 =	sadd.s32 s7, s3;
	s20 =	sadd.s32 s8, s17;
	[dreg:$0x1b] =	wrdreg s29  }
0x35: {  	v11 =	vadd.s32 $0x404, v0;
	v12 =	vadd.s32 $0x185, v0;
	v13 =	vadd.s32 $0x405, v0;
	s24 =	sadd.s32 $0x63800, s3;
	s21 =	sadd.s32 s9, s17;
	[dreg:$0x16] =	wrdreg s20  }
0x36: {  	v15 =	vadd.s32 $0x186, v0;
	v16 =	vadd.s32 $0x406, v0;
	v17 =	vadd.s32 $0x187, v0;
	s25 =	sshll.u32 s13, $0x7;
	s22 =	sadd.s32 s10, s17;
	[dreg:$0x17] =	wrdreg s21  }
0x37: {  	v18 =	vadd.s32 $0x407, v0;
	v19 =	vor.u32 $0x1, v14;
	v20 =	vor.u32 $0x2, v14;
	s14 =	sadd.s32 $0x400, s18;
	s26 =	sadd.s32 s15, s17;
	[dreg:$0x18] =	wrdreg s22  }
0x38: {  	v21 =	vor.u32 $0x3, v14;
	v22 =	vor.u32 $0x4, v14;
	v23 =	vor.u32 $0x5, v14;
	s1 =	sadd.s32 s16, s17;
	s0 =	sadd.s32 $0x95400, s7;
	[dreg:$0x19] =	wrdreg s26  }
0x39: {  	v24 =	vor.u32 $0x6, v14;
	v25 =	vor.u32 $0x7, v14;
	v26 =	vor.u32 $0x1, v0;
	s15 =	simm.s32 $0xA;
	s16 =	simm.s32 $0x80;
	[dreg:$0x1a] =	wrdreg s1  }
0x3a: {  	v27 =	vor.u32 $0x2, v0;
	v28 =	vor.u32 $0x3, v0;
	v29 =	vor.u32 $0x4, v0;
	s17 =	simm.s32 $0x1;
	[dreg:$0x1c] =	wrdreg s0;
	s21 =	simm.s32 $0x1230  }
0x3b: {  	v30 =	vor.u32 $0x5, v0;
	v31 =	vor.u32 $0x6, v0;
	v32 =	vor.u32 $0x7, v0;
	s22 =	simm.s32 $0x8;
	s26 =	simm.s32 $0x9;
	s1 =	simm.s32 $0x0  }
.LBB3_1:
0x3c: {  	[dreg:$0x1d] =	wrdreg s1  }
0x3d: {  	s0 =	rddreg [dreg:$0xf]  }
0x3e: {  	[tilespmem:s11], [sflag:$0xA] =	stream.linear.gather [hbm4b:s0+s11], $0xB0, $0x38;
	[tilespmem:$0x1B6B0] =	vst v63  }
0x3f: {  	_ =	swait.ge [sflag:s15], $0xB0  }
0x40: {  	[sflag:s15] =	ssyncset.done $0x0  }
0x41: {  	[sflag:s15] =	ssyncadd.s32 $0xFFFFFF50  }
0x42: {  	v33 =	vld [tilespmem:$0x0]  }
0x43: {  	v34 =	vld [tilespmem:$0x10]  }
0x44: {  	v35 =	vld [tilespmem:$0x20]  }
0x45: {  	v36 =	vld [tilespmem:$0x30]  }
0x46: {  	v37 =	vld [tilespmem:$0x40]  }
0x47: {  	v38 =	vld [tilespmem:$0x50]  }
0x48: {  	v39 =	vld [tilespmem:$0x60]  }
0x49: {  	v40 =	vld [tilespmem:$0x70]  }
0x4a: {  	v41 =	vld [tilespmem:$0x80]  }
0x4b: {  	s0 =	simm.s32 $0xB0;
	s3 =	rddreg [dreg:$0x10];
	v42 =	vld [tilespmem:$0x90]  }
0x4c: {  	v43 =	vld [tilespmem:$0xA0];
	[tilespmem:s0], [sflag:$0xA] =	stream.linear.gather [hbm4b:s3+s11], $0x80, $0x38  }
0x4d: {  	_ =	swait.ge [sflag:s15], $0x80  }
0x4e: {  	[sflag:s15] =	ssyncset.done $0x0  }
0x4f: {  	s2 =	simm.s32 $0x130;
	s4 =	rddreg [dreg:$0x11];
	[sflag:s15] =	ssyncadd.s32 $0xFFFFFF80  }
0x50: {  	[tilespmem:s2], [sflag:$0xA] =	stream.linear.gather [hbm4b:s4+s11], $0x80, $0x38;
	[tilespmem:$0x1B6B0] =	vst v63  }
0x51: {  	_ =	swait.ge [sflag:s15], $0x80  }
0x52: {  	[sflag:s15] =	ssyncset.done $0x0  }
0x53: {  	s3 =	simm.s32 $0x1B0;
	s5 =	rddreg [dreg:$0x12];
	[sflag:s15] =	ssyncadd.s32 $0xFFFFFF80  }
0x54: {  	[tilespmem:s3], [sflag:$0xA] =	stream.linear.gather [hbm4b:s5+s11], $0x80, $0x38;
	[tilespmem:$0x1B6B0] =	vst v63  }
0x55: {  	_ =	swait.ge [sflag:s15], $0x80  }
0x56: {  	[sflag:s15] =	ssyncset.done $0x0  }
0x57: {  	s4 =	simm.s32 $0x230;
	s6 =	rddreg [dreg:$0x14];
	[sflag:s15] =	ssyncadd.s32 $0xFFFFFF80  }
0x58: {  	[tilespmem:s4], [sflag:$0x1] =	stream.indirect.gather [hbm4b:s6+s16], $0x10, s2, s16, $0xb8;
	[tilespmem:$0x1B6B0] =	vst v63  }
0x59: {  	s8 =	simm.s32 $0xA30;
	s7 =	rddreg [dreg:$0x15]  }
0x5a: {  	[tilespmem:s8], [sflag:$0x1] =	stream.indirect.gather [hbm4b:s7+s16], $0x10, s3, s16, $0xb8;
	[tilespmem:$0x1B6B0] =	vst v63  }
0x5b: {  	_ =	swait.ge [sflag:s17], $0x800  }
0x5c: {  	[sflag:s17] =	ssyncset.done $0x0  }
0x5d: {  	[sflag:s17] =	ssyncadd.s32 $0xFFFFF800  }
0x5e: {  	_ =	swait.ge [sflag:s17], $0x800  }
0x5f: {  	[sflag:s17] =	ssyncset.done $0x0  }
0x60: {  	[sflag:s17] =	ssyncadd.s32 $0xFFFFF800  }
0x61: {  	v44 =	vld [tilespmem:s0+$0x0];
	_ =	sdelay $0x4  }
0x62: {  	v45 =	vshrl.u32 v44, $0x1B  }
0x63: {  	v45 =	vand.u32 $0x10, v45  }
0x64: {  	s9 =	simm.s32 $0x0;
	v44 =	vadd.s32 v44, v45  }
0x65: {  	v48 =	vmov s9;
	v46 =	vperm.xlane v41, v44  }
0x66: {  	s1 =	simm.s32 $0x1330;
	v45 =	vshrl.u32 v48, $0x3;
	v47 =	vperm.xlane v43, v44  }
0x67: {  	v44 =	vperm.xlane v42, v44;
	v45 =	vshll.u32 v45, v1;
	[tilespmem:s1+$0xFFFFFF00] =	vst v46  }
0x68: {  	v45 =	vbroadcast v45, $0x0;
	[tilespmem:s1+$0x0] =	vst v47  }
0x69: {  	s3 =	simm.s32 $0x2B0;
	[tilespmem:s1+$0xFFFFFF80] =	vst v44  }
0x6a: {  	v49 =	vor.u32 v2, v45;
	v46 =	vld [tilespmem:s3+$0xFFFFFF80];
	_ =	sdelay $0x4  }
0x6b: {  	s2 =	simm.s32 $0xAB0;
	[tilespmem:v49+s21+$0x0] =	vst.idx.msk $0xffff, v46  }
0x6c: {  	s10 =	simm.s32 $0x1;
	v50 =	vor.u32 v3, v45;
	v51 =	vld [tilespmem:s2+$0xFFFFFF80]  }
0x6d: {  	v52 =	vmov s10  }
0x6e: {  	v46 =	vshrl.u32 v52, $0x3  }
0x6f: {  	v46 =	vshll.u32 v46, v1  }
0x70: {  	v46 =	vbroadcast v46, $0x0  }
0x71: {  	[tilespmem:v50+s21+$0x0] =	vst.idx.msk $0xffff, v51  }
0x72: {  	v53 =	vadd.s32 v4, v46;
	v45 =	vld [tilespmem:s3+$0xFFFFFF90];
	_ =	sdelay $0x4  }
0x73: {  	[tilespmem:v53+s21+$0x0] =	vst.idx.msk $0xffff, v45  }
0x74: {  	s12 =	simm.s32 $0x2;
	v54 =	vadd.s32 v5, v46;
	v45 =	vld [tilespmem:s2+$0xFFFFFF90]  }
0x75: {  	v55 =	vmov s12  }
0x76: {  	v46 =	vshrl.u32 v55, $0x3  }
0x77: {  	v46 =	vshll.u32 v46, v1  }
0x78: {  	v46 =	vbroadcast v46, $0x0  }
0x79: {  	[tilespmem:v54+s21+$0x0] =	vst.idx.msk $0xffff, v45  }
0x7a: {  	v56 =	vadd.s32 v6, v46;
	v45 =	vld [tilespmem:s3+$0xFFFFFFA0];
	_ =	sdelay $0x4  }
0x7b: {  	[tilespmem:v56+s21+$0x0] =	vst.idx.msk $0xffff, v45  }
0x7c: {  	s13 =	simm.s32 $0x3;
	v57 =	vadd.s32 v7, v46;
	v45 =	vld [tilespmem:s2+$0xFFFFFFA0]  }
0x7d: {  	v58 =	vmov s13  }
0x7e: {  	v46 =	vshrl.u32 v58, $0x3  }
0x7f: {  	v46 =	vshll.u32 v46, v1  }
0x80: {  	v46 =	vbroadcast v46, $0x0  }
0x81: {  	[tilespmem:v57+s21+$0x0] =	vst.idx.msk $0xffff, v45  }
0x82: {  	v59 =	vadd.s32 v8, v46;
	v45 =	vld [tilespmem:s3+$0xFFFFFFB0];
	_ =	sdelay $0x4  }
0x83: {  	[tilespmem:v59+s21+$0x0] =	vst.idx.msk $0xffff, v45  }
0x84: {  	s20 =	simm.s32 $0x4;
	v60 =	vadd.s32 v9, v46;
	v45 =	vld [tilespmem:s2+$0xFFFFFFB0]  }
0x85: {  	v61 =	vmov s20  }
0x86: {  	v46 =	vshrl.u32 v61, $0x3  }
0x87: {  	v46 =	vshll.u32 v46, v1  }
0x88: {  	v46 =	vbroadcast v46, $0x0  }
0x89: {  	[tilespmem:v60+s21+$0x0] =	vst.idx.msk $0xffff, v45  }
0x8a: {  	v62 =	vadd.s32 v10, v46;
	v45 =	vld [tilespmem:s3+$0xFFFFFFC0];
	_ =	sdelay $0x4  }
0x8b: {  	[tilespmem:v62+s21+$0x0] =	vst.idx.msk $0xffff, v45  }
0x8c: {  	s29 =	simm.s32 $0x5;
	v63 =	vadd.s32 v11, v46;
	v45 =	vld [tilespmem:s2+$0xFFFFFFC0]  }
0x8d: {  	v48 =	vmov s29  }
0x8e: {  	v46 =	vshrl.u32 v48, $0x3  }
0x8f: {  	v46 =	vshll.u32 v46, v1  }
0x90: {  	v46 =	vbroadcast v46, $0x0  }
0x91: {  	[tilespmem:v63+s21+$0x0] =	vst.idx.msk $0xffff, v45  }
0x92: {  	v49 =	vadd.s32 v12, v46;
	v45 =	vld [tilespmem:s3+$0xFFFFFFD0];
	_ =	sdelay $0x4  }
0x93: {  	[tilespmem:v49+s21+$0x0] =	vst.idx.msk $0xffff, v45  }
0x94: {  	s5 =	simm.s32 $0x6;
	v50 =	vadd.s32 v13, v46;
	v45 =	vld [tilespmem:s2+$0xFFFFFFD0]  }
0x95: {  	v51 =	vmov s5  }
0x96: {  	v46 =	vshrl.u32 v51, $0x3  }
0x97: {  	v46 =	vshll.u32 v46, v1  }
0x98: {  	v46 =	vbroadcast v46, $0x0  }
0x99: {  	[tilespmem:v50+s21+$0x0] =	vst.idx.msk $0xffff, v45  }
0x9a: {  	v52 =	vadd.s32 v15, v46;
	v45 =	vld [tilespmem:s3+$0xFFFFFFE0];
	_ =	sdelay $0x4  }
0x9b: {  	[tilespmem:v52+s21+$0x0] =	vst.idx.msk $0xffff, v45  }
0x9c: {  	s6 =	simm.s32 $0x7;
	v53 =	vadd.s32 v16, v46;
	v45 =	vld [tilespmem:s2+$0xFFFFFFE0]  }
0x9d: {  	v54 =	vmov s6  }
0x9e: {  	v46 =	vshrl.u32 v54, $0x3  }
0x9f: {  	v46 =	vshll.u32 v46, v1  }
0xa0: {  	v46 =	vbroadcast v46, $0x0  }
0xa1: {  	[tilespmem:v53+s21+$0x0] =	vst.idx.msk $0xffff, v45  }
0xa2: {  	v55 =	vadd.s32 v17, v46;
	v45 =	vld [tilespmem:s3+$0xFFFFFFF0];
	_ =	sdelay $0x4  }
0xa3: {  	[tilespmem:v55+s21+$0x0] =	vst.idx.msk $0xffff, v45  }
0xa4: {  	s7 =	simm.s32 $0x8;
	v56 =	vadd.s32 v18, v46;
	v45 =	vld [tilespmem:s2+$0xFFFFFFF0]  }
0xa5: {  	v57 =	vmov s7  }
0xa6: {  	v46 =	vshrl.u32 v57, $0x3  }
0xa7: {  	v46 =	vshll.u32 v46, v1  }
0xa8: {  	v46 =	vbroadcast v46, $0x0  }
0xa9: {  	[tilespmem:v56+s21+$0x0] =	vst.idx.msk $0xffff, v45  }
0xaa: {  	v58 =	vadd.s32 v2, v46;
	v45 =	vld [tilespmem:s3+$0x0];
	_ =	sdelay $0x4  }
0xab: {  	[tilespmem:v58+s21+$0x0] =	vst.idx.msk $0xffff, v45  }
0xac: {  	s8 =	simm.s32 $0x9;
	v59 =	vadd.s32 v3, v46;
	v45 =	vld [tilespmem:s2+$0x0]  }
0xad: {  	v60 =	vmov s8  }
0xae: {  	v46 =	vshrl.u32 v60, $0x3  }
0xaf: {  	v46 =	vshll.u32 v46, v1  }
0xb0: {  	v46 =	vbroadcast v46, $0x0  }
0xb1: {  	[tilespmem:v59+s21+$0x0] =	vst.idx.msk $0xffff, v45  }
0xb2: {  	v61 =	vadd.s32 v4, v46;
	v45 =	vld [tilespmem:s3+$0x10];
	_ =	sdelay $0x4  }
0xb3: {  	[tilespmem:v61+s21+$0x0] =	vst.idx.msk $0xffff, v45  }
0xb4: {  	s9 =	simm.s32 $0xA;
	v62 =	vadd.s32 v5, v46;
	v45 =	vld [tilespmem:s2+$0x10]  }
0xb5: {  	v63 =	vmov s9  }
0xb6: {  	v46 =	vshrl.u32 v63, $0x3  }
0xb7: {  	v46 =	vshll.u32 v46, v1  }
0xb8: {  	v46 =	vbroadcast v46, $0x0  }
0xb9: {  	[tilespmem:v62+s21+$0x0] =	vst.idx.msk $0xffff, v45  }
0xba: {  	v48 =	vadd.s32 v6, v46;
	v45 =	vld [tilespmem:s3+$0x20];
	_ =	sdelay $0x4  }
0xbb: {  	[tilespmem:v48+s21+$0x0] =	vst.idx.msk $0xffff, v45  }
0xbc: {  	s10 =	simm.s32 $0xB;
	v49 =	vadd.s32 v7, v46;
	v45 =	vld [tilespmem:s2+$0x20]  }
0xbd: {  	v50 =	vmov s10  }
0xbe: {  	v46 =	vshrl.u32 v50, $0x3  }
0xbf: {  	v46 =	vshll.u32 v46, v1  }
0xc0: {  	v46 =	vbroadcast v46, $0x0  }
0xc1: {  	[tilespmem:v49+s21+$0x0] =	vst.idx.msk $0xffff, v45  }
0xc2: {  	v51 =	vadd.s32 v8, v46;
	v45 =	vld [tilespmem:s3+$0x30];
	_ =	sdelay $0x4  }
0xc3: {  	[tilespmem:v51+s21+$0x0] =	vst.idx.msk $0xffff, v45  }
0xc4: {  	s12 =	simm.s32 $0xC;
	v52 =	vadd.s32 v9, v46;
	v45 =	vld [tilespmem:s2+$0x30]  }
0xc5: {  	v53 =	vmov s12  }
0xc6: {  	v46 =	vshrl.u32 v53, $0x3  }
0xc7: {  	v46 =	vshll.u32 v46, v1  }
0xc8: {  	v46 =	vbroadcast v46, $0x0  }
0xc9: {  	[tilespmem:v52+s21+$0x0] =	vst.idx.msk $0xffff, v45  }
0xca: {  	v54 =	vadd.s32 v10, v46;
	v45 =	vld [tilespmem:s3+$0x40];
	_ =	sdelay $0x4  }
0xcb: {  	[tilespmem:v54+s21+$0x0] =	vst.idx.msk $0xffff, v45  }
0xcc: {  	s13 =	simm.s32 $0xD;
	v55 =	vadd.s32 v11, v46;
	v45 =	vld [tilespmem:s2+$0x40]  }
0xcd: {  	v56 =	vmov s13  }
0xce: {  	v46 =	vshrl.u32 v56, $0x3  }
0xcf: {  	v46 =	vshll.u32 v46, v1  }
0xd0: {  	v46 =	vbroadcast v46, $0x0  }
0xd1: {  	[tilespmem:v55+s21+$0x0] =	vst.idx.msk $0xffff, v45  }
0xd2: {  	v57 =	vadd.s32 v12, v46;
	v45 =	vld [tilespmem:s3+$0x50];
	_ =	sdelay $0x4  }
0xd3: {  	[tilespmem:v57+s21+$0x0] =	vst.idx.msk $0xffff, v45  }
0xd4: {  	s20 =	simm.s32 $0xE;
	v58 =	vadd.s32 v13, v46;
	v45 =	vld [tilespmem:s2+$0x50]  }
0xd5: {  	v59 =	vmov s20  }
0xd6: {  	v46 =	vshrl.u32 v59, $0x3  }
0xd7: {  	v46 =	vshll.u32 v46, v1  }
0xd8: {  	v46 =	vbroadcast v46, $0x0  }
0xd9: {  	[tilespmem:v58+s21+$0x0] =	vst.idx.msk $0xffff, v45  }
0xda: {  	v60 =	vadd.s32 v15, v46;
	v45 =	vld [tilespmem:s3+$0x60];
	_ =	sdelay $0x4  }
0xdb: {  	[tilespmem:v60+s21+$0x0] =	vst.idx.msk $0xffff, v45  }
0xdc: {  	s29 =	simm.s32 $0xF;
	v61 =	vadd.s32 v16, v46;
	v45 =	vld [tilespmem:s2+$0x60]  }
0xdd: {  	v62 =	vmov s29  }
0xde: {  	v46 =	vshrl.u32 v62, $0x3  }
0xdf: {  	v46 =	vshll.u32 v46, v1  }
0xe0: {  	v46 =	vbroadcast v46, $0x0  }
0xe1: {  	[tilespmem:v61+s21+$0x0] =	vst.idx.msk $0xffff, v45  }
0xe2: {  	v63 =	vadd.s32 v17, v46;
	v45 =	vld [tilespmem:s3+$0x70];
	_ =	sdelay $0x4  }
0xe3: {  	[tilespmem:v63+s21+$0x0] =	vst.idx.msk $0xffff, v45  }
0xe4: {  	v44 =	vadd.s32 v18, v46;
	v45 =	vld [tilespmem:s2+$0x70];
	_ =	sdelay $0x1  }
0xe5: {  	s5 =	simm.s32 $0x3B0;
	s3 =	simm.s32 $0x1F  }
.LBB3_2:
0xe6: {  	s1 =	sadd.s32 $0x10, s1;
	s0 =	sadd.s32 $0x10, s0;
	s2 =	sadd.s32 $0x100, s2  }
0xe7: {  	p0 =	sne.s32 s3, $0x7F;
	s12 =	smov.u32 s3;
	s3 =	sadd.s32 $0x10, s3  }
0xe8: {  	[tilespmem:v44+s21+$0x0] =	vst.idx.msk $0xffff, v45  }
0xe9: {  	v44 =	vld [tilespmem:s0+$0x0];
	_ =	sdelay $0x4  }
0xea: {  	v45 =	vshrl.u32 v44, $0x1B  }
0xeb: {  	s4 =	sadd.s32 $0xFFFFFFF1, s12;
	v45 =	vand.u32 $0x10, v45  }
0xec: {  	v44 =	vadd.s32 v44, v45;
	v45 =	vmov s4  }
0xed: {  	v46 =	vperm.xlane v41, v44;
	v47 =	vperm.xlane v42, v44;
	v45 =	vshrl.u32 v45, $0x3  }
0xee: {  	v44 =	vperm.xlane v43, v44;
	v45 =	vshll.u32 v45, v1  }
0xef: {  	[tilespmem:s1+$0xFFFFFF00] =	vst v46;
	v45 =	vbroadcast v45, $0x0  }
0xf0: {  	[tilespmem:s1+$0x0] =	vst v44  }
0xf1: {  	[tilespmem:s1+$0xFFFFFF80] =	vst v47;
	v44 =	vor.u32 v2, v45  }
0xf2: {  	v46 =	vld [tilespmem:s5+$0xFFFFFF80];
	_ =	sdelay $0x4  }
0xf3: {  	s4 =	sadd.s32 $0xFFFFFFF2, s12;
	[tilespmem:v44+s21+$0x0] =	vst.idx.msk $0xffff, v46;
	v44 =	vor.u32 v3, v45  }
0xf4: {  	v46 =	vmov s4;
	v45 =	vld [tilespmem:s2+$0xFFFFFF80]  }
0xf5: {  	v46 =	vshrl.u32 v46, $0x3  }
0xf6: {  	v46 =	vshll.u32 v46, v1  }
0xf7: {  	v46 =	vbroadcast v46, $0x0;
	_ =	sdelay $0x1  }
0xf8: {  	[tilespmem:v44+s21+$0x0] =	vst.idx.msk $0xffff, v45;
	v44 =	vadd.s32 v4, v46  }
0xf9: {  	v45 =	vld [tilespmem:s5+$0xFFFFFF90];
	_ =	sdelay $0x4  }
0xfa: {  	s4 =	sadd.s32 $0xFFFFFFF3, s12;
	[tilespmem:v44+s21+$0x0] =	vst.idx.msk $0xffff, v45;
	v44 =	vadd.s32 v5, v46  }
0xfb: {  	v46 =	vmov s4;
	v45 =	vld [tilespmem:s2+$0xFFFFFF90]  }
0xfc: {  	v46 =	vshrl.u32 v46, $0x3  }
0xfd: {  	v46 =	vshll.u32 v46, v1  }
0xfe: {  	v46 =	vbroadcast v46, $0x0;
	_ =	sdelay $0x1  }
0xff: {  	[tilespmem:v44+s21+$0x0] =	vst.idx.msk $0xffff, v45;
	v44 =	vadd.s32 v6, v46  }
0x100: {  	v45 =	vld [tilespmem:s5+$0xFFFFFFA0];
	_ =	sdelay $0x4  }
0x101: {  	s4 =	sadd.s32 $0xFFFFFFF4, s12;
	[tilespmem:v44+s21+$0x0] =	vst.idx.msk $0xffff, v45;
	v44 =	vadd.s32 v7, v46  }
0x102: {  	v46 =	vmov s4;
	v45 =	vld [tilespmem:s2+$0xFFFFFFA0]  }
0x103: {  	v46 =	vshrl.u32 v46, $0x3  }
0x104: {  	v46 =	vshll.u32 v46, v1  }
0x105: {  	v46 =	vbroadcast v46, $0x0;
	_ =	sdelay $0x1  }
0x106: {  	[tilespmem:v44+s21+$0x0] =	vst.idx.msk $0xffff, v45;
	v44 =	vadd.s32 v8, v46  }
0x107: {  	v45 =	vld [tilespmem:s5+$0xFFFFFFB0];
	_ =	sdelay $0x4  }
0x108: {  	s4 =	sadd.s32 $0xFFFFFFF5, s12;
	[tilespmem:v44+s21+$0x0] =	vst.idx.msk $0xffff, v45;
	v44 =	vadd.s32 v9, v46  }
0x109: {  	v46 =	vmov s4;
	v45 =	vld [tilespmem:s2+$0xFFFFFFB0]  }
0x10a: {  	v46 =	vshrl.u32 v46, $0x3  }
0x10b: {  	v46 =	vshll.u32 v46, v1  }
0x10c: {  	v46 =	vbroadcast v46, $0x0;
	_ =	sdelay $0x1  }
0x10d: {  	[tilespmem:v44+s21+$0x0] =	vst.idx.msk $0xffff, v45;
	v44 =	vadd.s32 v10, v46  }
0x10e: {  	v45 =	vld [tilespmem:s5+$0xFFFFFFC0];
	_ =	sdelay $0x4  }
0x10f: {  	s4 =	sadd.s32 $0xFFFFFFF6, s12;
	[tilespmem:v44+s21+$0x0] =	vst.idx.msk $0xffff, v45;
	v44 =	vadd.s32 v11, v46  }
0x110: {  	v46 =	vmov s4;
	v45 =	vld [tilespmem:s2+$0xFFFFFFC0]  }
0x111: {  	v46 =	vshrl.u32 v46, $0x3  }
0x112: {  	v46 =	vshll.u32 v46, v1  }
0x113: {  	v46 =	vbroadcast v46, $0x0;
	_ =	sdelay $0x1  }
0x114: {  	[tilespmem:v44+s21+$0x0] =	vst.idx.msk $0xffff, v45;
	v44 =	vadd.s32 v12, v46  }
0x115: {  	v45 =	vld [tilespmem:s5+$0xFFFFFFD0];
	_ =	sdelay $0x4  }
0x116: {  	s4 =	sadd.s32 $0xFFFFFFF7, s12;
	[tilespmem:v44+s21+$0x0] =	vst.idx.msk $0xffff, v45;
	v44 =	vadd.s32 v13, v46  }
0x117: {  	v46 =	vmov s4;
	v45 =	vld [tilespmem:s2+$0xFFFFFFD0]  }
0x118: {  	v46 =	vshrl.u32 v46, $0x3  }
0x119: {  	v46 =	vshll.u32 v46, v1  }
0x11a: {  	v46 =	vbroadcast v46, $0x0;
	_ =	sdelay $0x1  }
0x11b: {  	[tilespmem:v44+s21+$0x0] =	vst.idx.msk $0xffff, v45;
	v44 =	vadd.s32 v15, v46  }
0x11c: {  	v45 =	vld [tilespmem:s5+$0xFFFFFFE0];
	_ =	sdelay $0x4  }
0x11d: {  	s4 =	sadd.s32 $0xFFFFFFF8, s12;
	[tilespmem:v44+s21+$0x0] =	vst.idx.msk $0xffff, v45;
	v44 =	vadd.s32 v16, v46  }
0x11e: {  	v46 =	vmov s4;
	v45 =	vld [tilespmem:s2+$0xFFFFFFE0]  }
0x11f: {  	v46 =	vshrl.u32 v46, $0x3  }
0x120: {  	v46 =	vshll.u32 v46, v1  }
0x121: {  	v46 =	vbroadcast v46, $0x0;
	_ =	sdelay $0x1  }
0x122: {  	[tilespmem:v44+s21+$0x0] =	vst.idx.msk $0xffff, v45;
	v44 =	vadd.s32 v17, v46  }
0x123: {  	v45 =	vld [tilespmem:s5+$0xFFFFFFF0];
	_ =	sdelay $0x4  }
0x124: {  	s4 =	sadd.s32 $0xFFFFFFF9, s12;
	[tilespmem:v44+s21+$0x0] =	vst.idx.msk $0xffff, v45;
	v44 =	vadd.s32 v18, v46  }
0x125: {  	v46 =	vmov s4;
	v45 =	vld [tilespmem:s2+$0xFFFFFFF0]  }
0x126: {  	v46 =	vshrl.u32 v46, $0x3  }
0x127: {  	v46 =	vshll.u32 v46, v1  }
0x128: {  	v46 =	vbroadcast v46, $0x0;
	_ =	sdelay $0x1  }
0x129: {  	[tilespmem:v44+s21+$0x0] =	vst.idx.msk $0xffff, v45;
	v44 =	vadd.s32 v2, v46  }
0x12a: {  	v45 =	vld [tilespmem:s5+$0x0];
	_ =	sdelay $0x4  }
0x12b: {  	s4 =	sadd.s32 $0xFFFFFFFA, s12;
	[tilespmem:v44+s21+$0x0] =	vst.idx.msk $0xffff, v45;
	v44 =	vadd.s32 v3, v46  }
0x12c: {  	v46 =	vmov s4;
	v45 =	vld [tilespmem:s2+$0x0]  }
0x12d: {  	v46 =	vshrl.u32 v46, $0x3  }
0x12e: {  	v46 =	vshll.u32 v46, v1  }
0x12f: {  	v46 =	vbroadcast v46, $0x0;
	_ =	sdelay $0x1  }
0x130: {  	[tilespmem:v44+s21+$0x0] =	vst.idx.msk $0xffff, v45;
	v44 =	vadd.s32 v4, v46  }
0x131: {  	v45 =	vld [tilespmem:s5+$0x10];
	_ =	sdelay $0x4  }
0x132: {  	s4 =	sadd.s32 $0xFFFFFFFB, s12;
	[tilespmem:v44+s21+$0x0] =	vst.idx.msk $0xffff, v45;
	v44 =	vadd.s32 v5, v46  }
0x133: {  	v46 =	vmov s4;
	v45 =	vld [tilespmem:s2+$0x10]  }
0x134: {  	v46 =	vshrl.u32 v46, $0x3  }
0x135: {  	v46 =	vshll.u32 v46, v1  }
0x136: {  	v46 =	vbroadcast v46, $0x0;
	_ =	sdelay $0x1  }
0x137: {  	[tilespmem:v44+s21+$0x0] =	vst.idx.msk $0xffff, v45;
	v44 =	vadd.s32 v6, v46  }
0x138: {  	v45 =	vld [tilespmem:s5+$0x20];
	_ =	sdelay $0x4  }
0x139: {  	s4 =	sadd.s32 $0xFFFFFFFC, s12;
	[tilespmem:v44+s21+$0x0] =	vst.idx.msk $0xffff, v45;
	v44 =	vadd.s32 v7, v46  }
0x13a: {  	v46 =	vmov s4;
	v45 =	vld [tilespmem:s2+$0x20]  }
0x13b: {  	v46 =	vshrl.u32 v46, $0x3  }
0x13c: {  	v46 =	vshll.u32 v46, v1  }
0x13d: {  	v46 =	vbroadcast v46, $0x0;
	_ =	sdelay $0x1  }
0x13e: {  	[tilespmem:v44+s21+$0x0] =	vst.idx.msk $0xffff, v45;
	v44 =	vadd.s32 v8, v46  }
0x13f: {  	v45 =	vld [tilespmem:s5+$0x30];
	_ =	sdelay $0x4  }
0x140: {  	s4 =	sadd.s32 $0xFFFFFFFD, s12;
	[tilespmem:v44+s21+$0x0] =	vst.idx.msk $0xffff, v45;
	v44 =	vadd.s32 v9, v46  }
0x141: {  	v46 =	vmov s4;
	v45 =	vld [tilespmem:s2+$0x30]  }
0x142: {  	v46 =	vshrl.u32 v46, $0x3  }
0x143: {  	v46 =	vshll.u32 v46, v1  }
0x144: {  	v46 =	vbroadcast v46, $0x0;
	_ =	sdelay $0x1  }
0x145: {  	[tilespmem:v44+s21+$0x0] =	vst.idx.msk $0xffff, v45;
	v44 =	vadd.s32 v10, v46  }
0x146: {  	v45 =	vld [tilespmem:s5+$0x40];
	_ =	sdelay $0x4  }
0x147: {  	s4 =	sadd.s32 $0xFFFFFFFE, s12;
	[tilespmem:v44+s21+$0x0] =	vst.idx.msk $0xffff, v45;
	v44 =	vadd.s32 v11, v46  }
0x148: {  	v46 =	vmov s4;
	v45 =	vld [tilespmem:s2+$0x40]  }
0x149: {  	v46 =	vshrl.u32 v46, $0x3  }
0x14a: {  	v46 =	vshll.u32 v46, v1  }
0x14b: {  	v46 =	vbroadcast v46, $0x0;
	_ =	sdelay $0x1  }
0x14c: {  	[tilespmem:v44+s21+$0x0] =	vst.idx.msk $0xffff, v45;
	v44 =	vadd.s32 v12, v46  }
0x14d: {  	v45 =	vld [tilespmem:s5+$0x50];
	_ =	sdelay $0x4  }
0x14e: {  	s4 =	sadd.s32 $0xFFFFFFFF, s12;
	[tilespmem:v44+s21+$0x0] =	vst.idx.msk $0xffff, v45;
	v44 =	vadd.s32 v13, v46  }
0x14f: {  	v46 =	vmov s4;
	v45 =	vld [tilespmem:s2+$0x50]  }
0x150: {  	v46 =	vshrl.u32 v46, $0x3  }
0x151: {  	v46 =	vshll.u32 v46, v1  }
0x152: {  	v46 =	vbroadcast v46, $0x0;
	_ =	sdelay $0x1  }
0x153: {  	[tilespmem:v44+s21+$0x0] =	vst.idx.msk $0xffff, v45;
	v44 =	vadd.s32 v15, v46  }
0x154: {  	v45 =	vld [tilespmem:s5+$0x60];
	_ =	sdelay $0x4  }
0x155: {  	[tilespmem:v44+s21+$0x0] =	vst.idx.msk $0xffff, v45;
	v44 =	vadd.s32 v16, v46  }
0x156: {  	v46 =	vmov s12;
	v45 =	vld [tilespmem:s2+$0x60]  }
0x157: {  	v46 =	vshrl.u32 v46, $0x3  }
0x158: {  	v46 =	vshll.u32 v46, v1  }
0x159: {  	v46 =	vbroadcast v46, $0x0;
	_ =	sdelay $0x1  }
0x15a: {  	[tilespmem:v44+s21+$0x0] =	vst.idx.msk $0xffff, v45;
	v44 =	vadd.s32 v17, v46  }
0x15b: {  	v45 =	vld [tilespmem:s5+$0x70];
	_ =	sdelay $0x3  }
.Ltmp0:
0x15c: {  	(pc) =	sbr.rel @p0 .LBB3_2-.Ltmp0, $3  }
0x15d: {  	[tilespmem:v44+s21+$0x0] =	vst.idx.msk $0xffff, v45;
	v44 =	vadd.s32 v18, v46  }
0x15e: {  	v45 =	vld [tilespmem:s2+$0x70];
	_ =	sdelay $0x1  }
0x15f: {  	s5 =	sadd.s32 $0x100, s5  }
0x160: {  	_ =	sdelay $0x3  }
0x161: {  	s0 =	simm.s32 $0x200;
	s1 =	sadd.s32 $0x0, s19;
	s2 =	simm.s32 $0x1230;
	[tilespmem:v44+s21+$0x0] =	vst.idx.msk $0xffff, v45  }
.LBB3_4:
0x162: {  	[hbm4b:s1+s11] =	stream.linear.scatter [tilespmem:s2], [sflag:$0x1], $0x80, $0x38;
	[tilespmem:$0x1B6B0] =	vst v63  }
0x163: {  	s1 =	smov.u32 s0;
	p0 =	sne.s32 s0, $0x2E00  }
.Ltmp1:
0x164: {  	s0 =	sadd.s32 $0x200, s0;
	(pc) =	sbr.rel @p0 .LBB3_4-.Ltmp1, $3  }
0x165: {  	_ =	sdelay $0x1  }
0x166: {  	s2 =	sshra.s32 s1, $0x2  }
0x167: {  	s1 =	sadd.s32 s1, s19;
	s2 =	sadd.s32 $0x1230, s2  }
0x168: {  	[hbm4b:s1+s11] =	stream.linear.scatter [tilespmem:s2], [sflag:$0x1], $0x80, $0x38;
	[tilespmem:$0x1B6B0] =	vst v63  }
0x169: {  	_ =	swait.ge [sflag:s17], $0x80  }
0x16a: {  	[sflag:s17] =	ssyncset.done $0x0  }
0x16b: {  	[sflag:s17] =	ssyncadd.s32 $0xFFFFFF80  }
0x16c: {  	_ =	swait.ge [sflag:s17], $0x80  }
0x16d: {  	[sflag:s17] =	ssyncset.done $0x0  }
0x16e: {  	[sflag:s17] =	ssyncadd.s32 $0xFFFFFF80  }
0x16f: {  	_ =	swait.ge [sflag:s17], $0x80  }
0x170: {  	[sflag:s17] =	ssyncset.done $0x0  }
0x171: {  	[sflag:s17] =	ssyncadd.s32 $0xFFFFFF80  }
0x172: {  	_ =	swait.ge [sflag:s17], $0x80  }
0x173: {  	[sflag:s17] =	ssyncset.done $0x0  }
0x174: {  	[sflag:s17] =	ssyncadd.s32 $0xFFFFFF80  }
0x175: {  	_ =	swait.ge [sflag:s17], $0x80  }
0x176: {  	[sflag:s17] =	ssyncset.done $0x0  }
0x177: {  	[sflag:s17] =	ssyncadd.s32 $0xFFFFFF80  }
0x178: {  	_ =	swait.ge [sflag:s17], $0x80  }
0x179: {  	[sflag:s17] =	ssyncset.done $0x0  }
0x17a: {  	[sflag:s17] =	ssyncadd.s32 $0xFFFFFF80  }
0x17b: {  	_ =	swait.ge [sflag:s17], $0x80  }
0x17c: {  	[sflag:s17] =	ssyncset.done $0x0  }
0x17d: {  	[sflag:s17] =	ssyncadd.s32 $0xFFFFFF80  }
0x17e: {  	_ =	swait.ge [sflag:s17], $0x80  }
0x17f: {  	[sflag:s17] =	ssyncset.done $0x0  }
0x180: {  	[sflag:s17] =	ssyncadd.s32 $0xFFFFFF80  }
0x181: {  	_ =	swait.ge [sflag:s17], $0x80  }
0x182: {  	[sflag:s17] =	ssyncset.done $0x0  }
0x183: {  	[sflag:s17] =	ssyncadd.s32 $0xFFFFFF80  }
0x184: {  	_ =	swait.ge [sflag:s17], $0x80  }
0x185: {  	[sflag:s17] =	ssyncset.done $0x0  }
0x186: {  	[sflag:s17] =	ssyncadd.s32 $0xFFFFFF80  }
0x187: {  	_ =	swait.ge [sflag:s17], $0x80  }
0x188: {  	[sflag:s17] =	ssyncset.done $0x0  }
0x189: {  	[sflag:s17] =	ssyncadd.s32 $0xFFFFFF80  }
0x18a: {  	_ =	swait.ge [sflag:s17], $0x80  }
0x18b: {  	[sflag:s17] =	ssyncset.done $0x0  }
0x18c: {  	[sflag:s17] =	ssyncadd.s32 $0xFFFFFF80  }
0x18d: {  	_ =	swait.ge [sflag:s17], $0x80  }
0x18e: {  	[sflag:s17] =	ssyncset.done $0x0  }
0x18f: {  	[sflag:s17] =	ssyncadd.s32 $0xFFFFFF80  }
0x190: {  	_ =	swait.ge [sflag:s17], $0x80  }
0x191: {  	[sflag:s17] =	ssyncset.done $0x0  }
0x192: {  	[sflag:s17] =	ssyncadd.s32 $0xFFFFFF80  }
0x193: {  	_ =	swait.ge [sflag:s17], $0x80  }
0x194: {  	[sflag:s17] =	ssyncset.done $0x0  }
0x195: {  	[sflag:s17] =	ssyncadd.s32 $0xFFFFFF80  }
0x196: {  	_ =	swait.ge [sflag:s17], $0x80  }
0x197: {  	[sflag:s17] =	ssyncset.done $0x0  }
0x198: {  	[sflag:s17] =	ssyncadd.s32 $0xFFFFFF80  }
0x199: {  	_ =	swait.ge [sflag:s17], $0x80  }
0x19a: {  	[sflag:s17] =	ssyncset.done $0x0  }
0x19b: {  	[sflag:s17] =	ssyncadd.s32 $0xFFFFFF80  }
0x19c: {  	_ =	swait.ge [sflag:s17], $0x80  }
0x19d: {  	[sflag:s17] =	ssyncset.done $0x0  }
0x19e: {  	[sflag:s17] =	ssyncadd.s32 $0xFFFFFF80  }
0x19f: {  	_ =	swait.ge [sflag:s17], $0x80  }
0x1a0: {  	[sflag:s17] =	ssyncset.done $0x0  }
0x1a1: {  	[sflag:s17] =	ssyncadd.s32 $0xFFFFFF80  }
0x1a2: {  	_ =	swait.ge [sflag:s17], $0x80  }
0x1a3: {  	[sflag:s17] =	ssyncset.done $0x0  }
0x1a4: {  	[sflag:s17] =	ssyncadd.s32 $0xFFFFFF80  }
0x1a5: {  	_ =	swait.ge [sflag:s17], $0x80  }
0x1a6: {  	[sflag:s17] =	ssyncset.done $0x0  }
0x1a7: {  	[sflag:s17] =	ssyncadd.s32 $0xFFFFFF80  }
0x1a8: {  	_ =	swait.ge [sflag:s17], $0x80  }
0x1a9: {  	[sflag:s17] =	ssyncset.done $0x0  }
0x1aa: {  	[sflag:s17] =	ssyncadd.s32 $0xFFFFFF80  }
0x1ab: {  	_ =	swait.ge [sflag:s17], $0x80  }
0x1ac: {  	[sflag:s17] =	ssyncset.done $0x0  }
0x1ad: {  	[sflag:s17] =	ssyncadd.s32 $0xFFFFFF80  }
0x1ae: {  	_ =	swait.ge [sflag:s17], $0x80  }
0x1af: {  	s20 =	simm.s32 $0x0;
	[sflag:s17] =	ssyncset.done $0x0  }
0x1b0: {  	s29 =	simm.s32 $0x1E30;
	s0 =	rddreg [dreg:$0x16];
	[sflag:s17] =	ssyncadd.s32 $0xFFFFFF80  }
0x1b1: {  	[tilespmem:s29], [sflag:$0xA] =	stream.linear.gather [hbm4b:s0+s20], $0x400, $0x38;
	[tilespmem:$0x1B6B0] =	vst v63  }
0x1b2: {  	_ =	swait.ge [sflag:s15], $0x400  }
0x1b3: {  	[sflag:s15] =	ssyncset.done $0x0  }
0x1b4: {  	s4 =	simm.s32 $0x2630;
	s3 =	rddreg [dreg:$0x17];
	[sflag:s15] =	ssyncadd.s32 $0xFFFFFC00  }
0x1b5: {  	[tilespmem:s4], [sflag:$0xA] =	stream.linear.gather [hbm4b:s3+s20], $0x400, $0x38;
	[tilespmem:$0x1B6B0] =	vst v63  }
0x1b6: {  	_ =	swait.ge [sflag:s15], $0x400  }
0x1b7: {  	[sflag:s15] =	ssyncset.done $0x0  }
0x1b8: {  	s6 =	simm.s32 $0x2A30;
	s5 =	rddreg [dreg:$0x18];
	[sflag:s15] =	ssyncadd.s32 $0xFFFFFC00  }
0x1b9: {  	[tilespmem:s6], [sflag:$0xA] =	stream.linear.gather [hbm4b:s5+s20], $0x400, $0x38;
	[tilespmem:$0x1B6B0] =	vst v63  }
0x1ba: {  	_ =	swait.ge [sflag:s15], $0x400  }
0x1bb: {  	[sflag:s15] =	ssyncset.done $0x0  }
0x1bc: {  	s8 =	simm.s32 $0x2E30;
	s7 =	rddreg [dreg:$0x19];
	[sflag:s15] =	ssyncadd.s32 $0xFFFFFC00  }
0x1bd: {  	[tilespmem:s8], [sflag:$0xA] =	stream.linear.gather [hbm4b:s7+s20], $0x400, $0x38;
	[tilespmem:$0x1B6B0] =	vst v63  }
0x1be: {  	_ =	swait.ge [sflag:s15], $0x400  }
0x1bf: {  	[sflag:s15] =	ssyncset.done $0x0  }
0x1c0: {  	s10 =	simm.s32 $0x3230;
	s9 =	rddreg [dreg:$0x1a];
	[sflag:s15] =	ssyncadd.s32 $0xFFFFFC00  }
0x1c1: {  	[tilespmem:s10], [sflag:$0xA] =	stream.linear.gather [hbm4b:s9+s20], $0x400, $0x38;
	[tilespmem:$0x1B6B0] =	vst v63  }
0x1c2: {  	_ =	swait.ge [sflag:s15], $0x400  }
0x1c3: {  	[sflag:s15] =	ssyncset.done $0x0  }
0x1c4: {  	s12 =	simm.s32 $0x4630;
	[sflag:s15] =	ssyncadd.s32 $0xFFFFFC00  }
0x1c5: {  	[tilespmem:s12], [sflag:$0x4] =	stream.indirect.gather [hbm4b:s23+s16], $0x10, s29, s16, $0xb8;
	[tilespmem:$0x1B6B0] =	vst v63  }
0x1c6: {  	s13 =	simm.s32 $0x1EB0;
	s29 =	simm.s32 $0x4E30  }
0x1c7: {  	[tilespmem:s29], [sflag:$0x4] =	stream.indirect.gather [hbm4b:s23+s16], $0x10, s13, s16, $0xb8;
	[tilespmem:$0x1B6B0] =	vst v63  }
0x1c8: {  	s2 =	simm.s32 $0x1F30;
	s3 =	simm.s32 $0x5630  }
0x1c9: {  	[tilespmem:s3], [sflag:$0x4] =	stream.indirect.gather [hbm4b:s23+s16], $0x10, s2, s16, $0xb8;
	[tilespmem:$0x1B6B0] =	vst v63  }
0x1ca: {  	s4 =	simm.s32 $0x1FB0;
	s5 =	simm.s32 $0x5E30  }
0x1cb: {  	[tilespmem:s5], [sflag:$0x4] =	stream.indirect.gather [hbm4b:s23+s16], $0x10, s4, s16, $0xb8;
	[tilespmem:$0x1B6B0] =	vst v63  }
0x1cc: {  	s6 =	simm.s32 $0x2030;
	s7 =	simm.s32 $0x6630  }
0x1cd: {  	[tilespmem:s7], [sflag:$0x4] =	stream.indirect.gather [hbm4b:s23+s16], $0x10, s6, s16, $0xb8;
	[tilespmem:$0x1B6B0] =	vst v63  }
0x1ce: {  	s8 =	simm.s32 $0x20B0;
	s9 =	simm.s32 $0x6E30  }
0x1cf: {  	[tilespmem:s9], [sflag:$0x4] =	stream.indirect.gather [hbm4b:s23+s16], $0x10, s8, s16, $0xb8;
	[tilespmem:$0x1B6B0] =	vst v63  }
0x1d0: {  	p0 =	por $0x0, $0x0;
	s10 =	simm.s32 $0x2130;
	s12 =	simm.s32 $0x7630  }
0x1d1: {  	[tilespmem:s12], [sflag:$0x4] =	stream.indirect.gather [hbm4b:s23+s16], $0x10, s10, s16, $0xb8;
	[tilespmem:$0x1B6B0] =	vst v63  }
0x1d2: {  	s13 =	simm.s32 $0x21B0;
	s29 =	simm.s32 $0x7E30;
	s12 =	rddreg [dreg:$0x1c]  }
0x1d3: {  	[tilespmem:s29], [sflag:$0x4] =	stream.indirect.gather [hbm4b:s23+s16], $0x10, s13, s16, $0xb8;
	[tilespmem:$0x1B6B0] =	vst v63  }
.LBB3_6:
0x1d4: {  	p1 =	slt.u32 s20, $0x2  }
.Ltmp2:
0x1d5: {  	_ = 	snop;
	(pc) =	sbr.rel @p1 .LBB3_8-.Ltmp2, $3  }
0x1d6: {  	_ =	sdelay $0x1  }
0x1d7: {  	s6 =	sand.u32 $0x1, s20  }
0x1d8: {  	s13 =	sor.u32 $0x8, s6  }
0x1d9: {  	_ =	swait.ge [sflag:s13], $0x400  }
0x1da: {  	[sflag:s13] =	ssyncset.done $0x0  }
0x1db: {  	[sflag:s13] =	ssyncadd.s32 $0xFFFFFC00  }
0x1dc: {  	_ =	swait.ge [sflag:s13], $0x400  }
0x1dd: {  	[sflag:s13] =	ssyncset.done $0x0  }
0x1de: {  	[sflag:s13] =	ssyncadd.s32 $0xFFFFFC00  }
0x1df: {  	_ =	swait.ge [sflag:s13], $0x400  }
0x1e0: {  	[sflag:s13] =	ssyncset.done $0x0  }
0x1e1: {  	[sflag:s13] =	ssyncadd.s32 $0xFFFFFC00  }
0x1e2: {  	_ =	swait.ge [sflag:s13], $0x400  }
0x1e3: {  	[sflag:s13] =	ssyncset.done $0x0  }
0x1e4: {  	[sflag:s13] =	ssyncadd.s32 $0xFFFFFC00  }
0x1e5: {  	_ =	swait.ge [sflag:s13], $0x400  }
0x1e6: {  	[sflag:s13] =	ssyncset.done $0x0  }
0x1e7: {  	[sflag:s13] =	ssyncadd.s32 $0xFFFFFC00  }
0x1e8: {  	_ =	swait.ge [sflag:s13], $0x400  }
0x1e9: {  	[sflag:s13] =	ssyncset.done $0x0  }
0x1ea: {  	[sflag:s13] =	ssyncadd.s32 $0xFFFFFC00  }
0x1eb: {  	_ =	swait.ge [sflag:s13], $0x400  }
0x1ec: {  	[sflag:s13] =	ssyncset.done $0x0  }
0x1ed: {  	[sflag:s13] =	ssyncadd.s32 $0xFFFFFC00  }
0x1ee: {  	_ =	swait.ge [sflag:s13], $0x400  }
0x1ef: {  	[sflag:s13] =	ssyncset.done $0x0  }
0x1f0: {  	[sflag:s13] =	ssyncadd.s32 $0xFFFFFC00  }
0x1f1: {  	_ =	swait.ge [sflag:s13], $0x400  }
0x1f2: {  	[sflag:s13] =	ssyncset.done $0x0  }
0x1f3: {  	[sflag:s13] =	ssyncadd.s32 $0xFFFFFC00  }
0x1f4: {  	_ =	swait.ge [sflag:s13], $0x400  }
0x1f5: {  	[sflag:s13] =	ssyncset.done $0x0  }
0x1f6: {  	[sflag:s13] =	ssyncadd.s32 $0xFFFFFC00  }
0x1f7: {  	_ =	swait.ge [sflag:s13], $0x400  }
0x1f8: {  	[sflag:s13] =	ssyncset.done $0x0  }
0x1f9: {  	[sflag:s13] =	ssyncadd.s32 $0xFFFFFC00  }
0x1fa: {  	_ =	swait.ge [sflag:s13], $0x400  }
0x1fb: {  	[sflag:s13] =	ssyncset.done $0x0  }
0x1fc: {  	[sflag:s13] =	ssyncadd.s32 $0xFFFFFC00  }
0x1fd: {  	_ =	swait.ge [sflag:s13], $0x400  }
0x1fe: {  	[sflag:s13] =	ssyncset.done $0x0  }
0x1ff: {  	[sflag:s13] =	ssyncadd.s32 $0xFFFFFC00  }
0x200: {  	_ =	swait.ge [sflag:s13], $0x400  }
0x201: {  	[sflag:s13] =	ssyncset.done $0x0  }
0x202: {  	[sflag:s13] =	ssyncadd.s32 $0xFFFFFC00  }
0x203: {  	_ =	swait.ge [sflag:s13], $0x400  }
0x204: {  	[sflag:s13] =	ssyncset.done $0x0  }
0x205: {  	[sflag:s13] =	ssyncadd.s32 $0xFFFFFC00  }
0x206: {  	_ =	swait.ge [sflag:s13], $0x400  }
0x207: {  	[sflag:s13] =	ssyncset.done $0x0  }
0x208: {  	[sflag:s13] =	ssyncadd.s32 $0xFFFFFC00  }
0x209: {  	_ =	swait.ge [sflag:s13], $0x400  }
0x20a: {  	[sflag:s13] =	ssyncset.done $0x0  }
0x20b: {  	[sflag:s13] =	ssyncadd.s32 $0xFFFFFC00  }
0x20c: {  	_ =	swait.ge [sflag:s13], $0x400  }
0x20d: {  	[sflag:s13] =	ssyncset.done $0x0  }
0x20e: {  	[sflag:s13] =	ssyncadd.s32 $0xFFFFFC00  }
0x20f: {  	_ =	swait.ge [sflag:s13], $0x400  }
0x210: {  	[sflag:s13] =	ssyncset.done $0x0  }
0x211: {  	[sflag:s13] =	ssyncadd.s32 $0xFFFFFC00  }
0x212: {  	_ =	swait.ge [sflag:s13], $0x400  }
0x213: {  	[sflag:s13] =	ssyncset.done $0x0  }
0x214: {  	[sflag:s13] =	ssyncadd.s32 $0xFFFFFC00  }
0x215: {  	_ =	swait.ge [sflag:s13], $0x400  }
0x216: {  	[sflag:s13] =	ssyncset.done $0x0  }
0x217: {  	[sflag:s13] =	ssyncadd.s32 $0xFFFFFC00  }
0x218: {  	_ =	swait.ge [sflag:s13], $0x400  }
0x219: {  	[sflag:s13] =	ssyncset.done $0x0  }
0x21a: {  	[sflag:s13] =	ssyncadd.s32 $0xFFFFFC00  }
0x21b: {  	_ =	swait.ge [sflag:s13], $0x400  }
0x21c: {  	[sflag:s13] =	ssyncset.done $0x0  }
0x21d: {  	[sflag:s13] =	ssyncadd.s32 $0xFFFFFC00  }
0x21e: {  	_ =	swait.ge [sflag:s13], $0x400  }
0x21f: {  	[sflag:s13] =	ssyncset.done $0x0  }
0x220: {  	[sflag:s13] =	ssyncadd.s32 $0xFFFFFC00  }
0x221: {  	_ =	swait.ge [sflag:s13], $0x400  }
0x222: {  	[sflag:s13] =	ssyncset.done $0x0  }
0x223: {  	[sflag:s13] =	ssyncadd.s32 $0xFFFFFC00  }
0x224: {  	_ =	swait.ge [sflag:s13], $0x400  }
0x225: {  	[sflag:s13] =	ssyncset.done $0x0  }
0x226: {  	[sflag:s13] =	ssyncadd.s32 $0xFFFFFC00  }
0x227: {  	_ =	swait.ge [sflag:s13], $0x400  }
0x228: {  	[sflag:s13] =	ssyncset.done $0x0  }
0x229: {  	[sflag:s13] =	ssyncadd.s32 $0xFFFFFC00  }
0x22a: {  	_ =	swait.ge [sflag:s13], $0x400  }
0x22b: {  	[sflag:s13] =	ssyncset.done $0x0  }
0x22c: {  	[sflag:s13] =	ssyncadd.s32 $0xFFFFFC00  }
.LBB3_8:
0x22d: {  	s2 =	sshll.u32 s20, $0xA;
	s0 =	smul.u32 $0x1C000, s6  }
0x22e: {  	s5 =	rddreg [dreg:$0x8];
	s1 =	sadd.s32 s18, s2  }
0x22f: {  	s29 =	rddreg [dreg:$0x9];
	s4 =	sshrl.u32 s0, $0x2;
	s0 =	sshrl.u32 s1, $0x3  }
0x230: {  	s1 =	sor.u32 $0x6, s6;
	s3 =	sadd.s32 $0x12630, s4;
	s5 =	sadd.s32 s5, s0  }
0x231: {  	[tilespmem:s3], [sflag:s1] =	stream.linear.gather [hbm4b:s5+s11], $0x400, $0x38;
	[tilespmem:$0x1B6B0] =	vst v63  }
0x232: {  	s8 =	rddreg [dreg:$0xa];
	s10 =	sadd.s32 $0x12A30, s4;
	s5 =	sadd.s32 s29, s0  }
0x233: {  	[tilespmem:s10], [sflag:s1] =	stream.linear.gather [hbm4b:s5+s11], $0x400, $0x38;
	[tilespmem:$0x1B6B0] =	vst v63  }
0x234: {  	s7 =	sadd.s32 $0x12E30, s4;
	s5 =	sadd.s32 s8, s0;
	s10 =	rddreg [dreg:$0xb]  }
0x235: {  	[tilespmem:s7], [sflag:s1] =	stream.linear.gather [hbm4b:s5+s11], $0x400, $0x38;
	[tilespmem:$0x1B6B0] =	vst v63  }
0x236: {  	p1 =	seq.s32 s20, $0x18;
	s9 =	sadd.s32 $0x13230, s4;
	s0 =	sadd.s32 s10, s0  }
0x237: {  	[tilespmem:s9], [sflag:s1] =	stream.linear.gather [hbm4b:s0+s11], $0x400, $0x38;
	[tilespmem:$0x1B6B0] =	vst v63  }
0x238: {  	s2 =	sadd.s32 @!p1 s2, s14;
	s0 =	sxor.u32 $0x1, s6  }
0x239: {  	s2 =	sshrl.u32 @!p1 s2, $0x3;
	s5 =	sshll.u32 @!p1 s0, $0xC  }
0x23a: {  	s10 =	simm.s32 @!p1 $0x0;
	s9 =	rddreg [dreg:$0x3];
	s8 =	sshrl.u32 @!p1 s5, $0x2  }
0x23b: {  	s7 =	sor.u32 @!p1 $0x2, s0;
	s9 =	sadd.s32 @!p1 s9, s2;
	s8 =	sadd.s32 @!p1 $0x1E30, s8  }
0x23c: {  	[tilespmem:s8], [sflag:s7] =	stream.linear.gather @!p1 [hbm4b:s9+s10], $0x400, $0x38;
	[tilespmem:$0x1B6B0] =	vst v63  }
0x23d: {  	s9 =	rddreg [dreg:$0x4]  }
0x23e: {  	s29 =	rddreg [dreg:$0x5];
	s8 =	sor.u32 @!p1 $0x2630, s5;
	s9 =	sadd.s32 @!p1 s9, s2  }
0x23f: {  	[tilespmem:s8], [sflag:s7] =	stream.linear.gather @!p1 [hbm4b:s9+s10], $0x400, $0x38;
	[tilespmem:$0x1B6B0] =	vst v63  }
0x240: {  	s29 =	sadd.s32 @!p1 s29, s2;
	s9 =	sor.u32 @!p1 $0x2A30, s5  }
0x241: {  	[tilespmem:s9], [sflag:s7] =	stream.linear.gather @!p1 [hbm4b:s29+s10], $0x400, $0x38;
	[tilespmem:$0x1B6B0] =	vst v63  }
0x242: {  	s3 =	simm.s32 $0x1;
	s29 =	rddreg [dreg:$0x6]  }
0x243: {  	s3 =	simm.s32 @!p0 $0x0;
	s9 =	sor.u32 @!p1 $0x2E30, s5;
	s29 =	sadd.s32 @!p1 s29, s2  }
0x244: {  	[tilespmem:s9], [sflag:s7] =	stream.linear.gather @!p1 [hbm4b:s29+s10], $0x400, $0x38;
	[tilespmem:$0x1B6B0] =	vst v63  }
0x245: {  	s9 =	sshll.u32 s3, $0xC;
	s29 =	rddreg [dreg:$0x7]  }
0x246: {  	s2 =	sadd.s32 @!p1 s29, s2;
	s29 =	sor.u32 $0x2E30, s9  }
0x247: {  	v42 =	vmov s29;
	_ =	sdelay $0x1  }
0x248: {  	s5 =	sadd.s32 @!p1 $0x3230, s5  }
0x249: {  	[tilespmem:s5], [sflag:s7] =	stream.linear.gather @!p1 [hbm4b:s2+s10], $0x400, $0x38;
	[tilespmem:$0x1B6B0] =	vst v63  }
0x24a: {  	s5 =	sadd.s32 $0xC630, s4;
	s4 =	simm.s32 $0x0  }
0x24b: {  	v43 =	vld.idx.msk [tilespmem:v42+s4+$0xFFFFF800 ss:$0x1], $0xffff  }
0x24c: {  	s8 =	smul.u32 $0x1C000, s3;
	_ =	sdelay $0x1  }
0x24d: {  	s8 =	sshrl.u32 s8, $0x2  }
0x24e: {  	s2 =	sadd.s32 $0xC630, s8  }
0x24f: {  	v41 =	vmov s2;
	v44 =	vshrl.u32 v43, $0x1B  }
0x250: {  	v44 =	vand.u32 $0x10, v44  }
0x251: {  	v43 =	vadd.s32 v43, v44  }
0x252: {  	v44 =	vperm.xlane v33, v43  }
0x253: {  	v43 =	vperm.xlane v34, v43  }
0x254: {  	[tilespmem:v41+s4+$0x4000 ss:$0x1] =	vst.idx.msk $0xffff, v44  }
0x255: {  	[tilespmem:v41+s4+$0x4400 ss:$0x1] =	vst.idx.msk $0xffff, v43  }
0x256: {  	v43 =	vld.idx.msk [tilespmem:v42+s4+$0xFFFFFC00 ss:$0x1], $0xffff;
	_ =	sdelay $0x4  }
0x257: {  	v61 =	vshrl.u32 v43, $0x1B  }
0x258: {  	v44 =	vand.u32 $0x10, v61  }
0x259: {  	v43 =	vadd.s32 v43, v44  }
0x25a: {  	v44 =	vperm.xlane v35, v43  }
0x25b: {  	v43 =	vperm.xlane v36, v43  }
0x25c: {  	[tilespmem:v41+s4+$0x4800 ss:$0x1] =	vst.idx.msk $0xffff, v44  }
0x25d: {  	[tilespmem:v41+s4+$0x4C00 ss:$0x1] =	vst.idx.msk $0xffff, v43  }
0x25e: {  	v43 =	vld.idx.msk [tilespmem:v42+s4+$0x0 ss:$0x1], $0xffff;
	_ =	sdelay $0x4  }
0x25f: {  	v62 =	vshrl.u32 v43, $0x1B  }
0x260: {  	v44 =	vand.u32 $0x10, v62  }
0x261: {  	v43 =	vadd.s32 v43, v44  }
0x262: {  	v44 =	vperm.xlane v37, v43  }
0x263: {  	v43 =	vperm.xlane v38, v43  }
0x264: {  	[tilespmem:v41+s4+$0x5000 ss:$0x1] =	vst.idx.msk $0xffff, v44  }
0x265: {  	[tilespmem:v41+s4+$0x5400 ss:$0x1] =	vst.idx.msk $0xffff, v43  }
0x266: {  	v43 =	vld.idx.msk [tilespmem:v42+s4+$0x400 ss:$0x1], $0xffff;
	_ =	sdelay $0x4  }
0x267: {  	v63 =	vshrl.u32 v43, $0x1B  }
0x268: {  	v44 =	vand.u32 $0x10, v63  }
0x269: {  	s3 =	sshll.u32 s3, $0xE;
	v43 =	vadd.s32 v43, v44  }
0x26a: {  	s3 =	sadd.s32 $0x46B0, s3;
	s7 =	simm.s32 $0x40;
	v44 =	vperm.xlane v39, v43;
	v43 =	vperm.xlane v40, v43  }
.LBB3_9:
0x26b: {  	_ = 	snop  }
0x26c: {  	p2 =	seq.s32 s7, $0xFC0;
	s8 =	smov.u32 s7;
	s7 =	sadd.s32 $0x40, s7;
	[tilespmem:v41+s4+$0x5800 ss:$0x1] =	vst.idx.msk $0xffff, v44  }
0x26d: {  	[tilespmem:v41+s4+$0x5C00 ss:$0x1] =	vst.idx.msk $0xffff, v43;
	s4 =	sshra.s32 s8, $0x2  }
0x26e: {  	v43 =	vld.idx.msk [tilespmem:v42+s4+$0xFFFFF800 ss:$0x1], $0xffff;
	_ =	sdelay $0x5  }
0x26f: {  	v44 =	vshrl.u32 v43, $0x1B  }
0x270: {  	v44 =	vand.u32 $0x10, v44  }
0x271: {  	v43 =	vadd.s32 v43, v44  }
0x272: {  	v44 =	vperm.xlane v33, v43;
	v43 =	vperm.xlane v34, v43;
	_ =	sdelay $0x1  }
0x273: {  	[tilespmem:v41+s4+$0x4000 ss:$0x1] =	vst.idx.msk $0xffff, v44  }
0x274: {  	[tilespmem:v41+s4+$0x4400 ss:$0x1] =	vst.idx.msk $0xffff, v43  }
0x275: {  	v43 =	vld.idx.msk [tilespmem:v42+s4+$0xFFFFFC00 ss:$0x1], $0xffff;
	_ =	sdelay $0x5  }
0x276: {  	v44 =	vshrl.u32 v43, $0x1B  }
0x277: {  	v44 =	vand.u32 $0x10, v44  }
0x278: {  	v43 =	vadd.s32 v43, v44  }
0x279: {  	v44 =	vperm.xlane v35, v43;
	v43 =	vperm.xlane v36, v43;
	_ =	sdelay $0x1  }
0x27a: {  	[tilespmem:v41+s4+$0x4800 ss:$0x1] =	vst.idx.msk $0xffff, v44  }
0x27b: {  	[tilespmem:v41+s4+$0x4C00 ss:$0x1] =	vst.idx.msk $0xffff, v43  }
0x27c: {  	v43 =	vld.idx.msk [tilespmem:v42+s4+$0x0 ss:$0x1], $0xffff;
	_ =	sdelay $0x5  }
0x27d: {  	v44 =	vshrl.u32 v43, $0x1B  }
0x27e: {  	v44 =	vand.u32 $0x10, v44  }
0x27f: {  	v43 =	vadd.s32 v43, v44  }
0x280: {  	v44 =	vperm.xlane v37, v43;
	v43 =	vperm.xlane v38, v43;
	_ =	sdelay $0x1  }
0x281: {  	[tilespmem:v41+s4+$0x5000 ss:$0x1] =	vst.idx.msk $0xffff, v44  }
0x282: {  	[tilespmem:v41+s4+$0x5400 ss:$0x1] =	vst.idx.msk $0xffff, v43  }
0x283: {  	v43 =	vld.idx.msk [tilespmem:v42+s4+$0x400 ss:$0x1], $0xffff;
	_ =	sdelay $0x4  }
.Ltmp3:
0x284: {  	(pc) =	sbr.rel @!p2 .LBB3_9-.Ltmp3, $4  }
0x285: {  	v44 =	vshrl.u32 v43, $0x1B  }
0x286: {  	v44 =	vand.u32 $0x10, v44  }
0x287: {  	v43 =	vadd.s32 v43, v44  }
0x288: {  	v44 =	vperm.xlane v39, v43;
	v43 =	vperm.xlane v40, v43  }
0x289: {  	_ =	sdelay $0x3  }
0x28a: {  	[tilespmem:v41+s4+$0x5800 ss:$0x1] =	vst.idx.msk $0xffff, v44  }
0x28b: {  	s6 =	sor.u32 $0x4, s6;
	[tilespmem:v41+s4+$0x5C00 ss:$0x1] =	vst.idx.msk $0xffff, v43  }
0x28c: {  	_ =	swait.ge [sflag:s6], $0x800  }
0x28d: {  	[sflag:s6] =	ssyncset.done $0x0  }
0x28e: {  	[sflag:s6] =	ssyncadd.s32 $0xFFFFF800  }
0x28f: {  	_ =	swait.ge [sflag:s6], $0x800  }
0x290: {  	[sflag:s6] =	ssyncset.done $0x0  }
0x291: {  	[sflag:s6] =	ssyncadd.s32 $0xFFFFF800  }
0x292: {  	_ =	swait.ge [sflag:s6], $0x800  }
0x293: {  	[sflag:s6] =	ssyncset.done $0x0  }
0x294: {  	[sflag:s6] =	ssyncadd.s32 $0xFFFFF800  }
0x295: {  	_ =	swait.ge [sflag:s6], $0x800  }
0x296: {  	[sflag:s6] =	ssyncset.done $0x0  }
0x297: {  	[sflag:s6] =	ssyncadd.s32 $0xFFFFF800  }
0x298: {  	_ =	swait.ge [sflag:s6], $0x800  }
0x299: {  	[sflag:s6] =	ssyncset.done $0x0  }
0x29a: {  	[sflag:s6] =	ssyncadd.s32 $0xFFFFF800  }
0x29b: {  	_ =	swait.ge [sflag:s6], $0x800  }
0x29c: {  	[sflag:s6] =	ssyncset.done $0x0  }
0x29d: {  	[sflag:s6] =	ssyncadd.s32 $0xFFFFF800  }
0x29e: {  	s7 =	simm.s32 $0x0;
	_ =	swait.ge [sflag:s6], $0x800  }
0x29f: {  	v53 =	vmov s7;
	[sflag:s6] =	ssyncset.done $0x0  }
0x2a0: {  	v41 =	vshrl.u32 v53, $0x3;
	[sflag:s6] =	ssyncadd.s32 $0xFFFFF800  }
0x2a1: {  	v41 =	vshll.u32 v41, v1;
	_ =	swait.ge [sflag:s6], $0x800  }
0x2a2: {  	v41 =	vbroadcast v41, $0x0;
	[sflag:s6] =	ssyncset.done $0x0  }
0x2a3: {  	[sflag:s6] =	ssyncadd.s32 $0xFFFFF800  }
0x2a4: {  	s8 =	simm.s32 $0x1;
	v41 =	vor.u32 v14, v41;
	v42 =	vld [tilespmem:s3+$0xFFFFFF80]  }
0x2a5: {  	v54 =	vmov s8  }
0x2a6: {  	v43 =	vshrl.u32 v54, $0x3  }
0x2a7: {  	v43 =	vshll.u32 v43, v1  }
0x2a8: {  	v43 =	vbroadcast v43, $0x0  }
0x2a9: {  	[tilespmem:v41+s5+$0x0] =	vst.idx.msk $0xffff, v42  }
0x2aa: {  	s9 =	simm.s32 $0x2;
	v55 =	vadd.s32 v19, v43;
	v41 =	vld [tilespmem:s3+$0xFFFFFF90]  }
0x2ab: {  	v56 =	vmov s9  }
0x2ac: {  	v43 =	vshrl.u32 v56, $0x3  }
0x2ad: {  	v43 =	vshll.u32 v43, v1  }
0x2ae: {  	v43 =	vbroadcast v43, $0x0  }
0x2af: {  	[tilespmem:v55+s5+$0x0] =	vst.idx.msk $0xffff, v41  }
0x2b0: {  	s10 =	simm.s32 $0x3;
	v57 =	vadd.s32 v20, v43;
	v41 =	vld [tilespmem:s3+$0xFFFFFFA0]  }
0x2b1: {  	v58 =	vmov s10  }
0x2b2: {  	v43 =	vshrl.u32 v58, $0x3  }
0x2b3: {  	v43 =	vshll.u32 v43, v1  }
0x2b4: {  	v43 =	vbroadcast v43, $0x0  }
0x2b5: {  	[tilespmem:v57+s5+$0x0] =	vst.idx.msk $0xffff, v41  }
0x2b6: {  	s29 =	simm.s32 $0x4;
	v59 =	vadd.s32 v21, v43;
	v41 =	vld [tilespmem:s3+$0xFFFFFFB0]  }
0x2b7: {  	v60 =	vmov s29  }
0x2b8: {  	v43 =	vshrl.u32 v60, $0x3  }
0x2b9: {  	v43 =	vshll.u32 v43, v1  }
0x2ba: {  	v43 =	vbroadcast v43, $0x0  }
0x2bb: {  	[tilespmem:v59+s5+$0x0] =	vst.idx.msk $0xffff, v41  }
0x2bc: {  	s7 =	simm.s32 $0x5;
	v61 =	vadd.s32 v22, v43;
	v41 =	vld [tilespmem:s3+$0xFFFFFFC0]  }
0x2bd: {  	v62 =	vmov s7  }
0x2be: {  	v43 =	vshrl.u32 v62, $0x3  }
0x2bf: {  	v43 =	vshll.u32 v43, v1  }
0x2c0: {  	v43 =	vbroadcast v43, $0x0  }
0x2c1: {  	[tilespmem:v61+s5+$0x0] =	vst.idx.msk $0xffff, v41  }
0x2c2: {  	s8 =	simm.s32 $0x6;
	v63 =	vadd.s32 v23, v43;
	v41 =	vld [tilespmem:s3+$0xFFFFFFD0]  }
0x2c3: {  	v45 =	vmov s8  }
0x2c4: {  	v43 =	vshrl.u32 v45, $0x3  }
0x2c5: {  	v43 =	vshll.u32 v43, v1  }
0x2c6: {  	v43 =	vbroadcast v43, $0x0  }
0x2c7: {  	[tilespmem:v63+s5+$0x0] =	vst.idx.msk $0xffff, v41  }
0x2c8: {  	s9 =	simm.s32 $0x7;
	v46 =	vadd.s32 v24, v43;
	v41 =	vld [tilespmem:s3+$0xFFFFFFE0]  }
0x2c9: {  	v47 =	vmov s9  }
0x2ca: {  	v43 =	vshrl.u32 v47, $0x3  }
0x2cb: {  	v43 =	vshll.u32 v43, v1  }
0x2cc: {  	v43 =	vbroadcast v43, $0x0  }
0x2cd: {  	[tilespmem:v46+s5+$0x0] =	vst.idx.msk $0xffff, v41  }
0x2ce: {  	s10 =	simm.s32 $0x8;
	v48 =	vadd.s32 v25, v43;
	v41 =	vld [tilespmem:s3+$0xFFFFFFF0]  }
0x2cf: {  	v49 =	vmov s10  }
0x2d0: {  	v43 =	vshrl.u32 v49, $0x3  }
0x2d1: {  	v43 =	vshll.u32 v43, v1  }
0x2d2: {  	v43 =	vbroadcast v43, $0x0  }
0x2d3: {  	[tilespmem:v48+s5+$0x0] =	vst.idx.msk $0xffff, v41  }
0x2d4: {  	s29 =	simm.s32 $0x9;
	v50 =	vadd.s32 v14, v43;
	v41 =	vld [tilespmem:s3+$0x0]  }
0x2d5: {  	v51 =	vmov s29  }
0x2d6: {  	v43 =	vshrl.u32 v51, $0x3  }
0x2d7: {  	v43 =	vshll.u32 v43, v1  }
0x2d8: {  	v43 =	vbroadcast v43, $0x0  }
0x2d9: {  	[tilespmem:v50+s5+$0x0] =	vst.idx.msk $0xffff, v41  }
0x2da: {  	s7 =	simm.s32 $0xA;
	v52 =	vadd.s32 v19, v43;
	v41 =	vld [tilespmem:s3+$0x10]  }
0x2db: {  	v53 =	vmov s7  }
0x2dc: {  	v43 =	vshrl.u32 v53, $0x3  }
0x2dd: {  	v43 =	vshll.u32 v43, v1  }
0x2de: {  	v43 =	vbroadcast v43, $0x0  }
0x2df: {  	[tilespmem:v52+s5+$0x0] =	vst.idx.msk $0xffff, v41  }
0x2e0: {  	s8 =	simm.s32 $0xB;
	v54 =	vadd.s32 v20, v43;
	v41 =	vld [tilespmem:s3+$0x20]  }
0x2e1: {  	v55 =	vmov s8  }
0x2e2: {  	v43 =	vshrl.u32 v55, $0x3  }
0x2e3: {  	v43 =	vshll.u32 v43, v1  }
0x2e4: {  	v43 =	vbroadcast v43, $0x0  }
0x2e5: {  	[tilespmem:v54+s5+$0x0] =	vst.idx.msk $0xffff, v41  }
0x2e6: {  	s9 =	simm.s32 $0xC;
	v56 =	vadd.s32 v21, v43;
	v41 =	vld [tilespmem:s3+$0x30]  }
0x2e7: {  	v57 =	vmov s9  }
0x2e8: {  	v43 =	vshrl.u32 v57, $0x3  }
0x2e9: {  	v43 =	vshll.u32 v43, v1  }
0x2ea: {  	v43 =	vbroadcast v43, $0x0  }
0x2eb: {  	[tilespmem:v56+s5+$0x0] =	vst.idx.msk $0xffff, v41  }
0x2ec: {  	s10 =	simm.s32 $0xD;
	v58 =	vadd.s32 v22, v43;
	v41 =	vld [tilespmem:s3+$0x40]  }
0x2ed: {  	v59 =	vmov s10  }
0x2ee: {  	v43 =	vshrl.u32 v59, $0x3  }
0x2ef: {  	v43 =	vshll.u32 v43, v1  }
0x2f0: {  	v43 =	vbroadcast v43, $0x0  }
0x2f1: {  	[tilespmem:v58+s5+$0x0] =	vst.idx.msk $0xffff, v41  }
0x2f2: {  	s29 =	simm.s32 $0xE;
	v60 =	vadd.s32 v23, v43;
	v41 =	vld [tilespmem:s3+$0x50]  }
0x2f3: {  	v61 =	vmov s29  }
0x2f4: {  	v43 =	vshrl.u32 v61, $0x3  }
0x2f5: {  	v43 =	vshll.u32 v43, v1  }
0x2f6: {  	v43 =	vbroadcast v43, $0x0  }
0x2f7: {  	[tilespmem:v60+s5+$0x0] =	vst.idx.msk $0xffff, v41  }
0x2f8: {  	s4 =	simm.s32 $0xF;
	v62 =	vadd.s32 v24, v43;
	v41 =	vld [tilespmem:s3+$0x60]  }
0x2f9: {  	v63 =	vmov s4  }
0x2fa: {  	v43 =	vshrl.u32 v63, $0x3  }
0x2fb: {  	v43 =	vshll.u32 v43, v1  }
0x2fc: {  	v43 =	vbroadcast v43, $0x0  }
0x2fd: {  	[tilespmem:v62+s5+$0x0] =	vst.idx.msk $0xffff, v41  }
0x2fe: {  	s7 =	simm.s32 $0x10;
	s6 =	simm.s32 $0x1F;
	s4 =	simm.s32 $0x2F;
	v42 =	vadd.s32 v25, v43;
	v41 =	vld [tilespmem:s3+$0x70]  }
.LBB3_11:
0x2ff: {  	p2 =	sne.s32 s4, $0x3FF;
	v43 =	vmov s7  }
0x300: {  	v43 =	vshrl.u32 v43, $0x3  }
0x301: {  	v43 =	vshll.u32 v43, v1  }
0x302: {  	v43 =	vbroadcast v43, $0x0  }
0x303: {  	s3 =	sadd.s32 $0x100, s3;
	[tilespmem:v42+s5+$0x0] =	vst.idx.msk $0xffff, v41  }
0x304: {  	s7 =	sadd.s32 $0xFFFFFFF2, s6;
	v41 =	vld [tilespmem:s3+$0xFFFFFF80];
	v42 =	vor.u32 v14, v43  }
0x305: {  	v43 =	vmov s7  }
0x306: {  	v43 =	vshrl.u32 v43, $0x3  }
0x307: {  	v43 =	vshll.u32 v43, v1  }
0x308: {  	v43 =	vbroadcast v43, $0x0  }
0x309: {  	[tilespmem:v42+s5+$0x0] =	vst.idx.msk $0xffff, v41  }
0x30a: {  	s7 =	sadd.s32 $0xFFFFFFF3, s6;
	v42 =	vadd.s32 v19, v43;
	v41 =	vld [tilespmem:s3+$0xFFFFFF90]  }
0x30b: {  	v43 =	vmov s7  }
0x30c: {  	v43 =	vshrl.u32 v43, $0x3  }
0x30d: {  	v43 =	vshll.u32 v43, v1  }
0x30e: {  	v43 =	vbroadcast v43, $0x0  }
0x30f: {  	[tilespmem:v42+s5+$0x0] =	vst.idx.msk $0xffff, v41  }
0x310: {  	s7 =	sadd.s32 $0xFFFFFFF4, s6;
	v42 =	vadd.s32 v20, v43;
	v41 =	vld [tilespmem:s3+$0xFFFFFFA0]  }
0x311: {  	v43 =	vmov s7  }
0x312: {  	v43 =	vshrl.u32 v43, $0x3  }
0x313: {  	v43 =	vshll.u32 v43, v1  }
0x314: {  	v43 =	vbroadcast v43, $0x0  }
0x315: {  	[tilespmem:v42+s5+$0x0] =	vst.idx.msk $0xffff, v41  }
0x316: {  	s7 =	sadd.s32 $0xFFFFFFF5, s6;
	v42 =	vadd.s32 v21, v43;
	v41 =	vld [tilespmem:s3+$0xFFFFFFB0]  }
0x317: {  	v43 =	vmov s7  }
0x318: {  	v43 =	vshrl.u32 v43, $0x3  }
0x319: {  	v43 =	vshll.u32 v43, v1  }
0x31a: {  	v43 =	vbroadcast v43, $0x0  }
0x31b: {  	[tilespmem:v42+s5+$0x0] =	vst.idx.msk $0xffff, v41  }
0x31c: {  	s7 =	sadd.s32 $0xFFFFFFF6, s6;
	v42 =	vadd.s32 v22, v43;
	v41 =	vld [tilespmem:s3+$0xFFFFFFC0]  }
0x31d: {  	v43 =	vmov s7  }
0x31e: {  	v43 =	vshrl.u32 v43, $0x3  }
0x31f: {  	v43 =	vshll.u32 v43, v1  }
0x320: {  	v43 =	vbroadcast v43, $0x0  }
0x321: {  	[tilespmem:v42+s5+$0x0] =	vst.idx.msk $0xffff, v41  }
0x322: {  	s7 =	sadd.s32 $0xFFFFFFF7, s6;
	v42 =	vadd.s32 v23, v43;
	v41 =	vld [tilespmem:s3+$0xFFFFFFD0]  }
0x323: {  	v43 =	vmov s7  }
0x324: {  	v43 =	vshrl.u32 v43, $0x3  }
0x325: {  	v43 =	vshll.u32 v43, v1  }
0x326: {  	v43 =	vbroadcast v43, $0x0  }
0x327: {  	[tilespmem:v42+s5+$0x0] =	vst.idx.msk $0xffff, v41  }
0x328: {  	s7 =	sadd.s32 $0xFFFFFFF8, s6;
	v42 =	vadd.s32 v24, v43;
	v41 =	vld [tilespmem:s3+$0xFFFFFFE0]  }
0x329: {  	v43 =	vmov s7  }
0x32a: {  	v43 =	vshrl.u32 v43, $0x3  }
0x32b: {  	v43 =	vshll.u32 v43, v1  }
0x32c: {  	v43 =	vbroadcast v43, $0x0  }
0x32d: {  	[tilespmem:v42+s5+$0x0] =	vst.idx.msk $0xffff, v41  }
0x32e: {  	s7 =	sadd.s32 $0xFFFFFFF9, s6;
	v42 =	vadd.s32 v25, v43;
	v41 =	vld [tilespmem:s3+$0xFFFFFFF0]  }
0x32f: {  	v43 =	vmov s7  }
0x330: {  	v43 =	vshrl.u32 v43, $0x3  }
0x331: {  	v43 =	vshll.u32 v43, v1  }
0x332: {  	v43 =	vbroadcast v43, $0x0  }
0x333: {  	[tilespmem:v42+s5+$0x0] =	vst.idx.msk $0xffff, v41  }
0x334: {  	s7 =	sadd.s32 $0xFFFFFFFA, s6;
	v42 =	vadd.s32 v14, v43;
	v41 =	vld [tilespmem:s3+$0x0]  }
0x335: {  	v43 =	vmov s7  }
0x336: {  	v43 =	vshrl.u32 v43, $0x3  }
0x337: {  	v43 =	vshll.u32 v43, v1  }
0x338: {  	v43 =	vbroadcast v43, $0x0  }
0x339: {  	[tilespmem:v42+s5+$0x0] =	vst.idx.msk $0xffff, v41  }
0x33a: {  	s7 =	sadd.s32 $0xFFFFFFFB, s6;
	v42 =	vadd.s32 v19, v43;
	v41 =	vld [tilespmem:s3+$0x10]  }
0x33b: {  	v43 =	vmov s7  }
0x33c: {  	v43 =	vshrl.u32 v43, $0x3  }
0x33d: {  	v43 =	vshll.u32 v43, v1  }
0x33e: {  	v43 =	vbroadcast v43, $0x0  }
0x33f: {  	[tilespmem:v42+s5+$0x0] =	vst.idx.msk $0xffff, v41  }
0x340: {  	s7 =	sadd.s32 $0xFFFFFFFC, s6;
	v42 =	vadd.s32 v20, v43;
	v41 =	vld [tilespmem:s3+$0x20]  }
0x341: {  	v43 =	vmov s7  }
0x342: {  	v43 =	vshrl.u32 v43, $0x3  }
0x343: {  	v43 =	vshll.u32 v43, v1  }
0x344: {  	v43 =	vbroadcast v43, $0x0  }
0x345: {  	[tilespmem:v42+s5+$0x0] =	vst.idx.msk $0xffff, v41  }
0x346: {  	s7 =	sadd.s32 $0xFFFFFFFD, s6;
	v42 =	vadd.s32 v21, v43;
	v41 =	vld [tilespmem:s3+$0x30]  }
0x347: {  	v43 =	vmov s7  }
0x348: {  	v43 =	vshrl.u32 v43, $0x3  }
0x349: {  	v43 =	vshll.u32 v43, v1  }
0x34a: {  	v43 =	vbroadcast v43, $0x0  }
0x34b: {  	[tilespmem:v42+s5+$0x0] =	vst.idx.msk $0xffff, v41  }
0x34c: {  	s7 =	sadd.s32 $0xFFFFFFFE, s6;
	v42 =	vadd.s32 v22, v43;
	v41 =	vld [tilespmem:s3+$0x40]  }
0x34d: {  	v43 =	vmov s7  }
0x34e: {  	v43 =	vshrl.u32 v43, $0x3  }
0x34f: {  	v43 =	vshll.u32 v43, v1  }
0x350: {  	v43 =	vbroadcast v43, $0x0  }
0x351: {  	[tilespmem:v42+s5+$0x0] =	vst.idx.msk $0xffff, v41  }
0x352: {  	s7 =	sadd.s32 $0xFFFFFFFF, s6;
	v42 =	vadd.s32 v23, v43;
	v41 =	vld [tilespmem:s3+$0x50]  }
0x353: {  	v43 =	vmov s7  }
0x354: {  	v43 =	vshrl.u32 v43, $0x3  }
0x355: {  	v43 =	vshll.u32 v43, v1  }
0x356: {  	v43 =	vbroadcast v43, $0x0  }
0x357: {  	[tilespmem:v42+s5+$0x0] =	vst.idx.msk $0xffff, v41  }
0x358: {  	v42 =	vadd.s32 v24, v43;
	v41 =	vld [tilespmem:s3+$0x60]  }
0x359: {  	v43 =	vmov s6;
	s6 =	smov.u32 s4  }
.Ltmp4:
0x35a: {  	v43 =	vshrl.u32 v43, $0x3;
	(pc) =	sbr.rel @p2 .LBB3_11-.Ltmp4, $4  }
0x35b: {  	v43 =	vshll.u32 v43, v1  }
0x35c: {  	v43 =	vbroadcast v43, $0x0  }
0x35d: {  	[tilespmem:v42+s5+$0x0] =	vst.idx.msk $0xffff, v41  }
0x35e: {  	s4 =	sadd.s32 $0x10, s4;
	s7 =	sadd.s32 $0xFFFFFFF1, s6;
	v42 =	vadd.s32 v25, v43;
	v41 =	vld [tilespmem:s3+$0x70]  }
0x35f: {  	v43 =	vmov s7  }
0x360: {  	v43 =	vshrl.u32 v43, $0x3  }
0x361: {  	v43 =	vshll.u32 v43, v1  }
0x362: {  	v43 =	vbroadcast v43, $0x0  }
0x363: {  	s3 =	sadd.s32 $0x100, s3;
	[tilespmem:v42+s5+$0x0] =	vst.idx.msk $0xffff, v41  }
0x364: {  	s4 =	sadd.s32 $0xFFFFFFF2, s6;
	v41 =	vld [tilespmem:s3+$0xFFFFFF80];
	v52 =	vor.u32 v14, v43  }
0x365: {  	v53 =	vmov s4  }
0x366: {  	v43 =	vshrl.u32 v53, $0x3  }
0x367: {  	v43 =	vshll.u32 v43, v1  }
0x368: {  	v43 =	vbroadcast v43, $0x0  }
0x369: {  	[tilespmem:v52+s5+$0x0] =	vst.idx.msk $0xffff, v41  }
0x36a: {  	s8 =	sadd.s32 $0xFFFFFFF3, s6;
	v54 =	vadd.s32 v19, v43;
	v41 =	vld [tilespmem:s3+$0xFFFFFF90]  }
0x36b: {  	v55 =	vmov s8  }
0x36c: {  	v43 =	vshrl.u32 v55, $0x3  }
0x36d: {  	v43 =	vshll.u32 v43, v1  }
0x36e: {  	v43 =	vbroadcast v43, $0x0  }
0x36f: {  	[tilespmem:v54+s5+$0x0] =	vst.idx.msk $0xffff, v41  }
0x370: {  	s9 =	sadd.s32 $0xFFFFFFF4, s6;
	v56 =	vadd.s32 v20, v43;
	v41 =	vld [tilespmem:s3+$0xFFFFFFA0]  }
0x371: {  	v57 =	vmov s9  }
0x372: {  	v43 =	vshrl.u32 v57, $0x3  }
0x373: {  	v43 =	vshll.u32 v43, v1  }
0x374: {  	v43 =	vbroadcast v43, $0x0  }
0x375: {  	[tilespmem:v56+s5+$0x0] =	vst.idx.msk $0xffff, v41  }
0x376: {  	s10 =	sadd.s32 $0xFFFFFFF5, s6;
	v58 =	vadd.s32 v21, v43;
	v41 =	vld [tilespmem:s3+$0xFFFFFFB0]  }
0x377: {  	v59 =	vmov s10  }
0x378: {  	v43 =	vshrl.u32 v59, $0x3  }
0x379: {  	v43 =	vshll.u32 v43, v1  }
0x37a: {  	v43 =	vbroadcast v43, $0x0  }
0x37b: {  	[tilespmem:v58+s5+$0x0] =	vst.idx.msk $0xffff, v41  }
0x37c: {  	s29 =	sadd.s32 $0xFFFFFFF6, s6;
	v60 =	vadd.s32 v22, v43;
	v41 =	vld [tilespmem:s3+$0xFFFFFFC0]  }
0x37d: {  	v61 =	vmov s29  }
0x37e: {  	v43 =	vshrl.u32 v61, $0x3  }
0x37f: {  	v43 =	vshll.u32 v43, v1  }
0x380: {  	v43 =	vbroadcast v43, $0x0  }
0x381: {  	[tilespmem:v60+s5+$0x0] =	vst.idx.msk $0xffff, v41  }
0x382: {  	s7 =	sadd.s32 $0xFFFFFFF7, s6;
	v62 =	vadd.s32 v23, v43;
	v41 =	vld [tilespmem:s3+$0xFFFFFFD0]  }
0x383: {  	v63 =	vmov s7  }
0x384: {  	v43 =	vshrl.u32 v63, $0x3  }
0x385: {  	v43 =	vshll.u32 v43, v1  }
0x386: {  	v43 =	vbroadcast v43, $0x0  }
0x387: {  	[tilespmem:v62+s5+$0x0] =	vst.idx.msk $0xffff, v41  }
0x388: {  	s8 =	sadd.s32 $0xFFFFFFF8, s6;
	v45 =	vadd.s32 v24, v43;
	v41 =	vld [tilespmem:s3+$0xFFFFFFE0]  }
0x389: {  	v46 =	vmov s8  }
0x38a: {  	v43 =	vshrl.u32 v46, $0x3  }
0x38b: {  	v43 =	vshll.u32 v43, v1  }
0x38c: {  	v43 =	vbroadcast v43, $0x0  }
0x38d: {  	[tilespmem:v45+s5+$0x0] =	vst.idx.msk $0xffff, v41  }
0x38e: {  	s9 =	sadd.s32 $0xFFFFFFF9, s6;
	v47 =	vadd.s32 v25, v43;
	v41 =	vld [tilespmem:s3+$0xFFFFFFF0]  }
0x38f: {  	v48 =	vmov s9  }
0x390: {  	v43 =	vshrl.u32 v48, $0x3  }
0x391: {  	v43 =	vshll.u32 v43, v1  }
0x392: {  	v43 =	vbroadcast v43, $0x0  }
0x393: {  	[tilespmem:v47+s5+$0x0] =	vst.idx.msk $0xffff, v41  }
0x394: {  	s10 =	sadd.s32 $0xFFFFFFFA, s6;
	v49 =	vadd.s32 v14, v43;
	v41 =	vld [tilespmem:s3+$0x0]  }
0x395: {  	v50 =	vmov s10  }
0x396: {  	v43 =	vshrl.u32 v50, $0x3  }
0x397: {  	v43 =	vshll.u32 v43, v1  }
0x398: {  	v43 =	vbroadcast v43, $0x0  }
0x399: {  	[tilespmem:v49+s5+$0x0] =	vst.idx.msk $0xffff, v41  }
0x39a: {  	s29 =	sadd.s32 $0xFFFFFFFB, s6;
	v51 =	vadd.s32 v19, v43;
	v41 =	vld [tilespmem:s3+$0x10]  }
0x39b: {  	v52 =	vmov s29  }
0x39c: {  	v43 =	vshrl.u32 v52, $0x3  }
0x39d: {  	v43 =	vshll.u32 v43, v1  }
0x39e: {  	v43 =	vbroadcast v43, $0x0  }
0x39f: {  	[tilespmem:v51+s5+$0x0] =	vst.idx.msk $0xffff, v41  }
0x3a0: {  	s7 =	sadd.s32 $0xFFFFFFFC, s6;
	v53 =	vadd.s32 v20, v43;
	v41 =	vld [tilespmem:s3+$0x20]  }
0x3a1: {  	v54 =	vmov s7  }
0x3a2: {  	v43 =	vshrl.u32 v54, $0x3  }
0x3a3: {  	v43 =	vshll.u32 v43, v1  }
0x3a4: {  	v43 =	vbroadcast v43, $0x0  }
0x3a5: {  	[tilespmem:v53+s5+$0x0] =	vst.idx.msk $0xffff, v41  }
0x3a6: {  	s8 =	sadd.s32 $0xFFFFFFFD, s6;
	v55 =	vadd.s32 v21, v43;
	v41 =	vld [tilespmem:s3+$0x30]  }
0x3a7: {  	v56 =	vmov s8  }
0x3a8: {  	v43 =	vshrl.u32 v56, $0x3  }
0x3a9: {  	v43 =	vshll.u32 v43, v1  }
0x3aa: {  	v43 =	vbroadcast v43, $0x0  }
0x3ab: {  	[tilespmem:v55+s5+$0x0] =	vst.idx.msk $0xffff, v41  }
0x3ac: {  	s9 =	sadd.s32 $0xFFFFFFFE, s6;
	v57 =	vadd.s32 v22, v43;
	v41 =	vld [tilespmem:s3+$0x40]  }
0x3ad: {  	v58 =	vmov s9  }
0x3ae: {  	v43 =	vshrl.u32 v58, $0x3  }
0x3af: {  	v43 =	vshll.u32 v43, v1  }
0x3b0: {  	v43 =	vbroadcast v43, $0x0  }
0x3b1: {  	[tilespmem:v57+s5+$0x0] =	vst.idx.msk $0xffff, v41  }
0x3b2: {  	s10 =	sadd.s32 $0xFFFFFFFF, s6;
	v59 =	vadd.s32 v23, v43;
	v41 =	vld [tilespmem:s3+$0x50]  }
0x3b3: {  	v60 =	vmov s10  }
0x3b4: {  	v43 =	vshrl.u32 v60, $0x3  }
0x3b5: {  	v43 =	vshll.u32 v43, v1  }
0x3b6: {  	v43 =	vbroadcast v43, $0x0  }
0x3b7: {  	[tilespmem:v59+s5+$0x0] =	vst.idx.msk $0xffff, v41  }
0x3b8: {  	v61 =	vadd.s32 v24, v43;
	v41 =	vld [tilespmem:s3+$0x60]  }
0x3b9: {  	v62 =	vmov s6  }
0x3ba: {  	v43 =	vshrl.u32 v62, $0x3  }
0x3bb: {  	v43 =	vshll.u32 v43, v1  }
0x3bc: {  	v43 =	vbroadcast v43, $0x0  }
0x3bd: {  	[tilespmem:v61+s5+$0x0] =	vst.idx.msk $0xffff, v41  }
0x3be: {  	v63 =	vadd.s32 v25, v43;
	v41 =	vld [tilespmem:s3+$0x70];
	_ =	sdelay $0x4  }
0x3bf: {  	[tilespmem:v63+s5+$0x0] =	vst.idx.msk $0xffff, v41  }
0x3c0: {  	_ =	swait.ge [sflag:s1], $0x400  }
0x3c1: {  	[sflag:s1] =	ssyncset.done $0x0  }
0x3c2: {  	[sflag:s1] =	ssyncadd.s32 $0xFFFFFC00  }
0x3c3: {  	_ =	swait.ge [sflag:s1], $0x400  }
0x3c4: {  	[sflag:s1] =	ssyncset.done $0x0  }
0x3c5: {  	[sflag:s1] =	ssyncadd.s32 $0xFFFFFC00  }
0x3c6: {  	_ =	swait.ge [sflag:s1], $0x400  }
0x3c7: {  	[sflag:s1] =	ssyncset.done $0x0  }
0x3c8: {  	[sflag:s1] =	ssyncadd.s32 $0xFFFFFC00  }
0x3c9: {  	_ =	swait.ge [sflag:s1], $0x400  }
0x3ca: {  	s29 =	sadd.s32 $0x0, s2;
	[sflag:s1] =	ssyncset.done $0x0  }
0x3cb: {  	s3 =	smov.u32 s12;
	[sflag:s1] =	ssyncadd.s32 $0xFFFFFC00;
	s1 =	simm.s32 $0x1000  }
0x3cc: {  	[hbm4b:s12+s11] =	stream.linear.scatter [tilespmem:s29], [sflag:s13], $0x400, $0x38;
	[tilespmem:$0x1B6B0] =	vst v63  }
.LBB3_13:
0x3cd: {  	p2 =	sne.s32 s1, $0x1B000  }
.Ltmp5:
0x3ce: {  	_ = 	snop;
	(pc) =	sbr.rel @p2 .LBB3_13-.Ltmp5, $4  }
0x3cf: {  	_ = 	snop  }
0x3d0: {  	s4 =	sshra.s32 s1, $0x2;
	s1 =	sadd.s32 $0x1000, s1  }
0x3d1: {  	s3 =	sadd.s32 $0x19000, s3;
	s4 =	sadd.s32 s4, s2  }
0x3d2: {  	[hbm4b:s3+s11] =	stream.linear.scatter [tilespmem:s4], [sflag:s13], $0x400, $0x38;
	[tilespmem:$0x1B6B0] =	vst v63  }
.Ltmp6:
0x3d3: {  	(pc) =	sbr.rel @p1 .LBB3_16-.Ltmp6, $1  }
0x3d4: {  	_ =	sdelay $0x3  }
0x3d5: {  	s1 =	sor.u32 $0x2, s0  }
0x3d6: {  	_ =	swait.ge [sflag:s1], $0x400  }
0x3d7: {  	[sflag:s1] =	ssyncset.done $0x0  }
0x3d8: {  	[sflag:s1] =	ssyncadd.s32 $0xFFFFFC00  }
0x3d9: {  	_ =	swait.ge [sflag:s1], $0x400  }
0x3da: {  	[sflag:s1] =	ssyncset.done $0x0  }
0x3db: {  	[sflag:s1] =	ssyncadd.s32 $0xFFFFFC00  }
0x3dc: {  	_ =	swait.ge [sflag:s1], $0x400  }
0x3dd: {  	[sflag:s1] =	ssyncset.done $0x0  }
0x3de: {  	[sflag:s1] =	ssyncadd.s32 $0xFFFFFC00  }
0x3df: {  	_ =	swait.ge [sflag:s1], $0x400  }
0x3e0: {  	[sflag:s1] =	ssyncset.done $0x0  }
0x3e1: {  	[sflag:s1] =	ssyncadd.s32 $0xFFFFFC00  }
0x3e2: {  	_ =	swait.ge [sflag:s1], $0x400  }
0x3e3: {  	[sflag:s1] =	ssyncset.done $0x0  }
0x3e4: {  	s2 =	sshll.u32 s0, $0xA;
	[sflag:s1] =	ssyncadd.s32 $0xFFFFFC00;
	s1 =	sshll.u32 s0, $0xE  }
0x3e5: {  	s4 =	sadd.s32 $0x1E30, s2;
	s0 =	sor.u32 $0x4, s0;
	s3 =	sadd.s32 $0x4630, s1  }
0x3e6: {  	[tilespmem:s3], [sflag:s0] =	stream.indirect.gather [hbm4b:s23+s16], $0x10, s4, s16, $0xb8;
	[tilespmem:$0x1B6B0] =	vst v63  }
0x3e7: {  	s10 =	sadd.s32 $0x1EB0, s2;
	s9 =	sadd.s32 $0x4E30, s1  }
0x3e8: {  	[tilespmem:s9], [sflag:s0] =	stream.indirect.gather [hbm4b:s23+s16], $0x10, s10, s16, $0xb8;
	[tilespmem:$0x1B6B0] =	vst v63  }
0x3e9: {  	s29 =	sadd.s32 $0x1F30, s2;
	s13 =	sadd.s32 $0x5630, s1  }
0x3ea: {  	[tilespmem:s13], [sflag:s0] =	stream.indirect.gather [hbm4b:s23+s16], $0x10, s29, s16, $0xb8;
	[tilespmem:$0x1B6B0] =	vst v63  }
0x3eb: {  	s6 =	sadd.s32 $0x1FB0, s2;
	s5 =	sadd.s32 $0x5E30, s1  }
0x3ec: {  	[tilespmem:s5], [sflag:s0] =	stream.indirect.gather [hbm4b:s23+s16], $0x10, s6, s16, $0xb8;
	[tilespmem:$0x1B6B0] =	vst v63  }
0x3ed: {  	s8 =	sor.u32 $0x2030, s2;
	s7 =	sadd.s32 $0x6630, s1  }
0x3ee: {  	[tilespmem:s7], [sflag:s0] =	stream.indirect.gather [hbm4b:s23+s16], $0x10, s8, s16, $0xb8;
	[tilespmem:$0x1B6B0] =	vst v63  }
0x3ef: {  	s9 =	sadd.s32 $0x6E30, s1;
	s10 =	sor.u32 $0x20B0, s2  }
0x3f0: {  	[tilespmem:s9], [sflag:s0] =	stream.indirect.gather [hbm4b:s23+s16], $0x10, s10, s16, $0xb8;
	[tilespmem:$0x1B6B0] =	vst v63  }
.Ltmp7:
0x3f1: {  	s20 =	sadd.s32 $0x1, s20;
	(pc) =	sbr.rel .LBB3_6-.Ltmp7, $4  }
0x3f2: {  	p0 =	por !p0, !p0;
	s13 =	sadd.s32 $0x7630, s1;
	s29 =	sor.u32 $0x2130, s2  }
0x3f3: {  	[tilespmem:s13], [sflag:s0] =	stream.indirect.gather [hbm4b:s23+s16], $0x10, s29, s16, $0xb8;
	[tilespmem:$0x1B6B0] =	vst v63  }
0x3f4: {  	s12 =	sadd.s32 $0x80, s12;
	s1 =	sadd.s32 $0x7E30, s1;
	s2 =	sor.u32 $0x21B0, s2  }
0x3f5: {  	[tilespmem:s1], [sflag:s0] =	stream.indirect.gather [hbm4b:s23+s16], $0x10, s2, s16, $0xb8;
	[tilespmem:$0x1B6B0] =	vst v63  }
.LBB3_16:
0x3f6: {  	_ =	swait.ge [sflag:s22], $0x400  }
0x3f7: {  	[sflag:s22] =	ssyncset.done $0x0  }
0x3f8: {  	[sflag:s22] =	ssyncadd.s32 $0xFFFFFC00  }
0x3f9: {  	_ =	swait.ge [sflag:s26], $0x400  }
0x3fa: {  	[sflag:s26] =	ssyncset.done $0x0  }
0x3fb: {  	s7 =	rddreg [dreg:$0xc]  }
0x3fc: {  	s0 =	simm.s32 $0x1B;
	s9 =	simm.s32 $0x1A6B0;
	s8 =	rddreg [dreg:$0xd]  }
.LBB3_17:
0x3fd: {  	p0 =	sne.s32 s0, $0x1;
	s0 =	sadd.s32 $0xFFFFFFFF, s0;
	[sflag:s26] =	ssyncadd.s32 $0xFFFFFC00  }
.Ltmp8:
0x3fe: {  	_ =	swait.ge [sflag:s22], $0x400;
	(pc) =	sbr.rel @p0 .LBB3_17-.Ltmp8, $4  }
0x3ff: {  	[sflag:s22] =	ssyncset.done $0x0  }
0x400: {  	[sflag:s22] =	ssyncadd.s32 $0xFFFFFC00  }
0x401: {  	_ =	swait.ge [sflag:s26], $0x400  }
0x402: {  	[sflag:s26] =	ssyncset.done $0x0  }
0x403: {  	[sflag:s26] =	ssyncadd.s32 $0xFFFFFC00;
	s0 =	simm.s32 $0x0;
	s1 =	rddreg [dreg:$0x13]  }
.LBB3_19:
0x404: {  	s2 =	sshll.u32 s0, $0xC  }
0x405: {  	s2 =	sor.u32 s25, s2  }
0x406: {  	s2 =	sshrl.u32 s2, $0x3  }
0x407: {  	s3 =	sadd.s32 s7, s2  }
0x408: {  	[tilespmem:s28], [sflag:$0xA] =	stream.linear.gather [hbm4b:s3+s11], $0x80, $0x38;
	[tilespmem:$0x1B6B0] =	vst v63  }
0x409: {  	_ =	swait.ge [sflag:s15], $0x80  }
0x40a: {  	s4 =	simm.s32 $0x0;
	[sflag:s15] =	ssyncset.done $0x0  }
0x40b: {  	v33 =	vmov s4;
	[sflag:s15] =	ssyncadd.s32 $0xFFFFFF80  }
0x40c: {  	v33 =	vshrl.u32 v33, $0x3;
	[tilespmem:s9], [sflag:$0x1] =	stream.indirect.gather [hbm4b:s24+s16], $0x10, s28, s16, $0xb8;
	[tilespmem:$0x1B6B0] =	vst v63  }
0x40d: {  	v33 =	vshll.u32 v33, v1;
	_ =	swait.ge [sflag:s17], $0x800  }
0x40e: {  	v33 =	vbroadcast v33, $0x0;
	[sflag:s17] =	ssyncset.done $0x0  }
0x40f: {  	s3 =	simm.s32 $0x1A730;
	[sflag:s17] =	ssyncadd.s32 $0xFFFFF800  }
0x410: {  	s4 =	simm.s32 $0x1;
	v33 =	vor.u32 v0, v33;
	v34 =	vld [tilespmem:s3+$0xFFFFFF80]  }
0x411: {  	v35 =	vmov s4  }
0x412: {  	v35 =	vshrl.u32 v35, $0x3  }
0x413: {  	v35 =	vshll.u32 v35, v1  }
0x414: {  	v35 =	vbroadcast v35, $0x0  }
0x415: {  	[tilespmem:v33+s30+$0x0] =	vst.idx.msk $0xffff, v34  }
0x416: {  	s5 =	simm.s32 $0x2;
	v36 =	vadd.s32 v26, v35;
	v33 =	vld [tilespmem:s3+$0xFFFFFF90]  }
0x417: {  	v37 =	vmov s5  }
0x418: {  	v35 =	vshrl.u32 v37, $0x3  }
0x419: {  	v35 =	vshll.u32 v35, v1  }
0x41a: {  	v35 =	vbroadcast v35, $0x0  }
0x41b: {  	[tilespmem:v36+s30+$0x0] =	vst.idx.msk $0xffff, v33  }
0x41c: {  	s6 =	simm.s32 $0x3;
	v38 =	vadd.s32 v27, v35;
	v33 =	vld [tilespmem:s3+$0xFFFFFFA0]  }
0x41d: {  	v39 =	vmov s6  }
0x41e: {  	v35 =	vshrl.u32 v39, $0x3  }
0x41f: {  	v35 =	vshll.u32 v35, v1  }
0x420: {  	v35 =	vbroadcast v35, $0x0  }
0x421: {  	[tilespmem:v38+s30+$0x0] =	vst.idx.msk $0xffff, v33  }
0x422: {  	s10 =	simm.s32 $0x4;
	v40 =	vadd.s32 v28, v35;
	v33 =	vld [tilespmem:s3+$0xFFFFFFB0]  }
0x423: {  	v41 =	vmov s10  }
0x424: {  	v35 =	vshrl.u32 v41, $0x3  }
0x425: {  	v35 =	vshll.u32 v35, v1  }
0x426: {  	v35 =	vbroadcast v35, $0x0  }
0x427: {  	[tilespmem:v40+s30+$0x0] =	vst.idx.msk $0xffff, v33  }
0x428: {  	s12 =	simm.s32 $0x5;
	v42 =	vadd.s32 v29, v35;
	v33 =	vld [tilespmem:s3+$0xFFFFFFC0]  }
0x429: {  	v43 =	vmov s12  }
0x42a: {  	v35 =	vshrl.u32 v43, $0x3  }
0x42b: {  	v35 =	vshll.u32 v35, v1  }
0x42c: {  	v35 =	vbroadcast v35, $0x0  }
0x42d: {  	[tilespmem:v42+s30+$0x0] =	vst.idx.msk $0xffff, v33  }
0x42e: {  	s13 =	simm.s32 $0x6;
	v44 =	vadd.s32 v30, v35;
	v33 =	vld [tilespmem:s3+$0xFFFFFFD0]  }
0x42f: {  	v45 =	vmov s13  }
0x430: {  	v35 =	vshrl.u32 v45, $0x3  }
0x431: {  	v35 =	vshll.u32 v35, v1  }
0x432: {  	v35 =	vbroadcast v35, $0x0  }
0x433: {  	[tilespmem:v44+s30+$0x0] =	vst.idx.msk $0xffff, v33  }
0x434: {  	s20 =	simm.s32 $0x7;
	v46 =	vadd.s32 v31, v35;
	v33 =	vld [tilespmem:s3+$0xFFFFFFE0]  }
0x435: {  	v47 =	vmov s20  }
0x436: {  	v35 =	vshrl.u32 v47, $0x3  }
0x437: {  	v35 =	vshll.u32 v35, v1  }
0x438: {  	v35 =	vbroadcast v35, $0x0  }
0x439: {  	[tilespmem:v46+s30+$0x0] =	vst.idx.msk $0xffff, v33  }
0x43a: {  	s29 =	simm.s32 $0x8;
	v48 =	vadd.s32 v32, v35;
	v33 =	vld [tilespmem:s3+$0xFFFFFFF0]  }
0x43b: {  	v49 =	vmov s29  }
0x43c: {  	v35 =	vshrl.u32 v49, $0x3  }
0x43d: {  	v35 =	vshll.u32 v35, v1  }
0x43e: {  	v35 =	vbroadcast v35, $0x0  }
0x43f: {  	[tilespmem:v48+s30+$0x0] =	vst.idx.msk $0xffff, v33  }
0x440: {  	s5 =	simm.s32 $0x9;
	v50 =	vadd.s32 v0, v35;
	v33 =	vld [tilespmem:s3+$0x0]  }
0x441: {  	v51 =	vmov s5  }
0x442: {  	v35 =	vshrl.u32 v51, $0x3  }
0x443: {  	v35 =	vshll.u32 v35, v1  }
0x444: {  	v35 =	vbroadcast v35, $0x0  }
0x445: {  	[tilespmem:v50+s30+$0x0] =	vst.idx.msk $0xffff, v33  }
0x446: {  	s6 =	simm.s32 $0xA;
	v52 =	vadd.s32 v26, v35;
	v33 =	vld [tilespmem:s3+$0x10]  }
0x447: {  	v53 =	vmov s6  }
0x448: {  	v35 =	vshrl.u32 v53, $0x3  }
0x449: {  	v35 =	vshll.u32 v35, v1  }
0x44a: {  	v35 =	vbroadcast v35, $0x0  }
0x44b: {  	[tilespmem:v52+s30+$0x0] =	vst.idx.msk $0xffff, v33  }
0x44c: {  	s10 =	simm.s32 $0xB;
	v54 =	vadd.s32 v27, v35;
	v33 =	vld [tilespmem:s3+$0x20]  }
0x44d: {  	v55 =	vmov s10  }
0x44e: {  	v35 =	vshrl.u32 v55, $0x3  }
0x44f: {  	v35 =	vshll.u32 v35, v1  }
0x450: {  	v35 =	vbroadcast v35, $0x0  }
0x451: {  	[tilespmem:v54+s30+$0x0] =	vst.idx.msk $0xffff, v33  }
0x452: {  	s12 =	simm.s32 $0xC;
	v56 =	vadd.s32 v28, v35;
	v33 =	vld [tilespmem:s3+$0x30]  }
0x453: {  	v57 =	vmov s12  }
0x454: {  	v35 =	vshrl.u32 v57, $0x3  }
0x455: {  	v35 =	vshll.u32 v35, v1  }
0x456: {  	v35 =	vbroadcast v35, $0x0  }
0x457: {  	[tilespmem:v56+s30+$0x0] =	vst.idx.msk $0xffff, v33  }
0x458: {  	s13 =	simm.s32 $0xD;
	v58 =	vadd.s32 v29, v35;
	v33 =	vld [tilespmem:s3+$0x40]  }
0x459: {  	v59 =	vmov s13  }
0x45a: {  	v35 =	vshrl.u32 v59, $0x3  }
0x45b: {  	v35 =	vshll.u32 v35, v1  }
0x45c: {  	v35 =	vbroadcast v35, $0x0  }
0x45d: {  	[tilespmem:v58+s30+$0x0] =	vst.idx.msk $0xffff, v33  }
0x45e: {  	s20 =	simm.s32 $0xE;
	v60 =	vadd.s32 v30, v35;
	v33 =	vld [tilespmem:s3+$0x50]  }
0x45f: {  	v61 =	vmov s20  }
0x460: {  	v35 =	vshrl.u32 v61, $0x3  }
0x461: {  	v35 =	vshll.u32 v35, v1  }
0x462: {  	v35 =	vbroadcast v35, $0x0  }
0x463: {  	[tilespmem:v60+s30+$0x0] =	vst.idx.msk $0xffff, v33  }
0x464: {  	s29 =	simm.s32 $0xF;
	v62 =	vadd.s32 v31, v35;
	v33 =	vld [tilespmem:s3+$0x60]  }
0x465: {  	v63 =	vmov s29  }
0x466: {  	v35 =	vshrl.u32 v63, $0x3  }
0x467: {  	v35 =	vshll.u32 v35, v1  }
0x468: {  	v35 =	vbroadcast v35, $0x0  }
0x469: {  	[tilespmem:v62+s30+$0x0] =	vst.idx.msk $0xffff, v33  }
0x46a: {  	s5 =	simm.s32 $0x1F;
	s6 =	simm.s32 $0x10;
	s4 =	simm.s32 $0x2F;
	v34 =	vadd.s32 v32, v35;
	v33 =	vld [tilespmem:s3+$0x70]  }
.LBB3_20:
0x46b: {  	p0 =	sne.s32 s4, $0x7F;
	v35 =	vmov s6  }
0x46c: {  	v35 =	vshrl.u32 v35, $0x3  }
0x46d: {  	v35 =	vshll.u32 v35, v1  }
0x46e: {  	v35 =	vbroadcast v35, $0x0  }
0x46f: {  	s3 =	sadd.s32 $0x100, s3;
	[tilespmem:v34+s30+$0x0] =	vst.idx.msk $0xffff, v33  }
0x470: {  	s6 =	sadd.s32 $0xFFFFFFF2, s5;
	v33 =	vld [tilespmem:s3+$0xFFFFFF80];
	v34 =	vor.u32 v0, v35  }
0x471: {  	v35 =	vmov s6  }
0x472: {  	v35 =	vshrl.u32 v35, $0x3  }
0x473: {  	v35 =	vshll.u32 v35, v1  }
0x474: {  	v35 =	vbroadcast v35, $0x0  }
0x475: {  	[tilespmem:v34+s30+$0x0] =	vst.idx.msk $0xffff, v33  }
0x476: {  	s6 =	sadd.s32 $0xFFFFFFF3, s5;
	v34 =	vadd.s32 v26, v35;
	v33 =	vld [tilespmem:s3+$0xFFFFFF90]  }
0x477: {  	v35 =	vmov s6  }
0x478: {  	v35 =	vshrl.u32 v35, $0x3  }
0x479: {  	v35 =	vshll.u32 v35, v1  }
0x47a: {  	v35 =	vbroadcast v35, $0x0  }
0x47b: {  	[tilespmem:v34+s30+$0x0] =	vst.idx.msk $0xffff, v33  }
0x47c: {  	s6 =	sadd.s32 $0xFFFFFFF4, s5;
	v34 =	vadd.s32 v27, v35;
	v33 =	vld [tilespmem:s3+$0xFFFFFFA0]  }
0x47d: {  	v35 =	vmov s6  }
0x47e: {  	v35 =	vshrl.u32 v35, $0x3  }
0x47f: {  	v35 =	vshll.u32 v35, v1  }
0x480: {  	v35 =	vbroadcast v35, $0x0  }
0x481: {  	[tilespmem:v34+s30+$0x0] =	vst.idx.msk $0xffff, v33  }
0x482: {  	s6 =	sadd.s32 $0xFFFFFFF5, s5;
	v34 =	vadd.s32 v28, v35;
	v33 =	vld [tilespmem:s3+$0xFFFFFFB0]  }
0x483: {  	v35 =	vmov s6  }
0x484: {  	v35 =	vshrl.u32 v35, $0x3  }
0x485: {  	v35 =	vshll.u32 v35, v1  }
0x486: {  	v35 =	vbroadcast v35, $0x0  }
0x487: {  	[tilespmem:v34+s30+$0x0] =	vst.idx.msk $0xffff, v33  }
0x488: {  	s6 =	sadd.s32 $0xFFFFFFF6, s5;
	v34 =	vadd.s32 v29, v35;
	v33 =	vld [tilespmem:s3+$0xFFFFFFC0]  }
0x489: {  	v35 =	vmov s6  }
0x48a: {  	v35 =	vshrl.u32 v35, $0x3  }
0x48b: {  	v35 =	vshll.u32 v35, v1  }
0x48c: {  	v35 =	vbroadcast v35, $0x0  }
0x48d: {  	[tilespmem:v34+s30+$0x0] =	vst.idx.msk $0xffff, v33  }
0x48e: {  	s6 =	sadd.s32 $0xFFFFFFF7, s5;
	v34 =	vadd.s32 v30, v35;
	v33 =	vld [tilespmem:s3+$0xFFFFFFD0]  }
0x48f: {  	v35 =	vmov s6  }
0x490: {  	v35 =	vshrl.u32 v35, $0x3  }
0x491: {  	v35 =	vshll.u32 v35, v1  }
0x492: {  	v35 =	vbroadcast v35, $0x0  }
0x493: {  	[tilespmem:v34+s30+$0x0] =	vst.idx.msk $0xffff, v33  }
0x494: {  	s6 =	sadd.s32 $0xFFFFFFF8, s5;
	v34 =	vadd.s32 v31, v35;
	v33 =	vld [tilespmem:s3+$0xFFFFFFE0]  }
0x495: {  	v35 =	vmov s6  }
0x496: {  	v35 =	vshrl.u32 v35, $0x3  }
0x497: {  	v35 =	vshll.u32 v35, v1  }
0x498: {  	v35 =	vbroadcast v35, $0x0  }
0x499: {  	[tilespmem:v34+s30+$0x0] =	vst.idx.msk $0xffff, v33  }
0x49a: {  	s6 =	sadd.s32 $0xFFFFFFF9, s5;
	v34 =	vadd.s32 v32, v35;
	v33 =	vld [tilespmem:s3+$0xFFFFFFF0]  }
0x49b: {  	v35 =	vmov s6  }
0x49c: {  	v35 =	vshrl.u32 v35, $0x3  }
0x49d: {  	v35 =	vshll.u32 v35, v1  }
0x49e: {  	v35 =	vbroadcast v35, $0x0  }
0x49f: {  	[tilespmem:v34+s30+$0x0] =	vst.idx.msk $0xffff, v33  }
0x4a0: {  	s6 =	sadd.s32 $0xFFFFFFFA, s5;
	v34 =	vadd.s32 v0, v35;
	v33 =	vld [tilespmem:s3+$0x0]  }
0x4a1: {  	v35 =	vmov s6  }
0x4a2: {  	v35 =	vshrl.u32 v35, $0x3  }
0x4a3: {  	v35 =	vshll.u32 v35, v1  }
0x4a4: {  	v35 =	vbroadcast v35, $0x0  }
0x4a5: {  	[tilespmem:v34+s30+$0x0] =	vst.idx.msk $0xffff, v33  }
0x4a6: {  	s6 =	sadd.s32 $0xFFFFFFFB, s5;
	v34 =	vadd.s32 v26, v35;
	v33 =	vld [tilespmem:s3+$0x10]  }
0x4a7: {  	v35 =	vmov s6  }
0x4a8: {  	v35 =	vshrl.u32 v35, $0x3  }
0x4a9: {  	v35 =	vshll.u32 v35, v1  }
0x4aa: {  	v35 =	vbroadcast v35, $0x0  }
0x4ab: {  	[tilespmem:v34+s30+$0x0] =	vst.idx.msk $0xffff, v33  }
0x4ac: {  	s6 =	sadd.s32 $0xFFFFFFFC, s5;
	v34 =	vadd.s32 v27, v35;
	v33 =	vld [tilespmem:s3+$0x20]  }
0x4ad: {  	v35 =	vmov s6  }
0x4ae: {  	v35 =	vshrl.u32 v35, $0x3  }
0x4af: {  	v35 =	vshll.u32 v35, v1  }
0x4b0: {  	v35 =	vbroadcast v35, $0x0  }
0x4b1: {  	[tilespmem:v34+s30+$0x0] =	vst.idx.msk $0xffff, v33  }
0x4b2: {  	s6 =	sadd.s32 $0xFFFFFFFD, s5;
	v34 =	vadd.s32 v28, v35;
	v33 =	vld [tilespmem:s3+$0x30]  }
0x4b3: {  	v35 =	vmov s6  }
0x4b4: {  	v35 =	vshrl.u32 v35, $0x3  }
0x4b5: {  	v35 =	vshll.u32 v35, v1  }
0x4b6: {  	v35 =	vbroadcast v35, $0x0  }
0x4b7: {  	[tilespmem:v34+s30+$0x0] =	vst.idx.msk $0xffff, v33  }
0x4b8: {  	s6 =	sadd.s32 $0xFFFFFFFE, s5;
	v34 =	vadd.s32 v29, v35;
	v33 =	vld [tilespmem:s3+$0x40]  }
0x4b9: {  	v35 =	vmov s6  }
0x4ba: {  	v35 =	vshrl.u32 v35, $0x3  }
0x4bb: {  	v35 =	vshll.u32 v35, v1  }
0x4bc: {  	v35 =	vbroadcast v35, $0x0  }
0x4bd: {  	[tilespmem:v34+s30+$0x0] =	vst.idx.msk $0xffff, v33  }
0x4be: {  	s6 =	sadd.s32 $0xFFFFFFFF, s5;
	v34 =	vadd.s32 v30, v35;
	v33 =	vld [tilespmem:s3+$0x50]  }
0x4bf: {  	v35 =	vmov s6  }
0x4c0: {  	v35 =	vshrl.u32 v35, $0x3  }
0x4c1: {  	v35 =	vshll.u32 v35, v1  }
0x4c2: {  	v35 =	vbroadcast v35, $0x0  }
0x4c3: {  	[tilespmem:v34+s30+$0x0] =	vst.idx.msk $0xffff, v33  }
0x4c4: {  	v34 =	vadd.s32 v31, v35;
	v33 =	vld [tilespmem:s3+$0x60]  }
0x4c5: {  	v35 =	vmov s5;
	s5 =	smov.u32 s4  }
.Ltmp9:
0x4c6: {  	v35 =	vshrl.u32 v35, $0x3;
	(pc) =	sbr.rel @p0 .LBB3_20-.Ltmp9, $4  }
0x4c7: {  	v35 =	vshll.u32 v35, v1  }
0x4c8: {  	v35 =	vbroadcast v35, $0x0  }
0x4c9: {  	[tilespmem:v34+s30+$0x0] =	vst.idx.msk $0xffff, v33  }
0x4ca: {  	s4 =	sadd.s32 $0x10, s4;
	s6 =	sadd.s32 $0xFFFFFFF1, s5;
	v34 =	vadd.s32 v32, v35;
	v33 =	vld [tilespmem:s3+$0x70]  }
0x4cb: {  	v35 =	vmov s6  }
0x4cc: {  	v35 =	vshrl.u32 v35, $0x3  }
0x4cd: {  	v35 =	vshll.u32 v35, v1  }
0x4ce: {  	v35 =	vbroadcast v35, $0x0  }
0x4cf: {  	s3 =	sadd.s32 $0x100, s3;
	[tilespmem:v34+s30+$0x0] =	vst.idx.msk $0xffff, v33  }
0x4d0: {  	s4 =	sadd.s32 $0xFFFFFFF2, s5;
	v33 =	vld [tilespmem:s3+$0xFFFFFF80];
	v61 =	vor.u32 v0, v35  }
0x4d1: {  	v62 =	vmov s4  }
0x4d2: {  	v35 =	vshrl.u32 v62, $0x3  }
0x4d3: {  	v35 =	vshll.u32 v35, v1  }
0x4d4: {  	v35 =	vbroadcast v35, $0x0  }
0x4d5: {  	[tilespmem:v61+s30+$0x0] =	vst.idx.msk $0xffff, v33  }
0x4d6: {  	s20 =	sadd.s32 $0xFFFFFFF3, s5;
	v63 =	vadd.s32 v26, v35;
	v33 =	vld [tilespmem:s3+$0xFFFFFF90]  }
0x4d7: {  	v36 =	vmov s20  }
0x4d8: {  	v35 =	vshrl.u32 v36, $0x3  }
0x4d9: {  	v35 =	vshll.u32 v35, v1  }
0x4da: {  	v35 =	vbroadcast v35, $0x0  }
0x4db: {  	[tilespmem:v63+s30+$0x0] =	vst.idx.msk $0xffff, v33  }
0x4dc: {  	s29 =	sadd.s32 $0xFFFFFFF4, s5;
	v37 =	vadd.s32 v27, v35;
	v33 =	vld [tilespmem:s3+$0xFFFFFFA0]  }
0x4dd: {  	v38 =	vmov s29  }
0x4de: {  	v35 =	vshrl.u32 v38, $0x3  }
0x4df: {  	v35 =	vshll.u32 v35, v1  }
0x4e0: {  	v35 =	vbroadcast v35, $0x0  }
0x4e1: {  	[tilespmem:v37+s30+$0x0] =	vst.idx.msk $0xffff, v33  }
0x4e2: {  	s6 =	sadd.s32 $0xFFFFFFF5, s5;
	v39 =	vadd.s32 v28, v35;
	v33 =	vld [tilespmem:s3+$0xFFFFFFB0]  }
0x4e3: {  	v40 =	vmov s6  }
0x4e4: {  	v35 =	vshrl.u32 v40, $0x3  }
0x4e5: {  	v35 =	vshll.u32 v35, v1  }
0x4e6: {  	v35 =	vbroadcast v35, $0x0  }
0x4e7: {  	[tilespmem:v39+s30+$0x0] =	vst.idx.msk $0xffff, v33  }
0x4e8: {  	s10 =	sadd.s32 $0xFFFFFFF6, s5;
	v41 =	vadd.s32 v29, v35;
	v33 =	vld [tilespmem:s3+$0xFFFFFFC0]  }
0x4e9: {  	v42 =	vmov s10  }
0x4ea: {  	v35 =	vshrl.u32 v42, $0x3  }
0x4eb: {  	v35 =	vshll.u32 v35, v1  }
0x4ec: {  	v35 =	vbroadcast v35, $0x0  }
0x4ed: {  	[tilespmem:v41+s30+$0x0] =	vst.idx.msk $0xffff, v33  }
0x4ee: {  	s12 =	sadd.s32 $0xFFFFFFF7, s5;
	v43 =	vadd.s32 v30, v35;
	v33 =	vld [tilespmem:s3+$0xFFFFFFD0]  }
0x4ef: {  	v44 =	vmov s12  }
0x4f0: {  	v35 =	vshrl.u32 v44, $0x3  }
0x4f1: {  	v35 =	vshll.u32 v35, v1  }
0x4f2: {  	v35 =	vbroadcast v35, $0x0  }
0x4f3: {  	[tilespmem:v43+s30+$0x0] =	vst.idx.msk $0xffff, v33  }
0x4f4: {  	s13 =	sadd.s32 $0xFFFFFFF8, s5;
	v45 =	vadd.s32 v31, v35;
	v33 =	vld [tilespmem:s3+$0xFFFFFFE0]  }
0x4f5: {  	v46 =	vmov s13  }
0x4f6: {  	v35 =	vshrl.u32 v46, $0x3  }
0x4f7: {  	v35 =	vshll.u32 v35, v1  }
0x4f8: {  	v35 =	vbroadcast v35, $0x0  }
0x4f9: {  	[tilespmem:v45+s30+$0x0] =	vst.idx.msk $0xffff, v33  }
0x4fa: {  	s20 =	sadd.s32 $0xFFFFFFF9, s5;
	v47 =	vadd.s32 v32, v35;
	v33 =	vld [tilespmem:s3+$0xFFFFFFF0]  }
0x4fb: {  	v48 =	vmov s20  }
0x4fc: {  	v35 =	vshrl.u32 v48, $0x3  }
0x4fd: {  	v35 =	vshll.u32 v35, v1  }
0x4fe: {  	v35 =	vbroadcast v35, $0x0  }
0x4ff: {  	[tilespmem:v47+s30+$0x0] =	vst.idx.msk $0xffff, v33  }
0x500: {  	s29 =	sadd.s32 $0xFFFFFFFA, s5;
	v49 =	vadd.s32 v0, v35;
	v33 =	vld [tilespmem:s3+$0x0]  }
0x501: {  	v50 =	vmov s29  }
0x502: {  	v35 =	vshrl.u32 v50, $0x3  }
0x503: {  	v35 =	vshll.u32 v35, v1  }
0x504: {  	v35 =	vbroadcast v35, $0x0  }
0x505: {  	[tilespmem:v49+s30+$0x0] =	vst.idx.msk $0xffff, v33  }
0x506: {  	s6 =	sadd.s32 $0xFFFFFFFB, s5;
	v51 =	vadd.s32 v26, v35;
	v33 =	vld [tilespmem:s3+$0x10]  }
0x507: {  	v52 =	vmov s6  }
0x508: {  	v35 =	vshrl.u32 v52, $0x3  }
0x509: {  	v35 =	vshll.u32 v35, v1  }
0x50a: {  	v35 =	vbroadcast v35, $0x0  }
0x50b: {  	[tilespmem:v51+s30+$0x0] =	vst.idx.msk $0xffff, v33  }
0x50c: {  	s10 =	sadd.s32 $0xFFFFFFFC, s5;
	v53 =	vadd.s32 v27, v35;
	v33 =	vld [tilespmem:s3+$0x20]  }
0x50d: {  	v54 =	vmov s10  }
0x50e: {  	v35 =	vshrl.u32 v54, $0x3  }
0x50f: {  	v35 =	vshll.u32 v35, v1  }
0x510: {  	v35 =	vbroadcast v35, $0x0  }
0x511: {  	[tilespmem:v53+s30+$0x0] =	vst.idx.msk $0xffff, v33  }
0x512: {  	s12 =	sadd.s32 $0xFFFFFFFD, s5;
	v55 =	vadd.s32 v28, v35;
	v33 =	vld [tilespmem:s3+$0x30]  }
0x513: {  	v56 =	vmov s12  }
0x514: {  	v35 =	vshrl.u32 v56, $0x3  }
0x515: {  	v35 =	vshll.u32 v35, v1  }
0x516: {  	v35 =	vbroadcast v35, $0x0  }
0x517: {  	[tilespmem:v55+s30+$0x0] =	vst.idx.msk $0xffff, v33  }
0x518: {  	s13 =	sadd.s32 $0xFFFFFFFE, s5;
	v57 =	vadd.s32 v29, v35;
	v33 =	vld [tilespmem:s3+$0x40]  }
0x519: {  	v58 =	vmov s13  }
0x51a: {  	v35 =	vshrl.u32 v58, $0x3  }
0x51b: {  	v35 =	vshll.u32 v35, v1  }
0x51c: {  	v35 =	vbroadcast v35, $0x0  }
0x51d: {  	[tilespmem:v57+s30+$0x0] =	vst.idx.msk $0xffff, v33  }
0x51e: {  	s20 =	sadd.s32 $0xFFFFFFFF, s5;
	v59 =	vadd.s32 v30, v35;
	v33 =	vld [tilespmem:s3+$0x50]  }
0x51f: {  	v60 =	vmov s20  }
0x520: {  	v35 =	vshrl.u32 v60, $0x3  }
0x521: {  	v35 =	vshll.u32 v35, v1  }
0x522: {  	v35 =	vbroadcast v35, $0x0  }
0x523: {  	[tilespmem:v59+s30+$0x0] =	vst.idx.msk $0xffff, v33  }
0x524: {  	v61 =	vadd.s32 v31, v35;
	v33 =	vld [tilespmem:s3+$0x60]  }
0x525: {  	v62 =	vmov s5  }
0x526: {  	v35 =	vshrl.u32 v62, $0x3  }
0x527: {  	v35 =	vshll.u32 v35, v1  }
0x528: {  	v35 =	vbroadcast v35, $0x0  }
0x529: {  	[tilespmem:v61+s30+$0x0] =	vst.idx.msk $0xffff, v33  }
0x52a: {  	v63 =	vadd.s32 v32, v35;
	v33 =	vld [tilespmem:s3+$0x70];
	_ =	sdelay $0x4  }
0x52b: {  	s2 =	sadd.s32 s8, s2;
	s29 =	simm.s32 $0x0;
	[tilespmem:v63+s30+$0x0] =	vst.idx.msk $0xffff, v33  }
0x52c: {  	[tilespmem:s31], [sflag:$0x1] =	stream.linear.gather [hbm4b:s2+s29], $0x80, $0x38;
	[tilespmem:$0x1B6B0] =	vst v63  }
0x52d: {  	_ =	swait.ge [sflag:s17], $0x80  }
0x52e: {  	s4 =	simm.s32 $0x1AEB0;
	[sflag:s17] =	ssyncset.done $0x0  }
0x52f: {  	s3 =	sadd.s32 $0x0, s1;
	s2 =	simm.s32 $0x200;
	[sflag:s17] =	ssyncadd.s32 $0xFFFFFF80  }
.LBB3_22:
0x530: {  	[hbm4b:s3+s11] =	stream.linear.scatter [tilespmem:s4], [sflag:$0x1], $0x80, $0x38;
	[tilespmem:$0x1B6B0] =	vst v63  }
0x531: {  	s3 =	smov.u32 s2;
	p0 =	sne.s32 s2, $0x1E00  }
.Ltmp10:
0x532: {  	s2 =	sadd.s32 $0x200, s2;
	(pc) =	sbr.rel @p0 .LBB3_22-.Ltmp10, $3  }
0x533: {  	_ =	sdelay $0x1  }
0x534: {  	s4 =	sshra.s32 s3, $0x2  }
0x535: {  	s3 =	sadd.s32 s3, s1;
	s4 =	sadd.s32 $0x1AEB0, s4  }
0x536: {  	[hbm4b:s3+s11] =	stream.linear.scatter [tilespmem:s4], [sflag:$0x1], $0x80, $0x38;
	[tilespmem:$0x1B6B0] =	vst v63  }
0x537: {  	_ =	swait.ge [sflag:s17], $0x80  }
0x538: {  	[sflag:s17] =	ssyncset.done $0x0  }
0x539: {  	[sflag:s17] =	ssyncadd.s32 $0xFFFFFF80  }
0x53a: {  	_ =	swait.ge [sflag:s17], $0x80  }
0x53b: {  	[sflag:s17] =	ssyncset.done $0x0  }
0x53c: {  	[sflag:s17] =	ssyncadd.s32 $0xFFFFFF80  }
0x53d: {  	_ =	swait.ge [sflag:s17], $0x80  }
0x53e: {  	[sflag:s17] =	ssyncset.done $0x0  }
0x53f: {  	[sflag:s17] =	ssyncadd.s32 $0xFFFFFF80  }
0x540: {  	_ =	swait.ge [sflag:s17], $0x80  }
0x541: {  	[sflag:s17] =	ssyncset.done $0x0  }
0x542: {  	[sflag:s17] =	ssyncadd.s32 $0xFFFFFF80  }
0x543: {  	_ =	swait.ge [sflag:s17], $0x80  }
0x544: {  	[sflag:s17] =	ssyncset.done $0x0  }
0x545: {  	[sflag:s17] =	ssyncadd.s32 $0xFFFFFF80  }
0x546: {  	_ =	swait.ge [sflag:s17], $0x80  }
0x547: {  	[sflag:s17] =	ssyncset.done $0x0  }
0x548: {  	[sflag:s17] =	ssyncadd.s32 $0xFFFFFF80  }
0x549: {  	_ =	swait.ge [sflag:s17], $0x80  }
0x54a: {  	[sflag:s17] =	ssyncset.done $0x0  }
0x54b: {  	[sflag:s17] =	ssyncadd.s32 $0xFFFFFF80  }
0x54c: {  	_ =	swait.ge [sflag:s17], $0x80  }
0x54d: {  	[sflag:s17] =	ssyncset.done $0x0  }
0x54e: {  	[sflag:s17] =	ssyncadd.s32 $0xFFFFFF80  }
0x54f: {  	_ =	swait.ge [sflag:s17], $0x80  }
0x550: {  	[sflag:s17] =	ssyncset.done $0x0  }
0x551: {  	[sflag:s17] =	ssyncadd.s32 $0xFFFFFF80  }
0x552: {  	_ =	swait.ge [sflag:s17], $0x80  }
0x553: {  	[sflag:s17] =	ssyncset.done $0x0  }
0x554: {  	[sflag:s17] =	ssyncadd.s32 $0xFFFFFF80  }
0x555: {  	_ =	swait.ge [sflag:s17], $0x80  }
0x556: {  	[sflag:s17] =	ssyncset.done $0x0  }
0x557: {  	[sflag:s17] =	ssyncadd.s32 $0xFFFFFF80  }
0x558: {  	_ =	swait.ge [sflag:s17], $0x80  }
0x559: {  	[sflag:s17] =	ssyncset.done $0x0  }
0x55a: {  	[sflag:s17] =	ssyncadd.s32 $0xFFFFFF80  }
0x55b: {  	_ =	swait.ge [sflag:s17], $0x80  }
0x55c: {  	[sflag:s17] =	ssyncset.done $0x0  }
0x55d: {  	[sflag:s17] =	ssyncadd.s32 $0xFFFFFF80  }
0x55e: {  	_ =	swait.ge [sflag:s17], $0x80  }
0x55f: {  	[sflag:s17] =	ssyncset.done $0x0  }
0x560: {  	s0 =	sadd.s32 $0x1, s0;
	[sflag:s17] =	ssyncadd.s32 $0xFFFFFF80  }
0x561: {  	p0 =	sne.s32 s0, $0x32;
	_ =	swait.ge [sflag:s17], $0x80  }
.Ltmp11:
0x562: {  	[sflag:s17] =	ssyncset.done $0x0;
	(pc) =	sbr.rel @p0 .LBB3_19-.Ltmp11, $4  }
0x563: {  	[sflag:s17] =	ssyncadd.s32 $0xFFFFFF80  }
0x564: {  	_ =	swait.ge [sflag:s17], $0x80  }
0x565: {  	[sflag:s17] =	ssyncset.done $0x0  }
0x566: {  	s1 =	sadd.s32 $0x2000, s1;
	[sflag:s17] =	ssyncadd.s32 $0xFFFFFF80  }
0x567: {  	s1 =	rddreg [dreg:$0x1d]  }
0x568: {  	s0 =	rddreg [dreg:$0x1b];
	s1 =	sadd.s32 $0x1, s1  }
0x569: {  	p0 =	sne.s32 s1, s0  }
.Ltmp12:
0x56a: {  	_ = 	snop;
	(pc) =	sbr.rel @p0 .LBB3_1-.Ltmp12, $1  }
0x56b: {  	_ =	sdelay $0x3  }
0x56c: {  	_ =	sfence.sel $0x180000  }
0x56d: {  	[bflag:$0x0] =	sbarrier.arrive $0xFFFF  }
0x56e: {  	_ =	strace $0x90000047  }
0x56f: {  	s0 =	stileid.u32;
	[bflag:$0x2] =	sbarrier.arrive $0xFFFF  }
0x570: {  	p0 =	sne.s32 s0, $0x0;
	s0 =	rddreg [dreg:$0xe]  }
0x571: {  	s0 =	sadd.s32 @!p0 $0x100000, s0  }
0x572: {  	[sflag:s0] =	ssyncadd.tile.s32 @!p0 $0x1;
	_ =	shalt  }
.Lfunc_end3:
_tile_overlayer_lowered:
.L_overlay_start_3:
0x573: {  	(tag) =	ssettag $0x3  }
0x574: {  	s0 =	rddreg [dreg:$0x0];
	s2 =	stileid.u32  }
0x575: {  	s1 =	rddreg [dreg:$0x1];
	p0 =	sne.s32 s2, $0x0  }
0x576: {  	s3 =	rddreg [dreg:$0x2];
	[bflag:$0x3] =	sbarrier.arrive $0xFFFF;
	s2 =	simm.s32 @!p0 $0x1C0A  }
0x577: {  	[timem:s3], [sflag:s2] =	dma.local @!p0 [hbm:s0], s1  }
0x578: {  	s0 =	simm.s32 @!p0 $0xA  }
0x579: {  	_ =	swait.ge @!p0 [sflag:s0], s1  }
0x57a: {  	s1 =	ssub.s32 @!p0 $0x0, s1;
	[sflag:s0] =	ssyncset.done @!p0 $0x0  }
0x57b: {  	[sflag:s0] =	ssyncadd.s32 @!p0 s1  }
0x57c: {  	[bflag:$0x3] =	sbarrier.arrive $0xFFFF  }
0x57d: {  	_ =	shalt  }

</sc_bundles>
